<compile_context>
chip_gen: v7x
topology: tpu7x:2x2x1
jax: 0.10.2.dev20260603
libtpu: 0.0.44.dev20260713+nightly
codegen_flags: <defaults>
</compile_context>

<pallas_src>
import functools

import jax
import jax.numpy as jnp
from jax import lax
from jax.experimental import pallas as pl
from jax.experimental.pallas import tpu as pltpu
from jax.experimental.pallas import tpu_sc as plsc

_NC = 2
_NS = 16


def _relu(v):
    return jnp.maximum(v, 0.0)


def _dot(a, b):
    return jnp.dot(a, b, preferred_element_type=jnp.float32)


def _seg_dot(a, b):
    return lax.dot_general(a, b, (((0,), (0,)), ((), ())),
                           preferred_element_type=jnp.float32)


def kernel(x, edge_index, edge_attr, u, batch,
           We0, be0, We1, be1, We2, be2,
           Wn0, bn0, Wn1, bn1, Wn2, bn2,
           Wg0, bg0, Wg1, bg1, Wg2, bg2):
    N, D = x.shape
    E = edge_attr.shape[0]
    B = u.shape[0]
    row, col = edge_index[0], edge_index[1]

    Wa, Wb, Wc, Wd = We0[:D], We0[D:2 * D], We0[2 * D:3 * D], We0[3 * D:]
    Wn0a, Wn0b, Wn0u = Wn0[:D], Wn0[D:2 * D], Wn0[2 * D:]
    Wg0e, Wg0v, Wg0u = Wg0[:D], Wg0[D:2 * D], Wg0[2 * D:]

    NB = 2000
    nb = N // NB
    batch3 = batch.reshape(nb, 1, NB)

    def onehot_t(b_row):
        return (b_row == lax.broadcasted_iota(jnp.int32, (B, NB), 0)
                ).astype(jnp.float32)

    def prep_body(x_ref, b_ref, u_ref, wa_ref, wb_ref, wd_ref, be0_ref,
                  xa_ref, xb_ref):
        xblk = x_ref[...]
        oh_t = onehot_t(b_ref[0])
        up = _dot(u_ref[...], wd_ref[...])
        xa_ref[...] = (_dot(xblk, wa_ref[...]) + _seg_dot(oh_t, up)
                       + be0_ref[...])
        xb_ref[...] = _dot(xblk, wb_ref[...])

    xa, xb = pl.pallas_call(
        prep_body,
        grid=(nb,),
        in_specs=[
            pl.BlockSpec((NB, D), lambda i: (i, 0)),
            pl.BlockSpec((1, 1, NB), lambda i: (i, 0, 0)),
            pl.BlockSpec((B, D), lambda i: (0, 0)),
            pl.BlockSpec((D, D), lambda i: (0, 0)),
            pl.BlockSpec((D, D), lambda i: (0, 0)),
            pl.BlockSpec((D, D), lambda i: (0, 0)),
            pl.BlockSpec((1, D), lambda i: (0, 0)),
        ],
        out_specs=[pl.BlockSpec((NB, D), lambda i: (i, 0)),
                   pl.BlockSpec((NB, D), lambda i: (i, 0))],
        out_shape=[jax.ShapeDtypeStruct((N, D), jnp.float32),
                   jax.ShapeDtypeStruct((N, D), jnp.float32)],
    )(x, batch3, u, Wa, Wb, Wd, be0.reshape(1, D))

    mesh = plsc.VectorSubcoreMesh(core_axis_name="c", subcore_axis_name="s",
                                  num_cores=_NC, num_subcores=_NS)
    CH = 200
    per_w = E // (_NC * _NS)
    NCHG = per_w // CH

    @functools.partial(
        pl.kernel,
        out_type=jax.ShapeDtypeStruct((E, D), jnp.float32),
        mesh=mesh,
        scratch_types=[
            [pltpu.VMEM((CH,), jnp.int32)] * 2,
            [pltpu.VMEM((CH,), jnp.int32)] * 2,
            [pltpu.VMEM((CH, D), jnp.float32)] * 2,
            [pltpu.VMEM((CH, D), jnp.float32)] * 2,
            [pltpu.SemaphoreType.DMA] * 2,
            [pltpu.SemaphoreType.DMA] * 2,
        ],
    )
    def gather_k(xa_h, xb_h, row_h, col_h, out_h,
                 idxr, idxc, bufa, bufb, sema, semb):
        wid = lax.axis_index("s") * _NC + lax.axis_index("c")
        base = wid * per_w

        def start(i, p):
            off = base + i * CH
            pltpu.sync_copy(row_h.at[pl.ds(off, CH)], idxr[p])
            pltpu.sync_copy(col_h.at[pl.ds(off, CH)], idxc[p])
            pltpu.async_copy(xa_h.at[idxr[p]], bufa[p], sema[p])
            pltpu.async_copy(xb_h.at[idxc[p]], bufb[p], semb[p])

        def finish(i, p):
            pltpu.make_async_copy(xa_h.at[idxr[p]], bufa[p], sema[p]).wait()
            pltpu.make_async_copy(xb_h.at[idxc[p]], bufb[p], semb[p]).wait()

            def addrow(j, c2):
                for k in range(D // 16):
                    sl = pl.ds(k * 16, 16)
                    bufa[p][j, sl] = bufa[p][j, sl] + bufb[p][j, sl]
                return c2

            lax.fori_loop(0, CH, addrow, 0)
            pltpu.sync_copy(bufa[p], out_h.at[pl.ds(base + i * CH, CH)])

        start(0, 0)

        def chunk(i, c):
            @pl.when(lax.rem(i, 2) == 0)
            def _():
                @pl.when(i + 1 < NCHG)
                def _():
                    start(i + 1, 1)
                finish(i, 0)

            @pl.when(lax.rem(i, 2) == 1)
            def _():
                @pl.when(i + 1 < NCHG)
                def _():
                    start(i + 1, 0)
                finish(i, 1)

            return c

        lax.fori_loop(0, NCHG, chunk, 0)

    g = gather_k(xa, xb, row, col)

    EB = 8000
    ne = E // EB

    def edge_body(g_ref, ea_ref, wc_ref, w1_ref, w2_ref, b1_ref, b2_ref,
                  out_ref):
        h = _relu(g_ref[...] + _dot(ea_ref[...], wc_ref[...]))
        h = _relu(_dot(h, w1_ref[...]) + b1_ref[...])
        out_ref[...] = _relu(_dot(h, w2_ref[...]) + b2_ref[...])

    e_out = pl.pallas_call(
        edge_body,
        grid=(ne,),
        in_specs=[
            pl.BlockSpec((EB, D), lambda i: (i, 0)),
            pl.BlockSpec((EB, D), lambda i: (i, 0)),
            pl.BlockSpec((D, D), lambda i: (0, 0)),
            pl.BlockSpec((D, D), lambda i: (0, 0)),
            pl.BlockSpec((D, D), lambda i: (0, 0)),
            pl.BlockSpec((1, D), lambda i: (0, 0)),
            pl.BlockSpec((1, D), lambda i: (0, 0)),
        ],
        out_specs=pl.BlockSpec((EB, D), lambda i: (i, 0)),
        out_shape=jax.ShapeDtypeStruct((E, D), jnp.float32),
    )(g, edge_attr, Wc, We1, We2, be1.reshape(1, D), be2.reshape(1, D))

    HN = N // _NC
    SPREAD = 512
    DBASE = (HN + 7) // 8 * 8
    per_tile = E // _NS
    WBS = (HN // _NS) // 8 * 8
    TS = HN - _NS * WBS
    WBC = (N // _NS) // 8 * 8
    TLC = N - _NS * WBC
    ZR = 104

    CHS = 160
    NCHS = per_tile // CHS

    def scatter_body(eout_h, row_h, sums_h, cnts_h,
                     idx, idx2, upd, ones1, zb2, zb1,
                     sem_l, sem_s, sem_c, sh_c, sh_s):
        cid = lax.axis_index("c")
        sid = lax.axis_index("s")

        def zrow(j, c):
            for k in range(D // 16):
                zb2[j, pl.ds(16 * k, 16)] = jnp.zeros((16,), jnp.float32)
            return c

        lax.fori_loop(0, ZR, zrow, 0)

        def fill1(buf, val, n16):
            def body(j, c):
                buf[pl.ds(j * 16, 16)] = jnp.full((16,), val, jnp.float32)
                return c
            lax.fori_loop(0, n16, body, 0)

        fill1(zb1, 0.0, WBC // 16)
        fill1(ones1, 1.0, CHS // 16)

        nfull = WBS // ZR
        rem = WBS - nfull * ZR

        def zinit(r, c):
            pltpu.sync_copy(zb2, sh_s.at[pl.ds(sid * WBS + r * ZR, ZR)])
            return c

        lax.fori_loop(0, nfull, zinit, 0)
        if rem:
            pltpu.sync_copy(zb2.at[pl.ds(0, rem)],
                            sh_s.at[pl.ds(sid * WBS + nfull * ZR, rem)])
        pltpu.sync_copy(zb1, sh_c.at[pl.ds(sid * WBC, WBC)])

        @pl.when(sid == _NS - 1)
        def _():
            if TS:
                pltpu.sync_copy(zb2.at[pl.ds(0, TS)],
                                sh_s.at[pl.ds(_NS * WBS, TS)])
            pltpu.sync_copy(zb1.at[pl.ds(0, TLC)],
                            sh_c.at[pl.ds(_NS * WBC, TLC)])

        plsc.subcore_barrier()

        base = sid * per_tile
        lo = cid * HN

        def load(i, p):
            off = base + i * CHS
            pltpu.sync_copy(row_h.at[pl.ds(off, CHS)], idx[p])
            pltpu.async_copy(eout_h.at[pl.ds(off, CHS)], upd[p], sem_l[p])

        def process(i, p):
            pltpu.make_async_copy(eout_h.at[pl.ds(base + i * CHS, CHS)],
                                  upd[p], sem_l[p]).wait()

            def remap(j, c2):
                iv = idx[p][pl.ds(j * 16, 16)]
                shf = iv - lo
                inb = (shf >= 0) & (shf < HN)
                idx2[p][pl.ds(j * 16, 16)] = jnp.where(
                    inb, shf, DBASE + (iv & (SPREAD - 1)))
                return c2

            lax.fori_loop(0, CHS // 16, remap, 0)

            @pl.when(cid == 0)
            def _():
                pltpu.async_copy(ones1, sh_c.at[idx[p]], sem_c[p], add=True)

            pltpu.async_copy(upd[p], sh_s.at[idx2[p]], sem_s[p], add=True)

        def wait_scatters(p):
            pltpu.make_async_copy(upd[p], sh_s.at[idx2[p]], sem_s[p]).wait()

            @pl.when(cid == 0)
            def _():
                pltpu.make_async_copy(ones1, sh_c.at[idx[p]],
                                      sem_c[p]).wait()

        load(0, 0)

        def chunk(i, c):
            @pl.when(lax.rem(i, 2) == 0)
            def _():
                @pl.when(i + 1 < NCHS)
                def _():
                    @pl.when(i >= 1)
                    def _():
                        wait_scatters(1)
                    load(i + 1, 1)
                process(i, 0)

            @pl.when(lax.rem(i, 2) == 1)
            def _():
                @pl.when(i + 1 < NCHS)
                def _():
                    wait_scatters(0)
                    load(i + 1, 0)
                process(i, 1)

            return c

        lax.fori_loop(0, NCHS, chunk, 0)
        wait_scatters((NCHS - 2) % 2)
        wait_scatters((NCHS - 1) % 2)
        plsc.subcore_barrier()

        def wback(r, c):
            rows = pl.ds(sid * WBS + r * ZR, ZR)
            pltpu.sync_copy(sh_s.at[rows], zb2)
            pltpu.sync_copy(
                zb2, sums_h.at[pl.ds(lo + sid * WBS + r * ZR, ZR)])
            return c

        lax.fori_loop(0, nfull, wback, 0)
        if rem:
            pltpu.sync_copy(sh_s.at[pl.ds(sid * WBS + nfull * ZR, rem)],
                            zb2.at[pl.ds(0, rem)])
            pltpu.sync_copy(
                zb2.at[pl.ds(0, rem)],
                sums_h.at[pl.ds(lo + sid * WBS + nfull * ZR, rem)])
        pltpu.sync_copy(sh_c.at[pl.ds(sid * WBC, WBC)], zb1)
        pltpu.sync_copy(zb1, cnts_h.at[pl.ds(cid * N + sid * WBC, WBC)])

        @pl.when(sid == _NS - 1)
        def _():
            if TS:
                tr = pl.ds(_NS * WBS, TS)
                pltpu.sync_copy(sh_s.at[tr], zb2.at[pl.ds(0, TS)])
                pltpu.sync_copy(zb2.at[pl.ds(0, TS)],
                                sums_h.at[pl.ds(lo + _NS * WBS, TS)])
            trc = pl.ds(_NS * WBC, TLC)
            pltpu.sync_copy(sh_c.at[trc], zb1.at[pl.ds(0, TLC)])
            pltpu.sync_copy(zb1.at[pl.ds(0, TLC)],
                            cnts_h.at[pl.ds(cid * N + _NS * WBC, TLC)])

    scatter_k = pl.kernel(
        scatter_body,
        out_type=(jax.ShapeDtypeStruct((N, D), jnp.float32),
                  jax.ShapeDtypeStruct((_NC * N,), jnp.float32)),
        mesh=mesh,
        scratch_types=[
            [pltpu.VMEM((CHS,), jnp.int32)] * 2,
            [pltpu.VMEM((CHS,), jnp.int32)] * 2,
            [pltpu.VMEM((CHS, D), jnp.float32)] * 2,
            pltpu.VMEM((CHS,), jnp.float32),
            pltpu.VMEM((ZR, D), jnp.float32),
            pltpu.VMEM((WBC,), jnp.float32),
            [pltpu.SemaphoreType.DMA] * 2,
            [pltpu.SemaphoreType.DMA] * 2,
            [pltpu.SemaphoreType.DMA] * 2,
            pltpu.VMEM_SHARED((N,), jnp.float32),
            pltpu.VMEM_SHARED((DBASE + SPREAD, D), jnp.float32),
        ],
    )

    sums, cnts = scatter_k(e_out, row)

    ecnt = jnp.broadcast_to(
        jnp.maximum(cnts[:N] + cnts[N:], 1.0)[:, None], (N, D))

    def node_body(x_ref, s_ref, ec_ref, b_ref, u_ref,
                  wn0a_ref, wn0b_ref, wn0u_ref, wn1_ref, wn2_ref,
                  bn0_ref, bn1_ref, bn2_ref,
                  wg0e_ref, wg0v_ref, wg0u_ref, wg1_ref, wg2_ref,
                  bg0_ref, bg1_ref, bg2_ref,
                  xo_ref, uo_ref, es_ref, vs_ref, nc_ref):
        i = pl.program_id(0)
        v_e = s_ref[...] / ec_ref[...]
        oh_t = onehot_t(b_ref[0])
        up = _dot(u_ref[...], wn0u_ref[...])
        h = _relu(_dot(x_ref[...], wn0a_ref[...]) + _dot(v_e, wn0b_ref[...])
                  + _seg_dot(oh_t, up) + bn0_ref[...])
        h = _relu(_dot(h, wn1_ref[...]) + bn1_ref[...])
        xo = _relu(_dot(h, wn2_ref[...]) + bn2_ref[...])
        xo_ref[...] = xo

        @pl.when(i == 0)
        def _():
            es_ref[...] = jnp.zeros((B, D), jnp.float32)
            vs_ref[...] = jnp.zeros((B, D), jnp.float32)
            nc_ref[...] = jnp.zeros((B, D), jnp.float32)

        es_ref[...] = es_ref[...] + _dot(oh_t, v_e)
        vs_ref[...] = vs_ref[...] + _dot(oh_t, xo)
        nc_ref[...] = nc_ref[...] + _dot(oh_t, jnp.ones((NB, D), jnp.float32))

        @pl.when(i == nb - 1)
        def _():
            ncv = jnp.maximum(nc_ref[...], 1.0)
            u_e = es_ref[...] / ncv
            u_v = vs_ref[...] / ncv
            gh = _relu(_dot(u_e, wg0e_ref[...]) + _dot(u_v, wg0v_ref[...])
                       + _dot(u_ref[...], wg0u_ref[...]) + bg0_ref[...])
            gh = _relu(_dot(gh, wg1_ref[...]) + bg1_ref[...])
            uo_ref[...] = _relu(_dot(gh, wg2_ref[...]) + bg2_ref[...])

    wspec = pl.BlockSpec((D, D), lambda i: (0, 0))
    bspec = pl.BlockSpec((1, D), lambda i: (0, 0))
    x_out, u_out = pl.pallas_call(
        node_body,
        grid=(nb,),
        in_specs=[
            pl.BlockSpec((NB, D), lambda i: (i, 0)),
            pl.BlockSpec((NB, D), lambda i: (i, 0)),
            pl.BlockSpec((NB, D), lambda i: (i, 0)),
            pl.BlockSpec((1, 1, NB), lambda i: (i, 0, 0)),
            pl.BlockSpec((B, D), lambda i: (0, 0)),
            wspec, wspec, wspec, wspec, wspec, bspec, bspec, bspec,
            wspec, wspec, wspec, wspec, wspec, bspec, bspec, bspec,
        ],
        out_specs=[pl.BlockSpec((NB, D), lambda i: (i, 0)),
                   pl.BlockSpec((B, D), lambda i: (0, 0))],
        out_shape=[jax.ShapeDtypeStruct((N, D), jnp.float32),
                   jax.ShapeDtypeStruct((B, D), jnp.float32)],
        scratch_shapes=[pltpu.VMEM((B, D), jnp.float32),
                        pltpu.VMEM((B, D), jnp.float32),
                        pltpu.VMEM((B, D), jnp.float32)],
    )(x, sums, ecnt, batch3, u,
      Wn0a, Wn0b, Wn0u, Wn1, Wn2,
      bn0.reshape(1, D), bn1.reshape(1, D), bn2.reshape(1, D),
      Wg0e, Wg0v, Wg0u, Wg1, Wg2,
      bg0.reshape(1, D), bg1.reshape(1, D), bg2.reshape(1, D))

    return (x_out, e_out, u_out)

# --- scband reference (transcript-rebuilt; emitter-appended) ---
"""Pipeline reference for scband-megnet-74818330296973 (READ-ONLY COPY).

The authoritative reference and input builder live on the scoring server;
editing this copy changes nothing except your own understanding.
"""

import jax, jax.numpy as jnp
import numpy as np

N = 10000
E = 320000
D = 128
B = 16


def _mlp(h, Ws, bs):
    for W, b in zip(Ws, bs):
        h = jax.nn.relu(h @ W + b)
    return h


def setup_inputs(seed: int = 0):
    key = jax.random.key(seed)
    ks = jax.random.split(key, 32)
    inp = {}
    inp["x"] = jax.random.normal(ks[0], (N, D), jnp.float32)
    inp["edge_index"] = jax.random.randint(ks[1], (2, E), 0, N)
    inp["edge_attr"] = jax.random.normal(ks[2], (E, D), jnp.float32)
    inp["u"] = jax.random.normal(ks[3], (B, D), jnp.float32)
    inp["batch"] = jnp.sort(jax.random.randint(ks[4], (N,), 0, B))
    dims = {"e": [(4 * D, D), (D, D), (D, D)],
            "n": [(3 * D, D), (D, D), (D, D)],
            "g": [(3 * D, D), (D, D), (D, D)]}
    i = 5
    for tag in ("e", "n", "g"):
        for j, (fi, fo) in enumerate(dims[tag]):
            inp[f"W{tag}{j}"] = jax.random.normal(ks[i], (fi, fo), jnp.float32) * (1.0 / np.sqrt(fi))
            i += 1
            inp[f"b{tag}{j}"] = jnp.zeros((fo,), jnp.float32)
    return inp


def reference(x, edge_index, edge_attr, u, batch,
              We0, be0, We1, be1, We2, be2,
              Wn0, bn0, Wn1, bn1, Wn2, bn2,
              Wg0, bg0, Wg1, bg1, Wg2, bg2):
    n_nodes = x.shape[0]
    n_graphs = u.shape[0]
    row, col = edge_index[0], edge_index[1]
    # --- Megnet_EdgeModel ---
    comb_e = jnp.concatenate([x[row], x[col], edge_attr, u[batch[row]]], axis=1)
    e_out = _mlp(comb_e, [We0, We1, We2], [be0, be1, be2])
    # --- Megnet_NodeModel ---
    ecnt = jnp.maximum(jax.ops.segment_sum(jnp.ones((row.shape[0], 1), x.dtype), row, num_segments=n_nodes), 1.0)
    v_e = jax.ops.segment_sum(e_out, row, num_segments=n_nodes) / ecnt  # scatter_mean over dst nodes
    comb_n = jnp.concatenate([x, v_e, u[batch]], axis=1)
    x_out = _mlp(comb_n, [Wn0, Wn1, Wn2], [bn0, bn1, bn2])
    # --- Megnet_GlobalModel ---
    ncnt = jnp.maximum(jax.ops.segment_sum(jnp.ones((n_nodes, 1), x.dtype), batch, num_segments=n_graphs), 1.0)
    u_e_node = jax.ops.segment_sum(e_out, row, num_segments=n_nodes) / ecnt  # scatter_mean(edge_attr, row)
    u_e = jax.ops.segment_sum(u_e_node, batch, num_segments=n_graphs) / ncnt
    u_v = jax.ops.segment_sum(x_out, batch, num_segments=n_graphs) / ncnt
    comb_g = jnp.concatenate([u_e, u_v, u], axis=1)
    u_out = _mlp(comb_g, [Wg0, Wg1, Wg2], [bg0, bg1, bg2])
    return (x_out, e_out, u_out)

if __name__ == "__main__":
    import jax
    _d = setup_inputs()
    print(jax.jit(kernel)(*tuple(_d.values())))

</pallas_src>

<mosaic_0001>
#map = affine_map<(d0, d1) -> (0, 0)>
#map1 = affine_map<(d0, d1) -> (0)>
module attributes {stable_mosaic.version = 14 : i64} {
  func.func @scatter_body(%arg0: i32, %arg1: i32, %arg2: memref<320000x128xf32, #tpu.memory_space<hbm>>, %arg3: memref<320000xi32, #tpu.memory_space<hbm>>, %arg4: memref<10000x128xf32, #tpu.memory_space<hbm>>, %arg5: memref<20000xf32, #tpu.memory_space<hbm>>, %arg6: memref<160xi32, #tpu.memory_space<vmem>>, %arg7: memref<160xi32, #tpu.memory_space<vmem>>, %arg8: memref<160xi32, #tpu.memory_space<vmem>>, %arg9: memref<160xi32, #tpu.memory_space<vmem>>, %arg10: memref<160x128xf32, #tpu.memory_space<vmem>>, %arg11: memref<160x128xf32, #tpu.memory_space<vmem>>, %arg12: memref<160xf32, #tpu.memory_space<vmem>>, %arg13: memref<104x128xf32, #tpu.memory_space<vmem>>, %arg14: memref<624xf32, #tpu.memory_space<vmem>>, %arg15: memref<!tpu.dma_semaphore, #tpu.memory_space<semaphore_mem>>, %arg16: memref<!tpu.dma_semaphore, #tpu.memory_space<semaphore_mem>>, %arg17: memref<!tpu.dma_semaphore, #tpu.memory_space<semaphore_mem>>, %arg18: memref<!tpu.dma_semaphore, #tpu.memory_space<semaphore_mem>>, %arg19: memref<!tpu.dma_semaphore, #tpu.memory_space<semaphore_mem>>, %arg20: memref<!tpu.dma_semaphore, #tpu.memory_space<semaphore_mem>>, %arg21: memref<10000xf32, #tpu.memory_space<vmem_shared>>, %arg22: memref<5512x128xf32, #tpu.memory_space<vmem_shared>>) attributes {dimension_semantics = [#tpu.dimension_semantics<core_parallel>, #tpu.dimension_semantics<subcore_parallel>], iteration_bounds = array<i64: 2, 16>, scalar_prefetch = 0 : i64, scratch_operands = 17 : i64, tpu.core_type = #tpu.core_type<sc_vector_subcore>, window_params = [{transform_indices = #map}, {transform_indices = #map1}, {transform_indices = #map}, {transform_indices = #map1}]} {
    %scan3A = arith.constant 0 : i32
    %scan3A_0 = arith.constant 0 : i32
    %scan3A_1 = arith.constant 104 : i32
    %scan3A_2 = arith.addi %scan3A_0, %scan3A_1 : i32
    %scan3A_3 = arith.constant 1 : i32
    scf.for %scan3A_74 = %scan3A_0 to %scan3A_2 step %scan3A_3  : i32 {
      %broadcast_in_dim3A = arith.constant 0.000000e+00 : f32
      %broadcast_in_dim3A_75 = vector.broadcast %broadcast_in_dim3A : f32 to vector<16xf32>
      %swap3A = arith.index_cast %scan3A_74 : i32 to index
      %swap3A_76 = arith.constant 0 : index
      %swap3A_77 = tpu.vector_load %arg13[%swap3A, %swap3A_76] {strides = array<i32>} : memref<104x128xf32, #tpu.memory_space<vmem>>, vector<1x16xf32>,
      %swap3A_78 = vector.shape_cast %swap3A_77 : vector<1x16xf32> to vector<16xf32>
      %swap3A_79 = vector.shape_cast %broadcast_in_dim3A_75 : vector<16xf32> to vector<1x16xf32>
      tpu.vector_store %arg13[%swap3A, %swap3A_76], %swap3A_79 {strides = array<i32>} : memref<104x128xf32, #tpu.memory_space<vmem>>, vector<1x16xf32>,
      %broadcast_in_dim3A_80 = arith.constant 0.000000e+00 : f32
      %broadcast_in_dim3A_81 = vector.broadcast %broadcast_in_dim3A_80 : f32 to vector<16xf32>
      %swap3A_82 = arith.index_cast %scan3A_74 : i32 to index
      %swap3A_83 = arith.constant 16 : index
      %swap3A_84 = tpu.vector_load %arg13[%swap3A_82, %swap3A_83] {strides = array<i32>} : memref<104x128xf32, #tpu.memory_space<vmem>>, vector<1x16xf32>,
      %swap3A_85 = vector.shape_cast %swap3A_84 : vector<1x16xf32> to vector<16xf32>
      %swap3A_86 = vector.shape_cast %broadcast_in_dim3A_81 : vector<16xf32> to vector<1x16xf32>
      tpu.vector_store %arg13[%swap3A_82, %swap3A_83], %swap3A_86 {strides = array<i32>} : memref<104x128xf32, #tpu.memory_space<vmem>>, vector<1x16xf32>,
      %broadcast_in_dim3A_87 = arith.constant 0.000000e+00 : f32
      %broadcast_in_dim3A_88 = vector.broadcast %broadcast_in_dim3A_87 : f32 to vector<16xf32>
      %swap3A_89 = arith.index_cast %scan3A_74 : i32 to index
      %swap3A_90 = arith.constant 32 : index
      %swap3A_91 = tpu.vector_load %arg13[%swap3A_89, %swap3A_90] {strides = array<i32>} : memref<104x128xf32, #tpu.memory_space<vmem>>, vector<1x16xf32>,
      %swap3A_92 = vector.shape_cast %swap3A_91 : vector<1x16xf32> to vector<16xf32>
      %swap3A_93 = vector.shape_cast %broadcast_in_dim3A_88 : vector<16xf32> to vector<1x16xf32>
      tpu.vector_store %arg13[%swap3A_89, %swap3A_90], %swap3A_93 {strides = array<i32>} : memref<104x128xf32, #tpu.memory_space<vmem>>, vector<1x16xf32>,
      %broadcast_in_dim3A_94 = arith.constant 0.000000e+00 : f32
      %broadcast_in_dim3A_95 = vector.broadcast %broadcast_in_dim3A_94 : f32 to vector<16xf32>
      %swap3A_96 = arith.index_cast %scan3A_74 : i32 to index
      %swap3A_97 = arith.constant 48 : index
      %swap3A_98 = tpu.vector_load %arg13[%swap3A_96, %swap3A_97] {strides = array<i32>} : memref<104x128xf32, #tpu.memory_space<vmem>>, vector<1x16xf32>,
      %swap3A_99 = vector.shape_cast %swap3A_98 : vector<1x16xf32> to vector<16xf32>
      %swap3A_100 = vector.shape_cast %broadcast_in_dim3A_95 : vector<16xf32> to vector<1x16xf32>
      tpu.vector_store %arg13[%swap3A_96, %swap3A_97], %swap3A_100 {strides = array<i32>} : memref<104x128xf32, #tpu.memory_space<vmem>>, vector<1x16xf32>,
      %broadcast_in_dim3A_101 = arith.constant 0.000000e+00 : f32
      %broadcast_in_dim3A_102 = vector.broadcast %broadcast_in_dim3A_101 : f32 to vector<16xf32>
      %swap3A_103 = arith.index_cast %scan3A_74 : i32 to index
      %swap3A_104 = arith.constant 64 : index
      %swap3A_105 = tpu.vector_load %arg13[%swap3A_103, %swap3A_104] {strides = array<i32>} : memref<104x128xf32, #tpu.memory_space<vmem>>, vector<1x16xf32>,
      %swap3A_106 = vector.shape_cast %swap3A_105 : vector<1x16xf32> to vector<16xf32>
      %swap3A_107 = vector.shape_cast %broadcast_in_dim3A_102 : vector<16xf32> to vector<1x16xf32>
      tpu.vector_store %arg13[%swap3A_103, %swap3A_104], %swap3A_107 {strides = array<i32>} : memref<104x128xf32, #tpu.memory_space<vmem>>, vector<1x16xf32>,
      %broadcast_in_dim3A_108 = arith.constant 0.000000e+00 : f32
      %broadcast_in_dim3A_109 = vector.broadcast %broadcast_in_dim3A_108 : f32 to vector<16xf32>
      %swap3A_110 = arith.index_cast %scan3A_74 : i32 to index
      %swap3A_111 = arith.constant 80 : index
      %swap3A_112 = tpu.vector_load %arg13[%swap3A_110, %swap3A_111] {strides = array<i32>} : memref<104x128xf32, #tpu.memory_space<vmem>>, vector<1x16xf32>,
      %swap3A_113 = vector.shape_cast %swap3A_112 : vector<1x16xf32> to vector<16xf32>
      %swap3A_114 = vector.shape_cast %broadcast_in_dim3A_109 : vector<16xf32> to vector<1x16xf32>
      tpu.vector_store %arg13[%swap3A_110, %swap3A_111], %swap3A_114 {strides = array<i32>} : memref<104x128xf32, #tpu.memory_space<vmem>>, vector<1x16xf32>,
      %broadcast_in_dim3A_115 = arith.constant 0.000000e+00 : f32
      %broadcast_in_dim3A_116 = vector.broadcast %broadcast_in_dim3A_115 : f32 to vector<16xf32>
      %swap3A_117 = arith.index_cast %scan3A_74 : i32 to index
      %swap3A_118 = arith.constant 96 : index
      %swap3A_119 = tpu.vector_load %arg13[%swap3A_117, %swap3A_118] {strides = array<i32>} : memref<104x128xf32, #tpu.memory_space<vmem>>, vector<1x16xf32>,
      %swap3A_120 = vector.shape_cast %swap3A_119 : vector<1x16xf32> to vector<16xf32>
      %swap3A_121 = vector.shape_cast %broadcast_in_dim3A_116 : vector<16xf32> to vector<1x16xf32>
      tpu.vector_store %arg13[%swap3A_117, %swap3A_118], %swap3A_121 {strides = array<i32>} : memref<104x128xf32, #tpu.memory_space<vmem>>, vector<1x16xf32>,
      %broadcast_in_dim3A_122 = arith.constant 0.000000e+00 : f32
      %broadcast_in_dim3A_123 = vector.broadcast %broadcast_in_dim3A_122 : f32 to vector<16xf32>
      %swap3A_124 = arith.index_cast %scan3A_74 : i32 to index
      %swap3A_125 = arith.constant 112 : index
      %swap3A_126 = tpu.vector_load %arg13[%swap3A_124, %swap3A_125] {strides = array<i32>} : memref<104x128xf32, #tpu.memory_space<vmem>>, vector<1x16xf32>,
      %swap3A_127 = vector.shape_cast %swap3A_126 : vector<1x16xf32> to vector<16xf32>
      %swap3A_128 = vector.shape_cast %broadcast_in_dim3A_123 : vector<16xf32> to vector<1x16xf32>
      tpu.vector_store %arg13[%swap3A_124, %swap3A_125], %swap3A_128 {strides = array<i32>} : memref<104x128xf32, #tpu.memory_space<vmem>>, vector<1x16xf32>,
    }
    %scan3A_4 = arith.constant 104 : i32
    %scan3A_5 = arith.constant 0 : i32
    %scan3A_6 = arith.constant 0 : i32
    %scan3A_7 = arith.constant 39 : i32
    %scan3A_8 = arith.addi %scan3A_6, %scan3A_7 : i32
    %scan3A_9 = arith.constant 1 : i32
    scf.for %scan3A_74 = %scan3A_6 to %scan3A_8 step %scan3A_9  : i32 {
      %broadcast_in_dim3A = arith.constant 0.000000e+00 : f32
      %broadcast_in_dim3A_75 = vector.broadcast %broadcast_in_dim3A : f32 to vector<16xf32>
      %mul3A_76 = arith.constant 16 : i32
      %mul3A_77 = arith.muli %scan3A_74, %mul3A_76 : i32
      %swap3A = arith.index_cast %mul3A_77 : i32 to index
      %swap3A_78 = tpu.vector_load %arg14[%swap3A] {strides = array<i32>} : memref<624xf32, #tpu.memory_space<vmem>>, vector<16xf32>,
      %swap3A_79 = vector.shape_cast %swap3A_78 : vector<16xf32> to vector<16xf32>
      %swap3A_80 = vector.shape_cast %broadcast_in_dim3A_75 : vector<16xf32> to vector<16xf32>
      tpu.vector_store %arg14[%swap3A], %swap3A_80 {strides = array<i32>} : memref<624xf32, #tpu.memory_space<vmem>>, vector<16xf32>,
    }
    %scan3A_10 = arith.constant 39 : i32
    %scan3A_11 = arith.constant 0 : i32
    %scan3A_12 = arith.constant 0 : i32
    %scan3A_13 = arith.constant 10 : i32
    %scan3A_14 = arith.addi %scan3A_12, %scan3A_13 : i32
    %scan3A_15 = arith.constant 1 : i32
    scf.for %scan3A_74 = %scan3A_12 to %scan3A_14 step %scan3A_15  : i32 {
      %broadcast_in_dim3A = arith.constant 1.000000e+00 : f32
      %broadcast_in_dim3A_75 = vector.broadcast %broadcast_in_dim3A : f32 to vector<16xf32>
      %mul3A_76 = arith.constant 16 : i32
      %mul3A_77 = arith.muli %scan3A_74, %mul3A_76 : i32
      %swap3A = arith.index_cast %mul3A_77 : i32 to index
      %swap3A_78 = tpu.vector_load %arg12[%swap3A] {strides = array<i32>} : memref<160xf32, #tpu.memory_space<vmem>>, vector<16xf32>,
      %swap3A_79 = vector.shape_cast %swap3A_78 : vector<16xf32> to vector<16xf32>
      %swap3A_80 = vector.shape_cast %broadcast_in_dim3A_75 : vector<16xf32> to vector<16xf32>
      tpu.vector_store %arg12[%swap3A], %swap3A_80 {strides = array<i32>} : memref<160xf32, #tpu.memory_space<vmem>>, vector<16xf32>,
    }
    %scan3A_16 = arith.constant 10 : i32
    %scan3A_17 = arith.constant 0 : i32
    %scan3A_18 = arith.constant 0 : i32
    %scan3A_19 = arith.constant 3 : i32
    %scan3A_20 = arith.addi %scan3A_18, %scan3A_19 : i32
    %scan3A_21 = arith.constant 1 : i32
    scf.for %scan3A_74 = %scan3A_18 to %scan3A_20 step %scan3A_21  : i32 {
      %mul3A_75 = arith.constant 312 : i32
      %mul3A_76 = arith.muli %arg1, %mul3A_75 : i32
      %mul3A_77 = arith.constant 104 : i32
      %mul3A_78 = arith.muli %scan3A_74, %mul3A_77 : i32
      %add3A_79 = arith.addi %mul3A_76, %mul3A_78 : i32
      "tpu.region"() ({
        %run_scoped3A = tpu.sem_alloc : memref<!tpu.dma_semaphore, #tpu.memory_space<semaphore_mem>>
        %dma_start3A_80 = arith.constant 0 : i32
        %dma_start3A_81 = tpu.memref_slice %arg22[%add3A_79, %dma_start3A_80] : memref<5512x128xf32, #tpu.memory_space<vmem_shared>> -> memref<104x128xf32, #tpu.memory_space<vmem_shared>>
        %dma_start3A_82 = arith.constant 0 : i32
        %dma_start3A_83 = tpu.memref_slice %arg22[%add3A_79, %dma_start3A_82] : memref<5512x128xf32, #tpu.memory_space<vmem_shared>> -> memref<104x128xf32, #tpu.memory_space<vmem_shared>>
        tpu.enqueue_dma source(%arg13 : memref<104x128xf32, #tpu.memory_space<vmem>>) target(%dma_start3A_83 : memref<104x128xf32, #tpu.memory_space<vmem_shared>>) target_semaphore(%run_scoped3A : memref<!tpu.dma_semaphore, #tpu.memory_space<semaphore_mem>>)
        %dma_wait3A_84 = arith.constant 0 : i32
        %dma_wait3A_85 = tpu.memref_slice %arg22[%add3A_79, %dma_wait3A_84] : memref<5512x128xf32, #tpu.memory_space<vmem_shared>> -> memref<104x128xf32, #tpu.memory_space<vmem_shared>>
        %dma_wait3A_86 = arith.constant 0 : i32
        %dma_wait3A_87 = tpu.memref_slice %arg22[%add3A_79, %dma_wait3A_86] : memref<5512x128xf32, #tpu.memory_space<vmem_shared>> -> memref<104x128xf32, #tpu.memory_space<vmem_shared>>
        tpu.wait_dma2 semaphore(%run_scoped3A : memref<!tpu.dma_semaphore, #tpu.memory_space<semaphore_mem>>) src(%arg13 : memref<104x128xf32, #tpu.memory_space<vmem>>) dst(%dma_wait3A_87 : memref<104x128xf32, #tpu.memory_space<vmem_shared>>)
        tpu.yield
      }) : () -> ()
    }
    %scan3A_22 = arith.constant 3 : i32
    %mul3A = arith.constant 624 : i32
    %mul3A_23 = arith.muli %arg1, %mul3A : i32
    "tpu.region"() ({
      %run_scoped3A = tpu.sem_alloc : memref<!tpu.dma_semaphore, #tpu.memory_space<semaphore_mem>>
      %dma_start3A_74 = tpu.memref_slice %arg21[%mul3A_23] : memref<10000xf32, #tpu.memory_space<vmem_shared>> -> memref<624xf32, #tpu.memory_space<vmem_shared>>
      %dma_start3A_75 = tpu.memref_slice %arg21[%mul3A_23] : memref<10000xf32, #tpu.memory_space<vmem_shared>> -> memref<624xf32, #tpu.memory_space<vmem_shared>>
      tpu.enqueue_dma source(%arg14 : memref<624xf32, #tpu.memory_space<vmem>>) target(%dma_start3A_75 : memref<624xf32, #tpu.memory_space<vmem_shared>>) target_semaphore(%run_scoped3A : memref<!tpu.dma_semaphore, #tpu.memory_space<semaphore_mem>>)
      %dma_wait3A_76 = tpu.memref_slice %arg21[%mul3A_23] : memref<10000xf32, #tpu.memory_space<vmem_shared>> -> memref<624xf32, #tpu.memory_space<vmem_shared>>
      %dma_wait3A_77 = tpu.memref_slice %arg21[%mul3A_23] : memref<10000xf32, #tpu.memory_space<vmem_shared>> -> memref<624xf32, #tpu.memory_space<vmem_shared>>
      tpu.wait_dma2 semaphore(%run_scoped3A : memref<!tpu.dma_semaphore, #tpu.memory_space<semaphore_mem>>) src(%arg14 : memref<624xf32, #tpu.memory_space<vmem>>) dst(%dma_wait3A_77 : memref<624xf32, #tpu.memory_space<vmem_shared>>)
      tpu.yield
    }) : () -> ()
    %eq3A = arith.constant 15 : i32
    %eq3A_24 = arith.cmpi eq, %arg1, %eq3A : i32
    %convert_element_type3A = arith.extui %eq3A_24 : i1 to i32
    %cond3A = arith.constant 0 : i32
    %cond3A_25 = arith.cmpi ne, %convert_element_type3A, %cond3A : i32
    scf.if %cond3A_25 {
      "tpu.region"() ({
        %run_scoped3A = tpu.sem_alloc : memref<!tpu.dma_semaphore, #tpu.memory_space<semaphore_mem>>
        %dma_start3A_74 = arith.constant 0 : i32
        %dma_start3A_75 = arith.constant 0 : i32
        %dma_start3A_76 = tpu.memref_slice %arg13[%dma_start3A_74, %dma_start3A_75] : memref<104x128xf32, #tpu.memory_space<vmem>> -> memref<8x128xf32, #tpu.memory_space<vmem>>
        %dma_start3A_77 = arith.constant 4992 : i32
        %dma_start3A_78 = arith.constant 0 : i32
        %dma_start3A_79 = tpu.memref_slice %arg22[%dma_start3A_77, %dma_start3A_78] : memref<5512x128xf32, #tpu.memory_space<vmem_shared>> -> memref<8x128xf32, #tpu.memory_space<vmem_shared>>
        %dma_start3A_80 = arith.constant 4992 : i32
        %dma_start3A_81 = arith.constant 0 : i32
        %dma_start3A_82 = tpu.memref_slice %arg22[%dma_start3A_80, %dma_start3A_81] : memref<5512x128xf32, #tpu.memory_space<vmem_shared>> -> memref<8x128xf32, #tpu.memory_space<vmem_shared>>
        %dma_start3A_83 = arith.constant 0 : i32
        %dma_start3A_84 = arith.constant 0 : i32
        %dma_start3A_85 = tpu.memref_slice %arg13[%dma_start3A_83, %dma_start3A_84] : memref<104x128xf32, #tpu.memory_space<vmem>> -> memref<8x128xf32, #tpu.memory_space<vmem>>
        tpu.enqueue_dma source(%dma_start3A_85 : memref<8x128xf32, #tpu.memory_space<vmem>>) target(%dma_start3A_82 : memref<8x128xf32, #tpu.memory_space<vmem_shared>>) target_semaphore(%run_scoped3A : memref<!tpu.dma_semaphore, #tpu.memory_space<semaphore_mem>>)
        %dma_wait3A_86 = arith.constant 0 : i32
        %dma_wait3A_87 = arith.constant 0 : i32
        %dma_wait3A_88 = tpu.memref_slice %arg13[%dma_wait3A_86, %dma_wait3A_87] : memref<104x128xf32, #tpu.memory_space<vmem>> -> memref<8x128xf32, #tpu.memory_space<vmem>>
        %dma_wait3A_89 = arith.constant 4992 : i32
        %dma_wait3A_90 = arith.constant 0 : i32
        %dma_wait3A_91 = tpu.memref_slice %arg22[%dma_wait3A_89, %dma_wait3A_90] : memref<5512x128xf32, #tpu.memory_space<vmem_shared>> -> memref<8x128xf32, #tpu.memory_space<vmem_shared>>
        %dma_wait3A_92 = arith.constant 4992 : i32
        %dma_wait3A_93 = arith.constant 0 : i32
        %dma_wait3A_94 = tpu.memref_slice %arg22[%dma_wait3A_92, %dma_wait3A_93] : memref<5512x128xf32, #tpu.memory_space<vmem_shared>> -> memref<8x128xf32, #tpu.memory_space<vmem_shared>>
        %dma_wait3A_95 = arith.constant 0 : i32
        %dma_wait3A_96 = arith.constant 0 : i32
        %dma_wait3A_97 = tpu.memref_slice %arg13[%dma_wait3A_95, %dma_wait3A_96] : memref<104x128xf32, #tpu.memory_space<vmem>> -> memref<8x128xf32, #tpu.memory_space<vmem>>
        tpu.wait_dma2 semaphore(%run_scoped3A : memref<!tpu.dma_semaphore, #tpu.memory_space<semaphore_mem>>) src(%dma_wait3A_97 : memref<8x128xf32, #tpu.memory_space<vmem>>) dst(%dma_wait3A_94 : memref<8x128xf32, #tpu.memory_space<vmem_shared>>)
        tpu.yield
      }) : () -> ()
      "tpu.region"() ({
        %run_scoped3A = tpu.sem_alloc : memref<!tpu.dma_semaphore, #tpu.memory_space<semaphore_mem>>
        %dma_start3A_74 = arith.constant 0 : i32
        %dma_start3A_75 = tpu.memref_slice %arg14[%dma_start3A_74] : memref<624xf32, #tpu.memory_space<vmem>> -> memref<16xf32, #tpu.memory_space<vmem>>
        %dma_start3A_76 = arith.constant 9984 : i32
        %dma_start3A_77 = tpu.memref_slice %arg21[%dma_start3A_76] : memref<10000xf32, #tpu.memory_space<vmem_shared>> -> memref<16xf32, #tpu.memory_space<vmem_shared>>
        %dma_start3A_78 = arith.constant 9984 : i32
        %dma_start3A_79 = tpu.memref_slice %arg21[%dma_start3A_78] : memref<10000xf32, #tpu.memory_space<vmem_shared>> -> memref<16xf32, #tpu.memory_space<vmem_shared>>
        %dma_start3A_80 = arith.constant 0 : i32
        %dma_start3A_81 = tpu.memref_slice %arg14[%dma_start3A_80] : memref<624xf32, #tpu.memory_space<vmem>> -> memref<16xf32, #tpu.memory_space<vmem>>
        tpu.enqueue_dma source(%dma_start3A_81 : memref<16xf32, #tpu.memory_space<vmem>>) target(%dma_start3A_79 : memref<16xf32, #tpu.memory_space<vmem_shared>>) target_semaphore(%run_scoped3A : memref<!tpu.dma_semaphore, #tpu.memory_space<semaphore_mem>>)
        %dma_wait3A_82 = arith.constant 0 : i32
        %dma_wait3A_83 = tpu.memref_slice %arg14[%dma_wait3A_82] : memref<624xf32, #tpu.memory_space<vmem>> -> memref<16xf32, #tpu.memory_space<vmem>>
        %dma_wait3A_84 = arith.constant 9984 : i32
        %dma_wait3A_85 = tpu.memref_slice %arg21[%dma_wait3A_84] : memref<10000xf32, #tpu.memory_space<vmem_shared>> -> memref<16xf32, #tpu.memory_space<vmem_shared>>
        %dma_wait3A_86 = arith.constant 9984 : i32
        %dma_wait3A_87 = tpu.memref_slice %arg21[%dma_wait3A_86] : memref<10000xf32, #tpu.memory_space<vmem_shared>> -> memref<16xf32, #tpu.memory_space<vmem_shared>>
        %dma_wait3A_88 = arith.constant 0 : i32
        %dma_wait3A_89 = tpu.memref_slice %arg14[%dma_wait3A_88] : memref<624xf32, #tpu.memory_space<vmem>> -> memref<16xf32, #tpu.memory_space<vmem>>
        tpu.wait_dma2 semaphore(%run_scoped3A : memref<!tpu.dma_semaphore, #tpu.memory_space<semaphore_mem>>) src(%dma_wait3A_89 : memref<16xf32, #tpu.memory_space<vmem>>) dst(%dma_wait3A_87 : memref<16xf32, #tpu.memory_space<vmem_shared>>)
        tpu.yield
      }) : () -> ()
    } else {
    }
    %barrier3A = arith.constant 0 : index
    tpu.barrier barrier_id(%barrier3A)
    %mul3A_26 = arith.constant 20000 : i32
    %mul3A_27 = arith.muli %arg1, %mul3A_26 : i32
    %mul3A_28 = arith.constant 5000 : i32
    %mul3A_29 = arith.muli %arg0, %mul3A_28 : i32
    %add3A = arith.constant 0 : i32
    %add3A_30 = arith.addi %mul3A_27, %add3A : i32
    "tpu.region"() ({
      %run_scoped3A = tpu.sem_alloc : memref<!tpu.dma_semaphore, #tpu.memory_space<semaphore_mem>>
      %dma_start3A_74 = tpu.memref_slice %arg3[%add3A_30] : memref<320000xi32, #tpu.memory_space<hbm>> -> memref<160xi32, #tpu.memory_space<hbm>>
      %dma_start3A_75 = tpu.memref_slice %arg3[%add3A_30] : memref<320000xi32, #tpu.memory_space<hbm>> -> memref<160xi32, #tpu.memory_space<hbm>>
      tpu.enqueue_dma source(%dma_start3A_75 : memref<160xi32, #tpu.memory_space<hbm>>) target(%arg6 : memref<160xi32, #tpu.memory_space<vmem>>) target_semaphore(%run_scoped3A : memref<!tpu.dma_semaphore, #tpu.memory_space<semaphore_mem>>)
      %dma_wait3A_76 = tpu.memref_slice %arg3[%add3A_30] : memref<320000xi32, #tpu.memory_space<hbm>> -> memref<160xi32, #tpu.memory_space<hbm>>
      %dma_wait3A_77 = tpu.memref_slice %arg3[%add3A_30] : memref<320000xi32, #tpu.memory_space<hbm>> -> memref<160xi32, #tpu.memory_space<hbm>>
      tpu.wait_dma2 semaphore(%run_scoped3A : memref<!tpu.dma_semaphore, #tpu.memory_space<semaphore_mem>>) src(%dma_wait3A_77 : memref<160xi32, #tpu.memory_space<hbm>>) dst(%arg6 : memref<160xi32, #tpu.memory_space<vmem>>)
      tpu.yield
    }) : () -> ()
    %dma_start3A = arith.constant 0 : i32
    %dma_start3A_31 = tpu.memref_slice %arg2[%add3A_30, %dma_start3A] : memref<320000x128xf32, #tpu.memory_space<hbm>> -> memref<160x128xf32, #tpu.memory_space<hbm>>
    %dma_start3A_32 = arith.constant 0 : i32
    %dma_start3A_33 = tpu.memref_slice %arg2[%add3A_30, %dma_start3A_32] : memref<320000x128xf32, #tpu.memory_space<hbm>> -> memref<160x128xf32, #tpu.memory_space<hbm>>
    tpu.enqueue_dma source(%dma_start3A_33 : memref<160x128xf32, #tpu.memory_space<hbm>>) target(%arg10 : memref<160x128xf32, #tpu.memory_space<vmem>>) target_semaphore(%arg15 : memref<!tpu.dma_semaphore, #tpu.memory_space<semaphore_mem>>)
    %scan3A_34 = arith.constant 0 : i32
    %scan3A_35 = arith.constant 0 : i32
    %scan3A_36 = arith.constant 125 : i32
    %scan3A_37 = arith.addi %scan3A_35, %scan3A_36 : i32
    %scan3A_38 = arith.constant 1 : i32
    scf.for %scan3A_74 = %scan3A_35 to %scan3A_37 step %scan3A_38  : i32 {
      %rem3A = arith.constant 2 : i32
      %rem3A_75 = arith.remsi %scan3A_74, %rem3A : i32
      %eq3A_76 = arith.constant 0 : i32
      %eq3A_77 = arith.cmpi eq, %rem3A_75, %eq3A_76 : i32
      %convert_element_type3A_78 = arith.extui %eq3A_77 : i1 to i32
      %cond3A_79 = arith.constant 0 : i32
      %cond3A_80 = arith.cmpi ne, %convert_element_type3A_78, %cond3A_79 : i32
      scf.if %cond3A_80 {
        %add3A_88 = arith.constant 1 : i32
        %add3A_89 = arith.addi %scan3A_74, %add3A_88 : i32
        %lt3A = arith.constant 125 : i32
        %lt3A_90 = arith.cmpi slt, %add3A_89, %lt3A : i32
        %convert_element_type3A_91 = arith.extui %lt3A_90 : i1 to i32
        %cond3A_92 = arith.constant 0 : i32
        %cond3A_93 = arith.cmpi ne, %convert_element_type3A_91, %cond3A_92 : i32
        scf.if %cond3A_93 {
          %ge3A = arith.constant 1 : i32
          %ge3A_115 = arith.cmpi sge, %scan3A_74, %ge3A : i32
          %convert_element_type3A_116 = arith.extui %ge3A_115 : i1 to i32
          %cond3A_117 = arith.constant 0 : i32
          %cond3A_118 = arith.cmpi ne, %convert_element_type3A_116, %cond3A_117 : i32
          scf.if %cond3A_118 {
            %dma_wait3A_128 = arith.constant 0 : i32
            %dma_wait3A_129 = arith.constant 0 : i32
            %dma_wait3A_130 = tpu.memref_slice %arg22[%dma_wait3A_128, %dma_wait3A_129] : memref<5512x128xf32, #tpu.memory_space<vmem_shared>> -> memref<5512x128xf32, #tpu.memory_space<vmem_shared>>
            tpu.wait_indirect_dma semaphore(%arg18 : memref<!tpu.dma_semaphore, #tpu.memory_space<semaphore_mem>>) src(%arg11 : memref<160x128xf32, #tpu.memory_space<vmem>>) dst(%dma_wait3A_130 : memref<5512x128xf32, #tpu.memory_space<vmem_shared>>)
            %eq3A_131 = arith.constant 0 : i32
            %eq3A_132 = arith.cmpi eq, %arg0, %eq3A_131 : i32
            %convert_element_type3A_133 = arith.extui %eq3A_132 : i1 to i32
            %cond3A_134 = arith.constant 0 : i32
            %cond3A_135 = arith.cmpi ne, %convert_element_type3A_133, %cond3A_134 : i32
            scf.if %cond3A_135 {
              %dma_wait3A_136 = arith.constant 0 : i32
              %dma_wait3A_137 = tpu.memref_slice %arg21[%dma_wait3A_136] : memref<10000xf32, #tpu.memory_space<vmem_shared>> -> memref<10000xf32, #tpu.memory_space<vmem_shared>>
              tpu.wait_indirect_dma semaphore(%arg20 : memref<!tpu.dma_semaphore, #tpu.memory_space<semaphore_mem>>) src(%arg12 : memref<160xf32, #tpu.memory_space<vmem>>) dst(%dma_wait3A_137 : memref<10000xf32, #tpu.memory_space<vmem_shared>>)
            } else {
            }
          } else {
          }
          %add3A_119 = arith.constant 1 : i32
          %add3A_120 = arith.addi %scan3A_74, %add3A_119 : i32
          %mul3A_121 = arith.constant 160 : i32
          %mul3A_122 = arith.muli %add3A_120, %mul3A_121 : i32
          %add3A_123 = arith.addi %mul3A_27, %mul3A_122 : i32
          "tpu.region"() ({
            %run_scoped3A = tpu.sem_alloc : memref<!tpu.dma_semaphore, #tpu.memory_space<semaphore_mem>>
            %dma_start3A_128 = tpu.memref_slice %arg3[%add3A_123] : memref<320000xi32, #tpu.memory_space<hbm>> -> memref<160xi32, #tpu.memory_space<hbm>>
            %dma_start3A_129 = tpu.memref_slice %arg3[%add3A_123] : memref<320000xi32, #tpu.memory_space<hbm>> -> memref<160xi32, #tpu.memory_space<hbm>>
            tpu.enqueue_dma source(%dma_start3A_129 : memref<160xi32, #tpu.memory_space<hbm>>) target(%arg7 : memref<160xi32, #tpu.memory_space<vmem>>) target_semaphore(%run_scoped3A : memref<!tpu.dma_semaphore, #tpu.memory_space<semaphore_mem>>)
            %dma_wait3A_130 = tpu.memref_slice %arg3[%add3A_123] : memref<320000xi32, #tpu.memory_space<hbm>> -> memref<160xi32, #tpu.memory_space<hbm>>
            %dma_wait3A_131 = tpu.memref_slice %arg3[%add3A_123] : memref<320000xi32, #tpu.memory_space<hbm>> -> memref<160xi32, #tpu.memory_space<hbm>>
            tpu.wait_dma2 semaphore(%run_scoped3A : memref<!tpu.dma_semaphore, #tpu.memory_space<semaphore_mem>>) src(%dma_wait3A_131 : memref<160xi32, #tpu.memory_space<hbm>>) dst(%arg7 : memref<160xi32, #tpu.memory_space<vmem>>)
            tpu.yield
          }) : () -> ()
          %dma_start3A_124 = arith.constant 0 : i32
          %dma_start3A_125 = tpu.memref_slice %arg2[%add3A_123, %dma_start3A_124] : memref<320000x128xf32, #tpu.memory_space<hbm>> -> memref<160x128xf32, #tpu.memory_space<hbm>>
          %dma_start3A_126 = arith.constant 0 : i32
          %dma_start3A_127 = tpu.memref_slice %arg2[%add3A_123, %dma_start3A_126] : memref<320000x128xf32, #tpu.memory_space<hbm>> -> memref<160x128xf32, #tpu.memory_space<hbm>>
          tpu.enqueue_dma source(%dma_start3A_127 : memref<160x128xf32, #tpu.memory_space<hbm>>) target(%arg11 : memref<160x128xf32, #tpu.memory_space<vmem>>) target_semaphore(%arg16 : memref<!tpu.dma_semaphore, #tpu.memory_space<semaphore_mem>>)
        } else {
        }
        %mul3A_94 = arith.constant 160 : i32
        %mul3A_95 = arith.muli %scan3A_74, %mul3A_94 : i32
        %add3A_96 = arith.addi %mul3A_27, %mul3A_95 : i32
        %dma_wait3A_97 = arith.constant 0 : i32
        %dma_wait3A_98 = tpu.memref_slice %arg2[%add3A_96, %dma_wait3A_97] : memref<320000x128xf32, #tpu.memory_space<hbm>> -> memref<160x128xf32, #tpu.memory_space<hbm>>
        %dma_wait3A_99 = arith.constant 0 : i32
        %dma_wait3A_100 = tpu.memref_slice %arg2[%add3A_96, %dma_wait3A_99] : memref<320000x128xf32, #tpu.memory_space<hbm>> -> memref<160x128xf32, #tpu.memory_space<hbm>>
        tpu.wait_dma2 semaphore(%arg15 : memref<!tpu.dma_semaphore, #tpu.memory_space<semaphore_mem>>) src(%dma_wait3A_100 : memref<160x128xf32, #tpu.memory_space<hbm>>) dst(%arg10 : memref<160x128xf32, #tpu.memory_space<vmem>>)
        %scan3A_101 = arith.constant 0 : i32
        %scan3A_102 = arith.constant 0 : i32
        %scan3A_103 = arith.constant 10 : i32
        %scan3A_104 = arith.addi %scan3A_102, %scan3A_103 : i32
        %scan3A_105 = arith.constant 1 : i32
        scf.for %scan3A_115 = %scan3A_102 to %scan3A_104 step %scan3A_105  : i32 {
          %mul3A_116 = arith.constant 16 : i32
          %mul3A_117 = arith.muli %scan3A_115, %mul3A_116 : i32
          %get3A = arith.index_cast %mul3A_117 : i32 to index
          %get3A_118 = tpu.vector_load %arg6[%get3A] {strides = array<i32>} : memref<160xi32, #tpu.memory_space<vmem>>, vector<16xi32>,
          %get3A_119 = vector.shape_cast %get3A_118 : vector<16xi32> to vector<16xi32>
          %sub3A = vector.broadcast %mul3A_29 : i32 to vector<16xi32>
          %sub3A_120 = arith.subi %get3A_119, %sub3A : vector<16xi32>
          %ge3A = arith.constant 0 : i32
          %ge3A_121 = vector.broadcast %ge3A : i32 to vector<16xi32>
          %ge3A_122 = arith.cmpi sge, %sub3A_120, %ge3A_121 : vector<16xi32>
          %lt3A_123 = arith.constant 5000 : i32
          %lt3A_124 = vector.broadcast %lt3A_123 : i32 to vector<16xi32>
          %lt3A_125 = arith.cmpi slt, %sub3A_120, %lt3A_124 : vector<16xi32>
          %and3A = arith.andi %ge3A_122, %lt3A_125 : vector<16xi1>
          %and3A_126 = arith.constant 511 : i32
          %and3A_127 = vector.broadcast %and3A_126 : i32 to vector<16xi32>
          %and3A_128 = arith.andi %get3A_119, %and3A_127 : vector<16xi32>
          %add3A_129 = arith.constant 5000 : i32
          %add3A_130 = vector.broadcast %add3A_129 : i32 to vector<16xi32>
          %add3A_131 = arith.addi %add3A_130, %and3A_128 : vector<16xi32>
          %select_n3A = arith.select %and3A, %sub3A_120, %add3A_131 : vector<16xi1>, vector<16xi32>
          %mul3A_132 = arith.constant 16 : i32
          %mul3A_133 = arith.muli %scan3A_115, %mul3A_132 : i32
          %swap3A = arith.index_cast %mul3A_133 : i32 to index
          %swap3A_134 = tpu.vector_load %arg8[%swap3A] {strides = array<i32>} : memref<160xi32, #tpu.memory_space<vmem>>, vector<16xi32>,
          %swap3A_135 = vector.shape_cast %swap3A_134 : vector<16xi32> to vector<16xi32>
          %swap3A_136 = vector.shape_cast %select_n3A : vector<16xi32> to vector<16xi32>
          tpu.vector_store %arg8[%swap3A], %swap3A_136 {strides = array<i32>} : memref<160xi32, #tpu.memory_space<vmem>>, vector<16xi32>,
        }
        %scan3A_106 = arith.constant 10 : i32
        %eq3A_107 = arith.constant 0 : i32
        %eq3A_108 = arith.cmpi eq, %arg0, %eq3A_107 : i32
        %convert_element_type3A_109 = arith.extui %eq3A_108 : i1 to i32
        %cond3A_110 = arith.constant 0 : i32
        %cond3A_111 = arith.cmpi ne, %convert_element_type3A_109, %cond3A_110 : i32
        scf.if %cond3A_111 {
          %dma_start3A_115 = arith.constant 0 : i32
          %dma_start3A_116 = tpu.memref_slice %arg21[%dma_start3A_115] : memref<10000xf32, #tpu.memory_space<vmem_shared>> -> memref<10000xf32, #tpu.memory_space<vmem_shared>>
          tpu.enqueue_indirect_dma source(%arg12 : memref<160xf32, #tpu.memory_space<vmem>>) target(%dma_start3A_116 : memref<10000xf32, #tpu.memory_space<vmem_shared>>) offsets(%arg6 : memref<160xi32, #tpu.memory_space<vmem>>) semaphore(%arg19 : memref<!tpu.dma_semaphore, #tpu.memory_space<semaphore_mem>>) {add = true}
        } else {
        }
        %dma_start3A_112 = arith.constant 0 : i32
        %dma_start3A_113 = arith.constant 0 : i32
        %dma_start3A_114 = tpu.memref_slice %arg22[%dma_start3A_112, %dma_start3A_113] : memref<5512x128xf32, #tpu.memory_space<vmem_shared>> -> memref<5512x128xf32, #tpu.memory_space<vmem_shared>>
        tpu.enqueue_indirect_dma source(%arg10 : memref<160x128xf32, #tpu.memory_space<vmem>>) target(%dma_start3A_114 : memref<5512x128xf32, #tpu.memory_space<vmem_shared>>) offsets(%arg8 : memref<160xi32, #tpu.memory_space<vmem>>) semaphore(%arg17 : memref<!tpu.dma_semaphore, #tpu.memory_space<semaphore_mem>>) {add = true}
      } else {
      }
      %rem3A_81 = arith.constant 2 : i32
      %rem3A_82 = arith.remsi %scan3A_74, %rem3A_81 : i32
      %eq3A_83 = arith.constant 1 : i32
      %eq3A_84 = arith.cmpi eq, %rem3A_82, %eq3A_83 : i32
      %convert_element_type3A_85 = arith.extui %eq3A_84 : i1 to i32
      %cond3A_86 = arith.constant 0 : i32
      %cond3A_87 = arith.cmpi ne, %convert_element_type3A_85, %cond3A_86 : i32
      scf.if %cond3A_87 {
        %add3A_88 = arith.constant 1 : i32
        %add3A_89 = arith.addi %scan3A_74, %add3A_88 : i32
        %lt3A = arith.constant 125 : i32
        %lt3A_90 = arith.cmpi slt, %add3A_89, %lt3A : i32
        %convert_element_type3A_91 = arith.extui %lt3A_90 : i1 to i32
        %cond3A_92 = arith.constant 0 : i32
        %cond3A_93 = arith.cmpi ne, %convert_element_type3A_91, %cond3A_92 : i32
        scf.if %cond3A_93 {
          %dma_wait3A_115 = arith.constant 0 : i32
          %dma_wait3A_116 = arith.constant 0 : i32
          %dma_wait3A_117 = tpu.memref_slice %arg22[%dma_wait3A_115, %dma_wait3A_116] : memref<5512x128xf32, #tpu.memory_space<vmem_shared>> -> memref<5512x128xf32, #tpu.memory_space<vmem_shared>>
          tpu.wait_indirect_dma semaphore(%arg17 : memref<!tpu.dma_semaphore, #tpu.memory_space<semaphore_mem>>) src(%arg10 : memref<160x128xf32, #tpu.memory_space<vmem>>) dst(%dma_wait3A_117 : memref<5512x128xf32, #tpu.memory_space<vmem_shared>>)
          %eq3A_118 = arith.constant 0 : i32
          %eq3A_119 = arith.cmpi eq, %arg0, %eq3A_118 : i32
          %convert_element_type3A_120 = arith.extui %eq3A_119 : i1 to i32
          %cond3A_121 = arith.constant 0 : i32
          %cond3A_122 = arith.cmpi ne, %convert_element_type3A_120, %cond3A_121 : i32
          scf.if %cond3A_122 {
            %dma_wait3A_132 = arith.constant 0 : i32
            %dma_wait3A_133 = tpu.memref_slice %arg21[%dma_wait3A_132] : memref<10000xf32, #tpu.memory_space<vmem_shared>> -> memref<10000xf32, #tpu.memory_space<vmem_shared>>
            tpu.wait_indirect_dma semaphore(%arg19 : memref<!tpu.dma_semaphore, #tpu.memory_space<semaphore_mem>>) src(%arg12 : memref<160xf32, #tpu.memory_space<vmem>>) dst(%dma_wait3A_133 : memref<10000xf32, #tpu.memory_space<vmem_shared>>)
          } else {
          }
          %add3A_123 = arith.constant 1 : i32
          %add3A_124 = arith.addi %scan3A_74, %add3A_123 : i32
          %mul3A_125 = arith.constant 160 : i32
          %mul3A_126 = arith.muli %add3A_124, %mul3A_125 : i32
          %add3A_127 = arith.addi %mul3A_27, %mul3A_126 : i32
          "tpu.region"() ({
            %run_scoped3A = tpu.sem_alloc : memref<!tpu.dma_semaphore, #tpu.memory_space<semaphore_mem>>
            %dma_start3A_132 = tpu.memref_slice %arg3[%add3A_127] : memref<320000xi32, #tpu.memory_space<hbm>> -> memref<160xi32, #tpu.memory_space<hbm>>
            %dma_start3A_133 = tpu.memref_slice %arg3[%add3A_127] : memref<320000xi32, #tpu.memory_space<hbm>> -> memref<160xi32, #tpu.memory_space<hbm>>
            tpu.enqueue_dma source(%dma_start3A_133 : memref<160xi32, #tpu.memory_space<hbm>>) target(%arg6 : memref<160xi32, #tpu.memory_space<vmem>>) target_semaphore(%run_scoped3A : memref<!tpu.dma_semaphore, #tpu.memory_space<semaphore_mem>>)
            %dma_wait3A_134 = tpu.memref_slice %arg3[%add3A_127] : memref<320000xi32, #tpu.memory_space<hbm>> -> memref<160xi32, #tpu.memory_space<hbm>>
            %dma_wait3A_135 = tpu.memref_slice %arg3[%add3A_127] : memref<320000xi32, #tpu.memory_space<hbm>> -> memref<160xi32, #tpu.memory_space<hbm>>
            tpu.wait_dma2 semaphore(%run_scoped3A : memref<!tpu.dma_semaphore, #tpu.memory_space<semaphore_mem>>) src(%dma_wait3A_135 : memref<160xi32, #tpu.memory_space<hbm>>) dst(%arg6 : memref<160xi32, #tpu.memory_space<vmem>>)
            tpu.yield
          }) : () -> ()
          %dma_start3A_128 = arith.constant 0 : i32
          %dma_start3A_129 = tpu.memref_slice %arg2[%add3A_127, %dma_start3A_128] : memref<320000x128xf32, #tpu.memory_space<hbm>> -> memref<160x128xf32, #tpu.memory_space<hbm>>
          %dma_start3A_130 = arith.constant 0 : i32
          %dma_start3A_131 = tpu.memref_slice %arg2[%add3A_127, %dma_start3A_130] : memref<320000x128xf32, #tpu.memory_space<hbm>> -> memref<160x128xf32, #tpu.memory_space<hbm>>
          tpu.enqueue_dma source(%dma_start3A_131 : memref<160x128xf32, #tpu.memory_space<hbm>>) target(%arg10 : memref<160x128xf32, #tpu.memory_space<vmem>>) target_semaphore(%arg15 : memref<!tpu.dma_semaphore, #tpu.memory_space<semaphore_mem>>)
        } else {
        }
        %mul3A_94 = arith.constant 160 : i32
        %mul3A_95 = arith.muli %scan3A_74, %mul3A_94 : i32
        %add3A_96 = arith.addi %mul3A_27, %mul3A_95 : i32
        %dma_wait3A_97 = arith.constant 0 : i32
        %dma_wait3A_98 = tpu.memref_slice %arg2[%add3A_96, %dma_wait3A_97] : memref<320000x128xf32, #tpu.memory_space<hbm>> -> memref<160x128xf32, #tpu.memory_space<hbm>>
        %dma_wait3A_99 = arith.constant 0 : i32
        %dma_wait3A_100 = tpu.memref_slice %arg2[%add3A_96, %dma_wait3A_99] : memref<320000x128xf32, #tpu.memory_space<hbm>> -> memref<160x128xf32, #tpu.memory_space<hbm>>
        tpu.wait_dma2 semaphore(%arg16 : memref<!tpu.dma_semaphore, #tpu.memory_space<semaphore_mem>>) src(%dma_wait3A_100 : memref<160x128xf32, #tpu.memory_space<hbm>>) dst(%arg11 : memref<160x128xf32, #tpu.memory_space<vmem>>)
        %scan3A_101 = arith.constant 0 : i32
        %scan3A_102 = arith.constant 0 : i32
        %scan3A_103 = arith.constant 10 : i32
        %scan3A_104 = arith.addi %scan3A_102, %scan3A_103 : i32
        %scan3A_105 = arith.constant 1 : i32
        scf.for %scan3A_115 = %scan3A_102 to %scan3A_104 step %scan3A_105  : i32 {
          %mul3A_116 = arith.constant 16 : i32
          %mul3A_117 = arith.muli %scan3A_115, %mul3A_116 : i32
          %get3A = arith.index_cast %mul3A_117 : i32 to index
          %get3A_118 = tpu.vector_load %arg7[%get3A] {strides = array<i32>} : memref<160xi32, #tpu.memory_space<vmem>>, vector<16xi32>,
          %get3A_119 = vector.shape_cast %get3A_118 : vector<16xi32> to vector<16xi32>
          %sub3A = vector.broadcast %mul3A_29 : i32 to vector<16xi32>
          %sub3A_120 = arith.subi %get3A_119, %sub3A : vector<16xi32>
          %ge3A = arith.constant 0 : i32
          %ge3A_121 = vector.broadcast %ge3A : i32 to vector<16xi32>
          %ge3A_122 = arith.cmpi sge, %sub3A_120, %ge3A_121 : vector<16xi32>
          %lt3A_123 = arith.constant 5000 : i32
          %lt3A_124 = vector.broadcast %lt3A_123 : i32 to vector<16xi32>
          %lt3A_125 = arith.cmpi slt, %sub3A_120, %lt3A_124 : vector<16xi32>
          %and3A = arith.andi %ge3A_122, %lt3A_125 : vector<16xi1>
          %and3A_126 = arith.constant 511 : i32
          %and3A_127 = vector.broadcast %and3A_126 : i32 to vector<16xi32>
          %and3A_128 = arith.andi %get3A_119, %and3A_127 : vector<16xi32>
          %add3A_129 = arith.constant 5000 : i32
          %add3A_130 = vector.broadcast %add3A_129 : i32 to vector<16xi32>
          %add3A_131 = arith.addi %add3A_130, %and3A_128 : vector<16xi32>
          %select_n3A = arith.select %and3A, %sub3A_120, %add3A_131 : vector<16xi1>, vector<16xi32>
          %mul3A_132 = arith.constant 16 : i32
          %mul3A_133 = arith.muli %scan3A_115, %mul3A_132 : i32
          %swap3A = arith.index_cast %mul3A_133 : i32 to index
          %swap3A_134 = tpu.vector_load %arg9[%swap3A] {strides = array<i32>} : memref<160xi32, #tpu.memory_space<vmem>>, vector<16xi32>,
          %swap3A_135 = vector.shape_cast %swap3A_134 : vector<16xi32> to vector<16xi32>
          %swap3A_136 = vector.shape_cast %select_n3A : vector<16xi32> to vector<16xi32>
          tpu.vector_store %arg9[%swap3A], %swap3A_136 {strides = array<i32>} : memref<160xi32, #tpu.memory_space<vmem>>, vector<16xi32>,
        }
        %scan3A_106 = arith.constant 10 : i32
        %eq3A_107 = arith.constant 0 : i32
        %eq3A_108 = arith.cmpi eq, %arg0, %eq3A_107 : i32
        %convert_element_type3A_109 = arith.extui %eq3A_108 : i1 to i32
        %cond3A_110 = arith.constant 0 : i32
        %cond3A_111 = arith.cmpi ne, %convert_element_type3A_109, %cond3A_110 : i32
        scf.if %cond3A_111 {
          %dma_start3A_115 = arith.constant 0 : i32
          %dma_start3A_116 = tpu.memref_slice %arg21[%dma_start3A_115] : memref<10000xf32, #tpu.memory_space<vmem_shared>> -> memref<10000xf32, #tpu.memory_space<vmem_shared>>
          tpu.enqueue_indirect_dma source(%arg12 : memref<160xf32, #tpu.memory_space<vmem>>) target(%dma_start3A_116 : memref<10000xf32, #tpu.memory_space<vmem_shared>>) offsets(%arg7 : memref<160xi32, #tpu.memory_space<vmem>>) semaphore(%arg20 : memref<!tpu.dma_semaphore, #tpu.memory_space<semaphore_mem>>) {add = true}
        } else {
        }
        %dma_start3A_112 = arith.constant 0 : i32
        %dma_start3A_113 = arith.constant 0 : i32
        %dma_start3A_114 = tpu.memref_slice %arg22[%dma_start3A_112, %dma_start3A_113] : memref<5512x128xf32, #tpu.memory_space<vmem_shared>> -> memref<5512x128xf32, #tpu.memory_space<vmem_shared>>
        tpu.enqueue_indirect_dma source(%arg11 : memref<160x128xf32, #tpu.memory_space<vmem>>) target(%dma_start3A_114 : memref<5512x128xf32, #tpu.memory_space<vmem_shared>>) offsets(%arg9 : memref<160xi32, #tpu.memory_space<vmem>>) semaphore(%arg18 : memref<!tpu.dma_semaphore, #tpu.memory_space<semaphore_mem>>) {add = true}
      } else {
      }
    }
    %scan3A_39 = arith.constant 125 : i32
    %dma_wait3A = arith.constant 0 : i32
    %dma_wait3A_40 = arith.constant 0 : i32
    %dma_wait3A_41 = tpu.memref_slice %arg22[%dma_wait3A, %dma_wait3A_40] : memref<5512x128xf32, #tpu.memory_space<vmem_shared>> -> memref<5512x128xf32, #tpu.memory_space<vmem_shared>>
    tpu.wait_indirect_dma semaphore(%arg18 : memref<!tpu.dma_semaphore, #tpu.memory_space<semaphore_mem>>) src(%arg11 : memref<160x128xf32, #tpu.memory_space<vmem>>) dst(%dma_wait3A_41 : memref<5512x128xf32, #tpu.memory_space<vmem_shared>>)
    %eq3A_42 = arith.constant 0 : i32
    %eq3A_43 = arith.cmpi eq, %arg0, %eq3A_42 : i32
    %convert_element_type3A_44 = arith.extui %eq3A_43 : i1 to i32
    %cond3A_45 = arith.constant 0 : i32
    %cond3A_46 = arith.cmpi ne, %convert_element_type3A_44, %cond3A_45 : i32
    scf.if %cond3A_46 {
      %dma_wait3A_74 = arith.constant 0 : i32
      %dma_wait3A_75 = tpu.memref_slice %arg21[%dma_wait3A_74] : memref<10000xf32, #tpu.memory_space<vmem_shared>> -> memref<10000xf32, #tpu.memory_space<vmem_shared>>
      tpu.wait_indirect_dma semaphore(%arg20 : memref<!tpu.dma_semaphore, #tpu.memory_space<semaphore_mem>>) src(%arg12 : memref<160xf32, #tpu.memory_space<vmem>>) dst(%dma_wait3A_75 : memref<10000xf32, #tpu.memory_space<vmem_shared>>)
    } else {
    }
    %dma_wait3A_47 = arith.constant 0 : i32
    %dma_wait3A_48 = arith.constant 0 : i32
    %dma_wait3A_49 = tpu.memref_slice %arg22[%dma_wait3A_47, %dma_wait3A_48] : memref<5512x128xf32, #tpu.memory_space<vmem_shared>> -> memref<5512x128xf32, #tpu.memory_space<vmem_shared>>
    tpu.wait_indirect_dma semaphore(%arg17 : memref<!tpu.dma_semaphore, #tpu.memory_space<semaphore_mem>>) src(%arg10 : memref<160x128xf32, #tpu.memory_space<vmem>>) dst(%dma_wait3A_49 : memref<5512x128xf32, #tpu.memory_space<vmem_shared>>)
    %eq3A_50 = arith.constant 0 : i32
    %eq3A_51 = arith.cmpi eq, %arg0, %eq3A_50 : i32
    %convert_element_type3A_52 = arith.extui %eq3A_51 : i1 to i32
    %cond3A_53 = arith.constant 0 : i32
    %cond3A_54 = arith.cmpi ne, %convert_element_type3A_52, %cond3A_53 : i32
    scf.if %cond3A_54 {
      %dma_wait3A_74 = arith.constant 0 : i32
      %dma_wait3A_75 = tpu.memref_slice %arg21[%dma_wait3A_74] : memref<10000xf32, #tpu.memory_space<vmem_shared>> -> memref<10000xf32, #tpu.memory_space<vmem_shared>>
      tpu.wait_indirect_dma semaphore(%arg19 : memref<!tpu.dma_semaphore, #tpu.memory_space<semaphore_mem>>) src(%arg12 : memref<160xf32, #tpu.memory_space<vmem>>) dst(%dma_wait3A_75 : memref<10000xf32, #tpu.memory_space<vmem_shared>>)
    } else {
    }
    %barrier3A_55 = arith.constant 0 : index
    tpu.barrier barrier_id(%barrier3A_55)
    %scan3A_56 = arith.constant 0 : i32
    %scan3A_57 = arith.constant 0 : i32
    %scan3A_58 = arith.constant 3 : i32
    %scan3A_59 = arith.addi %scan3A_57, %scan3A_58 : i32
    %scan3A_60 = arith.constant 1 : i32
    scf.for %scan3A_74 = %scan3A_57 to %scan3A_59 step %scan3A_60  : i32 {
      %mul3A_75 = arith.constant 312 : i32
      %mul3A_76 = arith.muli %arg1, %mul3A_75 : i32
      %mul3A_77 = arith.constant 104 : i32
      %mul3A_78 = arith.muli %scan3A_74, %mul3A_77 : i32
      %add3A_79 = arith.addi %mul3A_76, %mul3A_78 : i32
      "tpu.region"() ({
        %run_scoped3A = tpu.sem_alloc : memref<!tpu.dma_semaphore, #tpu.memory_space<semaphore_mem>>
        %dma_start3A_86 = arith.constant 0 : i32
        %dma_start3A_87 = tpu.memref_slice %arg22[%add3A_79, %dma_start3A_86] : memref<5512x128xf32, #tpu.memory_space<vmem_shared>> -> memref<104x128xf32, #tpu.memory_space<vmem_shared>>
        %dma_start3A_88 = arith.constant 0 : i32
        %dma_start3A_89 = tpu.memref_slice %arg22[%add3A_79, %dma_start3A_88] : memref<5512x128xf32, #tpu.memory_space<vmem_shared>> -> memref<104x128xf32, #tpu.memory_space<vmem_shared>>
        tpu.enqueue_dma source(%dma_start3A_89 : memref<104x128xf32, #tpu.memory_space<vmem_shared>>) target(%arg13 : memref<104x128xf32, #tpu.memory_space<vmem>>) target_semaphore(%run_scoped3A : memref<!tpu.dma_semaphore, #tpu.memory_space<semaphore_mem>>)
        %dma_wait3A_90 = arith.constant 0 : i32
        %dma_wait3A_91 = tpu.memref_slice %arg22[%add3A_79, %dma_wait3A_90] : memref<5512x128xf32, #tpu.memory_space<vmem_shared>> -> memref<104x128xf32, #tpu.memory_space<vmem_shared>>
        %dma_wait3A_92 = arith.constant 0 : i32
        %dma_wait3A_93 = tpu.memref_slice %arg22[%add3A_79, %dma_wait3A_92] : memref<5512x128xf32, #tpu.memory_space<vmem_shared>> -> memref<104x128xf32, #tpu.memory_space<vmem_shared>>
        tpu.wait_dma2 semaphore(%run_scoped3A : memref<!tpu.dma_semaphore, #tpu.memory_space<semaphore_mem>>) src(%dma_wait3A_93 : memref<104x128xf32, #tpu.memory_space<vmem_shared>>) dst(%arg13 : memref<104x128xf32, #tpu.memory_space<vmem>>)
        tpu.yield
      }) : () -> ()
      %mul3A_80 = arith.constant 312 : i32
      %mul3A_81 = arith.muli %arg1, %mul3A_80 : i32
      %add3A_82 = arith.addi %mul3A_29, %mul3A_81 : i32
      %mul3A_83 = arith.constant 104 : i32
      %mul3A_84 = arith.muli %scan3A_74, %mul3A_83 : i32
      %add3A_85 = arith.addi %add3A_82, %mul3A_84 : i32
      "tpu.region"() ({
        %run_scoped3A = tpu.sem_alloc : memref<!tpu.dma_semaphore, #tpu.memory_space<semaphore_mem>>
        %dma_start3A_86 = arith.constant 0 : i32
        %dma_start3A_87 = tpu.memref_slice %arg4[%add3A_85, %dma_start3A_86] : memref<10000x128xf32, #tpu.memory_space<hbm>> -> memref<104x128xf32, #tpu.memory_space<hbm>>
        %dma_start3A_88 = arith.constant 0 : i32
        %dma_start3A_89 = tpu.memref_slice %arg4[%add3A_85, %dma_start3A_88] : memref<10000x128xf32, #tpu.memory_space<hbm>> -> memref<104x128xf32, #tpu.memory_space<hbm>>
        tpu.enqueue_dma source(%arg13 : memref<104x128xf32, #tpu.memory_space<vmem>>) target(%dma_start3A_89 : memref<104x128xf32, #tpu.memory_space<hbm>>) target_semaphore(%run_scoped3A : memref<!tpu.dma_semaphore, #tpu.memory_space<semaphore_mem>>)
        %dma_wait3A_90 = arith.constant 0 : i32
        %dma_wait3A_91 = tpu.memref_slice %arg4[%add3A_85, %dma_wait3A_90] : memref<10000x128xf32, #tpu.memory_space<hbm>> -> memref<104x128xf32, #tpu.memory_space<hbm>>
        %dma_wait3A_92 = arith.constant 0 : i32
        %dma_wait3A_93 = tpu.memref_slice %arg4[%add3A_85, %dma_wait3A_92] : memref<10000x128xf32, #tpu.memory_space<hbm>> -> memref<104x128xf32, #tpu.memory_space<hbm>>
        tpu.wait_dma2 semaphore(%run_scoped3A : memref<!tpu.dma_semaphore, #tpu.memory_space<semaphore_mem>>) src(%arg13 : memref<104x128xf32, #tpu.memory_space<vmem>>) dst(%dma_wait3A_93 : memref<104x128xf32, #tpu.memory_space<hbm>>)
        tpu.yield
      }) : () -> ()
    }
    %scan3A_61 = arith.constant 3 : i32
    %mul3A_62 = arith.constant 624 : i32
    %mul3A_63 = arith.muli %arg1, %mul3A_62 : i32
    "tpu.region"() ({
      %run_scoped3A = tpu.sem_alloc : memref<!tpu.dma_semaphore, #tpu.memory_space<semaphore_mem>>
      %dma_start3A_74 = tpu.memref_slice %arg21[%mul3A_63] : memref<10000xf32, #tpu.memory_space<vmem_shared>> -> memref<624xf32, #tpu.memory_space<vmem_shared>>
      %dma_start3A_75 = tpu.memref_slice %arg21[%mul3A_63] : memref<10000xf32, #tpu.memory_space<vmem_shared>> -> memref<624xf32, #tpu.memory_space<vmem_shared>>
      tpu.enqueue_dma source(%dma_start3A_75 : memref<624xf32, #tpu.memory_space<vmem_shared>>) target(%arg14 : memref<624xf32, #tpu.memory_space<vmem>>) target_semaphore(%run_scoped3A : memref<!tpu.dma_semaphore, #tpu.memory_space<semaphore_mem>>)
      %dma_wait3A_76 = tpu.memref_slice %arg21[%mul3A_63] : memref<10000xf32, #tpu.memory_space<vmem_shared>> -> memref<624xf32, #tpu.memory_space<vmem_shared>>
      %dma_wait3A_77 = tpu.memref_slice %arg21[%mul3A_63] : memref<10000xf32, #tpu.memory_space<vmem_shared>> -> memref<624xf32, #tpu.memory_space<vmem_shared>>
      tpu.wait_dma2 semaphore(%run_scoped3A : memref<!tpu.dma_semaphore, #tpu.memory_space<semaphore_mem>>) src(%dma_wait3A_77 : memref<624xf32, #tpu.memory_space<vmem_shared>>) dst(%arg14 : memref<624xf32, #tpu.memory_space<vmem>>)
      tpu.yield
    }) : () -> ()
    %mul3A_64 = arith.constant 10000 : i32
    %mul3A_65 = arith.muli %arg0, %mul3A_64 : i32
    %mul3A_66 = arith.constant 624 : i32
    %mul3A_67 = arith.muli %arg1, %mul3A_66 : i32
    %add3A_68 = arith.addi %mul3A_65, %mul3A_67 : i32
    "tpu.region"() ({
      %run_scoped3A = tpu.sem_alloc : memref<!tpu.dma_semaphore, #tpu.memory_space<semaphore_mem>>
      %dma_start3A_74 = tpu.memref_slice %arg5[%add3A_68] : memref<20000xf32, #tpu.memory_space<hbm>> -> memref<624xf32, #tpu.memory_space<hbm>>
      %dma_start3A_75 = tpu.memref_slice %arg5[%add3A_68] : memref<20000xf32, #tpu.memory_space<hbm>> -> memref<624xf32, #tpu.memory_space<hbm>>
      tpu.enqueue_dma source(%arg14 : memref<624xf32, #tpu.memory_space<vmem>>) target(%dma_start3A_75 : memref<624xf32, #tpu.memory_space<hbm>>) target_semaphore(%run_scoped3A : memref<!tpu.dma_semaphore, #tpu.memory_space<semaphore_mem>>)
      %dma_wait3A_76 = tpu.memref_slice %arg5[%add3A_68] : memref<20000xf32, #tpu.memory_space<hbm>> -> memref<624xf32, #tpu.memory_space<hbm>>
      %dma_wait3A_77 = tpu.memref_slice %arg5[%add3A_68] : memref<20000xf32, #tpu.memory_space<hbm>> -> memref<624xf32, #tpu.memory_space<hbm>>
      tpu.wait_dma2 semaphore(%run_scoped3A : memref<!tpu.dma_semaphore, #tpu.memory_space<semaphore_mem>>) src(%arg14 : memref<624xf32, #tpu.memory_space<vmem>>) dst(%dma_wait3A_77 : memref<624xf32, #tpu.memory_space<hbm>>)
      tpu.yield
    }) : () -> ()
    %eq3A_69 = arith.constant 15 : i32
    %eq3A_70 = arith.cmpi eq, %arg1, %eq3A_69 : i32
    %convert_element_type3A_71 = arith.extui %eq3A_70 : i1 to i32
    %cond3A_72 = arith.constant 0 : i32
    %cond3A_73 = arith.cmpi ne, %convert_element_type3A_71, %cond3A_72 : i32
    scf.if %cond3A_73 {
      "tpu.region"() ({
        %run_scoped3A = tpu.sem_alloc : memref<!tpu.dma_semaphore, #tpu.memory_space<semaphore_mem>>
        %dma_start3A_80 = arith.constant 0 : i32
        %dma_start3A_81 = arith.constant 0 : i32
        %dma_start3A_82 = tpu.memref_slice %arg13[%dma_start3A_80, %dma_start3A_81] : memref<104x128xf32, #tpu.memory_space<vmem>> -> memref<8x128xf32, #tpu.memory_space<vmem>>
        %dma_start3A_83 = arith.constant 4992 : i32
        %dma_start3A_84 = arith.constant 0 : i32
        %dma_start3A_85 = tpu.memref_slice %arg22[%dma_start3A_83, %dma_start3A_84] : memref<5512x128xf32, #tpu.memory_space<vmem_shared>> -> memref<8x128xf32, #tpu.memory_space<vmem_shared>>
        %dma_start3A_86 = arith.constant 0 : i32
        %dma_start3A_87 = arith.constant 0 : i32
        %dma_start3A_88 = tpu.memref_slice %arg13[%dma_start3A_86, %dma_start3A_87] : memref<104x128xf32, #tpu.memory_space<vmem>> -> memref<8x128xf32, #tpu.memory_space<vmem>>
        %dma_start3A_89 = arith.constant 4992 : i32
        %dma_start3A_90 = arith.constant 0 : i32
        %dma_start3A_91 = tpu.memref_slice %arg22[%dma_start3A_89, %dma_start3A_90] : memref<5512x128xf32, #tpu.memory_space<vmem_shared>> -> memref<8x128xf32, #tpu.memory_space<vmem_shared>>
        tpu.enqueue_dma source(%dma_start3A_91 : memref<8x128xf32, #tpu.memory_space<vmem_shared>>) target(%dma_start3A_88 : memref<8x128xf32, #tpu.memory_space<vmem>>) target_semaphore(%run_scoped3A : memref<!tpu.dma_semaphore, #tpu.memory_space<semaphore_mem>>)
        %dma_wait3A_92 = arith.constant 0 : i32
        %dma_wait3A_93 = arith.constant 0 : i32
        %dma_wait3A_94 = tpu.memref_slice %arg13[%dma_wait3A_92, %dma_wait3A_93] : memref<104x128xf32, #tpu.memory_space<vmem>> -> memref<8x128xf32, #tpu.memory_space<vmem>>
        %dma_wait3A_95 = arith.constant 4992 : i32
        %dma_wait3A_96 = arith.constant 0 : i32
        %dma_wait3A_97 = tpu.memref_slice %arg22[%dma_wait3A_95, %dma_wait3A_96] : memref<5512x128xf32, #tpu.memory_space<vmem_shared>> -> memref<8x128xf32, #tpu.memory_space<vmem_shared>>
        %dma_wait3A_98 = arith.constant 0 : i32
        %dma_wait3A_99 = arith.constant 0 : i32
        %dma_wait3A_100 = tpu.memref_slice %arg13[%dma_wait3A_98, %dma_wait3A_99] : memref<104x128xf32, #tpu.memory_space<vmem>> -> memref<8x128xf32, #tpu.memory_space<vmem>>
        %dma_wait3A_101 = arith.constant 4992 : i32
        %dma_wait3A_102 = arith.constant 0 : i32
        %dma_wait3A_103 = tpu.memref_slice %arg22[%dma_wait3A_101, %dma_wait3A_102] : memref<5512x128xf32, #tpu.memory_space<vmem_shared>> -> memref<8x128xf32, #tpu.memory_space<vmem_shared>>
        tpu.wait_dma2 semaphore(%run_scoped3A : memref<!tpu.dma_semaphore, #tpu.memory_space<semaphore_mem>>) src(%dma_wait3A_103 : memref<8x128xf32, #tpu.memory_space<vmem_shared>>) dst(%dma_wait3A_100 : memref<8x128xf32, #tpu.memory_space<vmem>>)
        tpu.yield
      }) : () -> ()
      %add3A_74 = arith.constant 4992 : i32
      %add3A_75 = arith.addi %mul3A_29, %add3A_74 : i32
      "tpu.region"() ({
        %run_scoped3A = tpu.sem_alloc : memref<!tpu.dma_semaphore, #tpu.memory_space<semaphore_mem>>
        %dma_start3A_80 = arith.constant 0 : i32
        %dma_start3A_81 = arith.constant 0 : i32
        %dma_start3A_82 = tpu.memref_slice %arg13[%dma_start3A_80, %dma_start3A_81] : memref<104x128xf32, #tpu.memory_space<vmem>> -> memref<8x128xf32, #tpu.memory_space<vmem>>
        %dma_start3A_83 = arith.constant 0 : i32
        %dma_start3A_84 = tpu.memref_slice %arg4[%add3A_75, %dma_start3A_83] : memref<10000x128xf32, #tpu.memory_space<hbm>> -> memref<8x128xf32, #tpu.memory_space<hbm>>
        %dma_start3A_85 = arith.constant 0 : i32
        %dma_start3A_86 = tpu.memref_slice %arg4[%add3A_75, %dma_start3A_85] : memref<10000x128xf32, #tpu.memory_space<hbm>> -> memref<8x128xf32, #tpu.memory_space<hbm>>
        %dma_start3A_87 = arith.constant 0 : i32
        %dma_start3A_88 = arith.constant 0 : i32
        %dma_start3A_89 = tpu.memref_slice %arg13[%dma_start3A_87, %dma_start3A_88] : memref<104x128xf32, #tpu.memory_space<vmem>> -> memref<8x128xf32, #tpu.memory_space<vmem>>
        tpu.enqueue_dma source(%dma_start3A_89 : memref<8x128xf32, #tpu.memory_space<vmem>>) target(%dma_start3A_86 : memref<8x128xf32, #tpu.memory_space<hbm>>) target_semaphore(%run_scoped3A : memref<!tpu.dma_semaphore, #tpu.memory_space<semaphore_mem>>)
        %dma_wait3A_90 = arith.constant 0 : i32
        %dma_wait3A_91 = arith.constant 0 : i32
        %dma_wait3A_92 = tpu.memref_slice %arg13[%dma_wait3A_90, %dma_wait3A_91] : memref<104x128xf32, #tpu.memory_space<vmem>> -> memref<8x128xf32, #tpu.memory_space<vmem>>
        %dma_wait3A_93 = arith.constant 0 : i32
        %dma_wait3A_94 = tpu.memref_slice %arg4[%add3A_75, %dma_wait3A_93] : memref<10000x128xf32, #tpu.memory_space<hbm>> -> memref<8x128xf32, #tpu.memory_space<hbm>>
        %dma_wait3A_95 = arith.constant 0 : i32
        %dma_wait3A_96 = tpu.memref_slice %arg4[%add3A_75, %dma_wait3A_95] : memref<10000x128xf32, #tpu.memory_space<hbm>> -> memref<8x128xf32, #tpu.memory_space<hbm>>
        %dma_wait3A_97 = arith.constant 0 : i32
        %dma_wait3A_98 = arith.constant 0 : i32
        %dma_wait3A_99 = tpu.memref_slice %arg13[%dma_wait3A_97, %dma_wait3A_98] : memref<104x128xf32, #tpu.memory_space<vmem>> -> memref<8x128xf32, #tpu.memory_space<vmem>>
        tpu.wait_dma2 semaphore(%run_scoped3A : memref<!tpu.dma_semaphore, #tpu.memory_space<semaphore_mem>>) src(%dma_wait3A_99 : memref<8x128xf32, #tpu.memory_space<vmem>>) dst(%dma_wait3A_96 : memref<8x128xf32, #tpu.memory_space<hbm>>)
        tpu.yield
      }) : () -> ()
      "tpu.region"() ({
        %run_scoped3A = tpu.sem_alloc : memref<!tpu.dma_semaphore, #tpu.memory_space<semaphore_mem>>
        %dma_start3A_80 = arith.constant 0 : i32
        %dma_start3A_81 = tpu.memref_slice %arg14[%dma_start3A_80] : memref<624xf32, #tpu.memory_space<vmem>> -> memref<16xf32, #tpu.memory_space<vmem>>
        %dma_start3A_82 = arith.constant 9984 : i32
        %dma_start3A_83 = tpu.memref_slice %arg21[%dma_start3A_82] : memref<10000xf32, #tpu.memory_space<vmem_shared>> -> memref<16xf32, #tpu.memory_space<vmem_shared>>
        %dma_start3A_84 = arith.constant 0 : i32
        %dma_start3A_85 = tpu.memref_slice %arg14[%dma_start3A_84] : memref<624xf32, #tpu.memory_space<vmem>> -> memref<16xf32, #tpu.memory_space<vmem>>
        %dma_start3A_86 = arith.constant 9984 : i32
        %dma_start3A_87 = tpu.memref_slice %arg21[%dma_start3A_86] : memref<10000xf32, #tpu.memory_space<vmem_shared>> -> memref<16xf32, #tpu.memory_space<vmem_shared>>
        tpu.enqueue_dma source(%dma_start3A_87 : memref<16xf32, #tpu.memory_space<vmem_shared>>) target(%dma_start3A_85 : memref<16xf32, #tpu.memory_space<vmem>>) target_semaphore(%run_scoped3A : memref<!tpu.dma_semaphore, #tpu.memory_space<semaphore_mem>>)
        %dma_wait3A_88 = arith.constant 0 : i32
        %dma_wait3A_89 = tpu.memref_slice %arg14[%dma_wait3A_88] : memref<624xf32, #tpu.memory_space<vmem>> -> memref<16xf32, #tpu.memory_space<vmem>>
        %dma_wait3A_90 = arith.constant 9984 : i32
        %dma_wait3A_91 = tpu.memref_slice %arg21[%dma_wait3A_90] : memref<10000xf32, #tpu.memory_space<vmem_shared>> -> memref<16xf32, #tpu.memory_space<vmem_shared>>
        %dma_wait3A_92 = arith.constant 0 : i32
        %dma_wait3A_93 = tpu.memref_slice %arg14[%dma_wait3A_92] : memref<624xf32, #tpu.memory_space<vmem>> -> memref<16xf32, #tpu.memory_space<vmem>>
        %dma_wait3A_94 = arith.constant 9984 : i32
        %dma_wait3A_95 = tpu.memref_slice %arg21[%dma_wait3A_94] : memref<10000xf32, #tpu.memory_space<vmem_shared>> -> memref<16xf32, #tpu.memory_space<vmem_shared>>
        tpu.wait_dma2 semaphore(%run_scoped3A : memref<!tpu.dma_semaphore, #tpu.memory_space<semaphore_mem>>) src(%dma_wait3A_95 : memref<16xf32, #tpu.memory_space<vmem_shared>>) dst(%dma_wait3A_93 : memref<16xf32, #tpu.memory_space<vmem>>)
        tpu.yield
      }) : () -> ()
      %mul3A_76 = arith.constant 10000 : i32
      %mul3A_77 = arith.muli %arg0, %mul3A_76 : i32
      %add3A_78 = arith.constant 9984 : i32
      %add3A_79 = arith.addi %mul3A_77, %add3A_78 : i32
      "tpu.region"() ({
        %run_scoped3A = tpu.sem_alloc : memref<!tpu.dma_semaphore, #tpu.memory_space<semaphore_mem>>
        %dma_start3A_80 = arith.constant 0 : i32
        %dma_start3A_81 = tpu.memref_slice %arg14[%dma_start3A_80] : memref<624xf32, #tpu.memory_space<vmem>> -> memref<16xf32, #tpu.memory_space<vmem>>
        %dma_start3A_82 = tpu.memref_slice %arg5[%add3A_79] : memref<20000xf32, #tpu.memory_space<hbm>> -> memref<16xf32, #tpu.memory_space<hbm>>
        %dma_start3A_83 = tpu.memref_slice %arg5[%add3A_79] : memref<20000xf32, #tpu.memory_space<hbm>> -> memref<16xf32, #tpu.memory_space<hbm>>
        %dma_start3A_84 = arith.constant 0 : i32
        %dma_start3A_85 = tpu.memref_slice %arg14[%dma_start3A_84] : memref<624xf32, #tpu.memory_space<vmem>> -> memref<16xf32, #tpu.memory_space<vmem>>
        tpu.enqueue_dma source(%dma_start3A_85 : memref<16xf32, #tpu.memory_space<vmem>>) target(%dma_start3A_83 : memref<16xf32, #tpu.memory_space<hbm>>) target_semaphore(%run_scoped3A : memref<!tpu.dma_semaphore, #tpu.memory_space<semaphore_mem>>)
        %dma_wait3A_86 = arith.constant 0 : i32
        %dma_wait3A_87 = tpu.memref_slice %arg14[%dma_wait3A_86] : memref<624xf32, #tpu.memory_space<vmem>> -> memref<16xf32, #tpu.memory_space<vmem>>
        %dma_wait3A_88 = tpu.memref_slice %arg5[%add3A_79] : memref<20000xf32, #tpu.memory_space<hbm>> -> memref<16xf32, #tpu.memory_space<hbm>>
        %dma_wait3A_89 = tpu.memref_slice %arg5[%add3A_79] : memref<20000xf32, #tpu.memory_space<hbm>> -> memref<16xf32, #tpu.memory_space<hbm>>
        %dma_wait3A_90 = arith.constant 0 : i32
        %dma_wait3A_91 = tpu.memref_slice %arg14[%dma_wait3A_90] : memref<624xf32, #tpu.memory_space<vmem>> -> memref<16xf32, #tpu.memory_space<vmem>>
        tpu.wait_dma2 semaphore(%run_scoped3A : memref<!tpu.dma_semaphore, #tpu.memory_space<semaphore_mem>>) src(%dma_wait3A_91 : memref<16xf32, #tpu.memory_space<vmem>>) dst(%dma_wait3A_89 : memref<16xf32, #tpu.memory_space<hbm>>)
        tpu.yield
      }) : () -> ()
    } else {
    }
    return
  }
}

#map = affine_map<(d0, d1) -> (0, 0)>
#map1 = affine_map<(d0, d1) -> (0)>
module attributes {stable_mosaic.version = 14 : i64} {
  func.func @gather_k(%arg0: i32, %arg1: i32, %arg2: memref<10000x128xf32, #tpu.memory_space<hbm>>, %arg3: memref<10000x128xf32, #tpu.memory_space<hbm>>, %arg4: memref<320000xi32, #tpu.memory_space<hbm>>, %arg5: memref<320000xi32, #tpu.memory_space<hbm>>, %arg6: memref<320000x128xf32, #tpu.memory_space<hbm>>, %arg7: memref<200xi32, #tpu.memory_space<vmem>>, %arg8: memref<200xi32, #tpu.memory_space<vmem>>, %arg9: memref<200xi32, #tpu.memory_space<vmem>>, %arg10: memref<200xi32, #tpu.memory_space<vmem>>, %arg11: memref<200x128xf32, #tpu.memory_space<vmem>>, %arg12: memref<200x128xf32, #tpu.memory_space<vmem>>, %arg13: memref<200x128xf32, #tpu.memory_space<vmem>>, %arg14: memref<200x128xf32, #tpu.memory_space<vmem>>, %arg15: memref<!tpu.dma_semaphore, #tpu.memory_space<semaphore_mem>>, %arg16: memref<!tpu.dma_semaphore, #tpu.memory_space<semaphore_mem>>, %arg17: memref<!tpu.dma_semaphore, #tpu.memory_space<semaphore_mem>>, %arg18: memref<!tpu.dma_semaphore, #tpu.memory_space<semaphore_mem>>) attributes {dimension_semantics = [#tpu.dimension_semantics<core_parallel>, #tpu.dimension_semantics<subcore_parallel>], iteration_bounds = array<i64: 2, 16>, scalar_prefetch = 0 : i64, scratch_operands = 12 : i64, tpu.core_type = #tpu.core_type<sc_vector_subcore>, window_params = [{transform_indices = #map}, {transform_indices = #map}, {transform_indices = #map1}, {transform_indices = #map1}, {transform_indices = #map}]} {
    %mul3A = arith.constant 2 : i32
    %mul3A_0 = arith.muli %arg1, %mul3A : i32
    %add3A = arith.addi %mul3A_0, %arg0 : i32
    %mul3A_1 = arith.constant 10000 : i32
    %mul3A_2 = arith.muli %add3A, %mul3A_1 : i32
    %add3A_3 = arith.constant 0 : i32
    %add3A_4 = arith.addi %mul3A_2, %add3A_3 : i32
    "tpu.region"() ({
      %run_scoped3A = tpu.sem_alloc : memref<!tpu.dma_semaphore, #tpu.memory_space<semaphore_mem>>
      %dma_start3A_15 = tpu.memref_slice %arg4[%add3A_4] : memref<320000xi32, #tpu.memory_space<hbm>> -> memref<200xi32, #tpu.memory_space<hbm>>
      %dma_start3A_16 = tpu.memref_slice %arg4[%add3A_4] : memref<320000xi32, #tpu.memory_space<hbm>> -> memref<200xi32, #tpu.memory_space<hbm>>
      tpu.enqueue_dma source(%dma_start3A_16 : memref<200xi32, #tpu.memory_space<hbm>>) target(%arg7 : memref<200xi32, #tpu.memory_space<vmem>>) target_semaphore(%run_scoped3A : memref<!tpu.dma_semaphore, #tpu.memory_space<semaphore_mem>>)
      %dma_wait3A = tpu.memref_slice %arg4[%add3A_4] : memref<320000xi32, #tpu.memory_space<hbm>> -> memref<200xi32, #tpu.memory_space<hbm>>
      %dma_wait3A_17 = tpu.memref_slice %arg4[%add3A_4] : memref<320000xi32, #tpu.memory_space<hbm>> -> memref<200xi32, #tpu.memory_space<hbm>>
      tpu.wait_dma2 semaphore(%run_scoped3A : memref<!tpu.dma_semaphore, #tpu.memory_space<semaphore_mem>>) src(%dma_wait3A_17 : memref<200xi32, #tpu.memory_space<hbm>>) dst(%arg7 : memref<200xi32, #tpu.memory_space<vmem>>)
      tpu.yield
    }) : () -> ()
    "tpu.region"() ({
      %run_scoped3A = tpu.sem_alloc : memref<!tpu.dma_semaphore, #tpu.memory_space<semaphore_mem>>
      %dma_start3A_15 = tpu.memref_slice %arg5[%add3A_4] : memref<320000xi32, #tpu.memory_space<hbm>> -> memref<200xi32, #tpu.memory_space<hbm>>
      %dma_start3A_16 = tpu.memref_slice %arg5[%add3A_4] : memref<320000xi32, #tpu.memory_space<hbm>> -> memref<200xi32, #tpu.memory_space<hbm>>
      tpu.enqueue_dma source(%dma_start3A_16 : memref<200xi32, #tpu.memory_space<hbm>>) target(%arg9 : memref<200xi32, #tpu.memory_space<vmem>>) target_semaphore(%run_scoped3A : memref<!tpu.dma_semaphore, #tpu.memory_space<semaphore_mem>>)
      %dma_wait3A = tpu.memref_slice %arg5[%add3A_4] : memref<320000xi32, #tpu.memory_space<hbm>> -> memref<200xi32, #tpu.memory_space<hbm>>
      %dma_wait3A_17 = tpu.memref_slice %arg5[%add3A_4] : memref<320000xi32, #tpu.memory_space<hbm>> -> memref<200xi32, #tpu.memory_space<hbm>>
      tpu.wait_dma2 semaphore(%run_scoped3A : memref<!tpu.dma_semaphore, #tpu.memory_space<semaphore_mem>>) src(%dma_wait3A_17 : memref<200xi32, #tpu.memory_space<hbm>>) dst(%arg9 : memref<200xi32, #tpu.memory_space<vmem>>)
      tpu.yield
    }) : () -> ()
    %dma_start3A = arith.constant 0 : i32
    %dma_start3A_5 = arith.constant 0 : i32
    %dma_start3A_6 = tpu.memref_slice %arg2[%dma_start3A, %dma_start3A_5] : memref<10000x128xf32, #tpu.memory_space<hbm>> -> memref<10000x128xf32, #tpu.memory_space<hbm>>
    tpu.enqueue_indirect_dma source(%dma_start3A_6 : memref<10000x128xf32, #tpu.memory_space<hbm>>) target(%arg11 : memref<200x128xf32, #tpu.memory_space<vmem>>) offsets(%arg7 : memref<200xi32, #tpu.memory_space<vmem>>) semaphore(%arg15 : memref<!tpu.dma_semaphore, #tpu.memory_space<semaphore_mem>>)
    %dma_start3A_7 = arith.constant 0 : i32
    %dma_start3A_8 = arith.constant 0 : i32
    %dma_start3A_9 = tpu.memref_slice %arg3[%dma_start3A_7, %dma_start3A_8] : memref<10000x128xf32, #tpu.memory_space<hbm>> -> memref<10000x128xf32, #tpu.memory_space<hbm>>
    tpu.enqueue_indirect_dma source(%dma_start3A_9 : memref<10000x128xf32, #tpu.memory_space<hbm>>) target(%arg13 : memref<200x128xf32, #tpu.memory_space<vmem>>) offsets(%arg9 : memref<200xi32, #tpu.memory_space<vmem>>) semaphore(%arg17 : memref<!tpu.dma_semaphore, #tpu.memory_space<semaphore_mem>>)
    %scan3A = arith.constant 0 : i32
    %scan3A_10 = arith.constant 0 : i32
    %scan3A_11 = arith.constant 50 : i32
    %scan3A_12 = arith.addi %scan3A_10, %scan3A_11 : i32
    %scan3A_13 = arith.constant 1 : i32
    scf.for %scan3A_15 = %scan3A_10 to %scan3A_12 step %scan3A_13  : i32 {
      %rem3A = arith.constant 2 : i32
      %rem3A_16 = arith.remsi %scan3A_15, %rem3A : i32
      %eq3A = arith.constant 0 : i32
      %eq3A_17 = arith.cmpi eq, %rem3A_16, %eq3A : i32
      %convert_element_type3A = arith.extui %eq3A_17 : i1 to i32
      %cond3A = arith.constant 0 : i32
      %cond3A_18 = arith.cmpi ne, %convert_element_type3A, %cond3A : i32
      scf.if %cond3A_18 {
        %add3A_26 = arith.constant 1 : i32
        %add3A_27 = arith.addi %scan3A_15, %add3A_26 : i32
        %lt3A = arith.constant 50 : i32
        %lt3A_28 = arith.cmpi slt, %add3A_27, %lt3A : i32
        %convert_element_type3A_29 = arith.extui %lt3A_28 : i1 to i32
        %cond3A_30 = arith.constant 0 : i32
        %cond3A_31 = arith.cmpi ne, %convert_element_type3A_29, %cond3A_30 : i32
        scf.if %cond3A_31 {
          %add3A_46 = arith.constant 1 : i32
          %add3A_47 = arith.addi %scan3A_15, %add3A_46 : i32
          %mul3A_48 = arith.constant 200 : i32
          %mul3A_49 = arith.muli %add3A_47, %mul3A_48 : i32
          %add3A_50 = arith.addi %mul3A_2, %mul3A_49 : i32
          "tpu.region"() ({
            %run_scoped3A = tpu.sem_alloc : memref<!tpu.dma_semaphore, #tpu.memory_space<semaphore_mem>>
            %dma_start3A_57 = tpu.memref_slice %arg4[%add3A_50] : memref<320000xi32, #tpu.memory_space<hbm>> -> memref<200xi32, #tpu.memory_space<hbm>>
            %dma_start3A_58 = tpu.memref_slice %arg4[%add3A_50] : memref<320000xi32, #tpu.memory_space<hbm>> -> memref<200xi32, #tpu.memory_space<hbm>>
            tpu.enqueue_dma source(%dma_start3A_58 : memref<200xi32, #tpu.memory_space<hbm>>) target(%arg8 : memref<200xi32, #tpu.memory_space<vmem>>) target_semaphore(%run_scoped3A : memref<!tpu.dma_semaphore, #tpu.memory_space<semaphore_mem>>)
            %dma_wait3A_59 = tpu.memref_slice %arg4[%add3A_50] : memref<320000xi32, #tpu.memory_space<hbm>> -> memref<200xi32, #tpu.memory_space<hbm>>
            %dma_wait3A_60 = tpu.memref_slice %arg4[%add3A_50] : memref<320000xi32, #tpu.memory_space<hbm>> -> memref<200xi32, #tpu.memory_space<hbm>>
            tpu.wait_dma2 semaphore(%run_scoped3A : memref<!tpu.dma_semaphore, #tpu.memory_space<semaphore_mem>>) src(%dma_wait3A_60 : memref<200xi32, #tpu.memory_space<hbm>>) dst(%arg8 : memref<200xi32, #tpu.memory_space<vmem>>)
            tpu.yield
          }) : () -> ()
          "tpu.region"() ({
            %run_scoped3A = tpu.sem_alloc : memref<!tpu.dma_semaphore, #tpu.memory_space<semaphore_mem>>
            %dma_start3A_57 = tpu.memref_slice %arg5[%add3A_50] : memref<320000xi32, #tpu.memory_space<hbm>> -> memref<200xi32, #tpu.memory_space<hbm>>
            %dma_start3A_58 = tpu.memref_slice %arg5[%add3A_50] : memref<320000xi32, #tpu.memory_space<hbm>> -> memref<200xi32, #tpu.memory_space<hbm>>
            tpu.enqueue_dma source(%dma_start3A_58 : memref<200xi32, #tpu.memory_space<hbm>>) target(%arg10 : memref<200xi32, #tpu.memory_space<vmem>>) target_semaphore(%run_scoped3A : memref<!tpu.dma_semaphore, #tpu.memory_space<semaphore_mem>>)
            %dma_wait3A_59 = tpu.memref_slice %arg5[%add3A_50] : memref<320000xi32, #tpu.memory_space<hbm>> -> memref<200xi32, #tpu.memory_space<hbm>>
            %dma_wait3A_60 = tpu.memref_slice %arg5[%add3A_50] : memref<320000xi32, #tpu.memory_space<hbm>> -> memref<200xi32, #tpu.memory_space<hbm>>
            tpu.wait_dma2 semaphore(%run_scoped3A : memref<!tpu.dma_semaphore, #tpu.memory_space<semaphore_mem>>) src(%dma_wait3A_60 : memref<200xi32, #tpu.memory_space<hbm>>) dst(%arg10 : memref<200xi32, #tpu.memory_space<vmem>>)
            tpu.yield
          }) : () -> ()
          %dma_start3A_51 = arith.constant 0 : i32
          %dma_start3A_52 = arith.constant 0 : i32
          %dma_start3A_53 = tpu.memref_slice %arg2[%dma_start3A_51, %dma_start3A_52] : memref<10000x128xf32, #tpu.memory_space<hbm>> -> memref<10000x128xf32, #tpu.memory_space<hbm>>
          tpu.enqueue_indirect_dma source(%dma_start3A_53 : memref<10000x128xf32, #tpu.memory_space<hbm>>) target(%arg12 : memref<200x128xf32, #tpu.memory_space<vmem>>) offsets(%arg8 : memref<200xi32, #tpu.memory_space<vmem>>) semaphore(%arg16 : memref<!tpu.dma_semaphore, #tpu.memory_space<semaphore_mem>>)
          %dma_start3A_54 = arith.constant 0 : i32
          %dma_start3A_55 = arith.constant 0 : i32
          %dma_start3A_56 = tpu.memref_slice %arg3[%dma_start3A_54, %dma_start3A_55] : memref<10000x128xf32, #tpu.memory_space<hbm>> -> memref<10000x128xf32, #tpu.memory_space<hbm>>
          tpu.enqueue_indirect_dma source(%dma_start3A_56 : memref<10000x128xf32, #tpu.memory_space<hbm>>) target(%arg14 : memref<200x128xf32, #tpu.memory_space<vmem>>) offsets(%arg10 : memref<200xi32, #tpu.memory_space<vmem>>) semaphore(%arg18 : memref<!tpu.dma_semaphore, #tpu.memory_space<semaphore_mem>>)
        } else {
        }
        %dma_wait3A = arith.constant 0 : i32
        %dma_wait3A_32 = arith.constant 0 : i32
        %dma_wait3A_33 = tpu.memref_slice %arg2[%dma_wait3A, %dma_wait3A_32] : memref<10000x128xf32, #tpu.memory_space<hbm>> -> memref<10000x128xf32, #tpu.memory_space<hbm>>
        tpu.wait_indirect_dma semaphore(%arg15 : memref<!tpu.dma_semaphore, #tpu.memory_space<semaphore_mem>>) src(%dma_wait3A_33 : memref<10000x128xf32, #tpu.memory_space<hbm>>) dst(%arg11 : memref<200x128xf32, #tpu.memory_space<vmem>>)
        %dma_wait3A_34 = arith.constant 0 : i32
        %dma_wait3A_35 = arith.constant 0 : i32
        %dma_wait3A_36 = tpu.memref_slice %arg3[%dma_wait3A_34, %dma_wait3A_35] : memref<10000x128xf32, #tpu.memory_space<hbm>> -> memref<10000x128xf32, #tpu.memory_space<hbm>>
        tpu.wait_indirect_dma semaphore(%arg17 : memref<!tpu.dma_semaphore, #tpu.memory_space<semaphore_mem>>) src(%dma_wait3A_36 : memref<10000x128xf32, #tpu.memory_space<hbm>>) dst(%arg13 : memref<200x128xf32, #tpu.memory_space<vmem>>)
        %scan3A_37 = arith.constant 0 : i32
        %scan3A_38 = arith.constant 0 : i32
        %scan3A_39 = arith.constant 200 : i32
        %scan3A_40 = arith.addi %scan3A_38, %scan3A_39 : i32
        %scan3A_41 = arith.constant 1 : i32
        scf.for %scan3A_46 = %scan3A_38 to %scan3A_40 step %scan3A_41  : i32 {
          %get3A = arith.index_cast %scan3A_46 : i32 to index
          %get3A_47 = arith.constant 0 : index
          %get3A_48 = tpu.vector_load %arg11[%get3A, %get3A_47] {strides = array<i32>} : memref<200x128xf32, #tpu.memory_space<vmem>>, vector<1x16xf32>,
          %get3A_49 = vector.shape_cast %get3A_48 : vector<1x16xf32> to vector<16xf32>
          %get3A_50 = arith.index_cast %scan3A_46 : i32 to index
          %get3A_51 = arith.constant 0 : index
          %get3A_52 = tpu.vector_load %arg13[%get3A_50, %get3A_51] {strides = array<i32>} : memref<200x128xf32, #tpu.memory_space<vmem>>, vector<1x16xf32>,
          %get3A_53 = vector.shape_cast %get3A_52 : vector<1x16xf32> to vector<16xf32>
          %add3A_54 = arith.addf %get3A_49, %get3A_53 : vector<16xf32>
          %swap3A = arith.index_cast %scan3A_46 : i32 to index
          %swap3A_55 = arith.constant 0 : index
          %swap3A_56 = tpu.vector_load %arg11[%swap3A, %swap3A_55] {strides = array<i32>} : memref<200x128xf32, #tpu.memory_space<vmem>>, vector<1x16xf32>,
          %swap3A_57 = vector.shape_cast %swap3A_56 : vector<1x16xf32> to vector<16xf32>
          %swap3A_58 = vector.shape_cast %add3A_54 : vector<16xf32> to vector<1x16xf32>
          tpu.vector_store %arg11[%swap3A, %swap3A_55], %swap3A_58 {strides = array<i32>} : memref<200x128xf32, #tpu.memory_space<vmem>>, vector<1x16xf32>,
          %get3A_59 = arith.index_cast %scan3A_46 : i32 to index
          %get3A_60 = arith.constant 16 : index
          %get3A_61 = tpu.vector_load %arg11[%get3A_59, %get3A_60] {strides = array<i32>} : memref<200x128xf32, #tpu.memory_space<vmem>>, vector<1x16xf32>,
          %get3A_62 = vector.shape_cast %get3A_61 : vector<1x16xf32> to vector<16xf32>
          %get3A_63 = arith.index_cast %scan3A_46 : i32 to index
          %get3A_64 = arith.constant 16 : index
          %get3A_65 = tpu.vector_load %arg13[%get3A_63, %get3A_64] {strides = array<i32>} : memref<200x128xf32, #tpu.memory_space<vmem>>, vector<1x16xf32>,
          %get3A_66 = vector.shape_cast %get3A_65 : vector<1x16xf32> to vector<16xf32>
          %add3A_67 = arith.addf %get3A_62, %get3A_66 : vector<16xf32>
          %swap3A_68 = arith.index_cast %scan3A_46 : i32 to index
          %swap3A_69 = arith.constant 16 : index
          %swap3A_70 = tpu.vector_load %arg11[%swap3A_68, %swap3A_69] {strides = array<i32>} : memref<200x128xf32, #tpu.memory_space<vmem>>, vector<1x16xf32>,
          %swap3A_71 = vector.shape_cast %swap3A_70 : vector<1x16xf32> to vector<16xf32>
          %swap3A_72 = vector.shape_cast %add3A_67 : vector<16xf32> to vector<1x16xf32>
          tpu.vector_store %arg11[%swap3A_68, %swap3A_69], %swap3A_72 {strides = array<i32>} : memref<200x128xf32, #tpu.memory_space<vmem>>, vector<1x16xf32>,
          %get3A_73 = arith.index_cast %scan3A_46 : i32 to index
          %get3A_74 = arith.constant 32 : index
          %get3A_75 = tpu.vector_load %arg11[%get3A_73, %get3A_74] {strides = array<i32>} : memref<200x128xf32, #tpu.memory_space<vmem>>, vector<1x16xf32>,
          %get3A_76 = vector.shape_cast %get3A_75 : vector<1x16xf32> to vector<16xf32>
          %get3A_77 = arith.index_cast %scan3A_46 : i32 to index
          %get3A_78 = arith.constant 32 : index
          %get3A_79 = tpu.vector_load %arg13[%get3A_77, %get3A_78] {strides = array<i32>} : memref<200x128xf32, #tpu.memory_space<vmem>>, vector<1x16xf32>,
          %get3A_80 = vector.shape_cast %get3A_79 : vector<1x16xf32> to vector<16xf32>
          %add3A_81 = arith.addf %get3A_76, %get3A_80 : vector<16xf32>
          %swap3A_82 = arith.index_cast %scan3A_46 : i32 to index
          %swap3A_83 = arith.constant 32 : index
          %swap3A_84 = tpu.vector_load %arg11[%swap3A_82, %swap3A_83] {strides = array<i32>} : memref<200x128xf32, #tpu.memory_space<vmem>>, vector<1x16xf32>,
          %swap3A_85 = vector.shape_cast %swap3A_84 : vector<1x16xf32> to vector<16xf32>
          %swap3A_86 = vector.shape_cast %add3A_81 : vector<16xf32> to vector<1x16xf32>
          tpu.vector_store %arg11[%swap3A_82, %swap3A_83], %swap3A_86 {strides = array<i32>} : memref<200x128xf32, #tpu.memory_space<vmem>>, vector<1x16xf32>,
          %get3A_87 = arith.index_cast %scan3A_46 : i32 to index
          %get3A_88 = arith.constant 48 : index
          %get3A_89 = tpu.vector_load %arg11[%get3A_87, %get3A_88] {strides = array<i32>} : memref<200x128xf32, #tpu.memory_space<vmem>>, vector<1x16xf32>,
          %get3A_90 = vector.shape_cast %get3A_89 : vector<1x16xf32> to vector<16xf32>
          %get3A_91 = arith.index_cast %scan3A_46 : i32 to index
          %get3A_92 = arith.constant 48 : index
          %get3A_93 = tpu.vector_load %arg13[%get3A_91, %get3A_92] {strides = array<i32>} : memref<200x128xf32, #tpu.memory_space<vmem>>, vector<1x16xf32>,
          %get3A_94 = vector.shape_cast %get3A_93 : vector<1x16xf32> to vector<16xf32>
          %add3A_95 = arith.addf %get3A_90, %get3A_94 : vector<16xf32>
          %swap3A_96 = arith.index_cast %scan3A_46 : i32 to index
          %swap3A_97 = arith.constant 48 : index
          %swap3A_98 = tpu.vector_load %arg11[%swap3A_96, %swap3A_97] {strides = array<i32>} : memref<200x128xf32, #tpu.memory_space<vmem>>, vector<1x16xf32>,
          %swap3A_99 = vector.shape_cast %swap3A_98 : vector<1x16xf32> to vector<16xf32>
          %swap3A_100 = vector.shape_cast %add3A_95 : vector<16xf32> to vector<1x16xf32>
          tpu.vector_store %arg11[%swap3A_96, %swap3A_97], %swap3A_100 {strides = array<i32>} : memref<200x128xf32, #tpu.memory_space<vmem>>, vector<1x16xf32>,
          %get3A_101 = arith.index_cast %scan3A_46 : i32 to index
          %get3A_102 = arith.constant 64 : index
          %get3A_103 = tpu.vector_load %arg11[%get3A_101, %get3A_102] {strides = array<i32>} : memref<200x128xf32, #tpu.memory_space<vmem>>, vector<1x16xf32>,
          %get3A_104 = vector.shape_cast %get3A_103 : vector<1x16xf32> to vector<16xf32>
          %get3A_105 = arith.index_cast %scan3A_46 : i32 to index
          %get3A_106 = arith.constant 64 : index
          %get3A_107 = tpu.vector_load %arg13[%get3A_105, %get3A_106] {strides = array<i32>} : memref<200x128xf32, #tpu.memory_space<vmem>>, vector<1x16xf32>,
          %get3A_108 = vector.shape_cast %get3A_107 : vector<1x16xf32> to vector<16xf32>
          %add3A_109 = arith.addf %get3A_104, %get3A_108 : vector<16xf32>
          %swap3A_110 = arith.index_cast %scan3A_46 : i32 to index
          %swap3A_111 = arith.constant 64 : index
          %swap3A_112 = tpu.vector_load %arg11[%swap3A_110, %swap3A_111] {strides = array<i32>} : memref<200x128xf32, #tpu.memory_space<vmem>>, vector<1x16xf32>,
          %swap3A_113 = vector.shape_cast %swap3A_112 : vector<1x16xf32> to vector<16xf32>
          %swap3A_114 = vector.shape_cast %add3A_109 : vector<16xf32> to vector<1x16xf32>
          tpu.vector_store %arg11[%swap3A_110, %swap3A_111], %swap3A_114 {strides = array<i32>} : memref<200x128xf32, #tpu.memory_space<vmem>>, vector<1x16xf32>,
          %get3A_115 = arith.index_cast %scan3A_46 : i32 to index
          %get3A_116 = arith.constant 80 : index
          %get3A_117 = tpu.vector_load %arg11[%get3A_115, %get3A_116] {strides = array<i32>} : memref<200x128xf32, #tpu.memory_space<vmem>>, vector<1x16xf32>,
          %get3A_118 = vector.shape_cast %get3A_117 : vector<1x16xf32> to vector<16xf32>
          %get3A_119 = arith.index_cast %scan3A_46 : i32 to index
          %get3A_120 = arith.constant 80 : index
          %get3A_121 = tpu.vector_load %arg13[%get3A_119, %get3A_120] {strides = array<i32>} : memref<200x128xf32, #tpu.memory_space<vmem>>, vector<1x16xf32>,
          %get3A_122 = vector.shape_cast %get3A_121 : vector<1x16xf32> to vector<16xf32>
          %add3A_123 = arith.addf %get3A_118, %get3A_122 : vector<16xf32>
          %swap3A_124 = arith.index_cast %scan3A_46 : i32 to index
          %swap3A_125 = arith.constant 80 : index
          %swap3A_126 = tpu.vector_load %arg11[%swap3A_124, %swap3A_125] {strides = array<i32>} : memref<200x128xf32, #tpu.memory_space<vmem>>, vector<1x16xf32>,
          %swap3A_127 = vector.shape_cast %swap3A_126 : vector<1x16xf32> to vector<16xf32>
          %swap3A_128 = vector.shape_cast %add3A_123 : vector<16xf32> to vector<1x16xf32>
          tpu.vector_store %arg11[%swap3A_124, %swap3A_125], %swap3A_128 {strides = array<i32>} : memref<200x128xf32, #tpu.memory_space<vmem>>, vector<1x16xf32>,
          %get3A_129 = arith.index_cast %scan3A_46 : i32 to index
          %get3A_130 = arith.constant 96 : index
          %get3A_131 = tpu.vector_load %arg11[%get3A_129, %get3A_130] {strides = array<i32>} : memref<200x128xf32, #tpu.memory_space<vmem>>, vector<1x16xf32>,
          %get3A_132 = vector.shape_cast %get3A_131 : vector<1x16xf32> to vector<16xf32>
          %get3A_133 = arith.index_cast %scan3A_46 : i32 to index
          %get3A_134 = arith.constant 96 : index
          %get3A_135 = tpu.vector_load %arg13[%get3A_133, %get3A_134] {strides = array<i32>} : memref<200x128xf32, #tpu.memory_space<vmem>>, vector<1x16xf32>,
          %get3A_136 = vector.shape_cast %get3A_135 : vector<1x16xf32> to vector<16xf32>
          %add3A_137 = arith.addf %get3A_132, %get3A_136 : vector<16xf32>
          %swap3A_138 = arith.index_cast %scan3A_46 : i32 to index
          %swap3A_139 = arith.constant 96 : index
          %swap3A_140 = tpu.vector_load %arg11[%swap3A_138, %swap3A_139] {strides = array<i32>} : memref<200x128xf32, #tpu.memory_space<vmem>>, vector<1x16xf32>,
          %swap3A_141 = vector.shape_cast %swap3A_140 : vector<1x16xf32> to vector<16xf32>
          %swap3A_142 = vector.shape_cast %add3A_137 : vector<16xf32> to vector<1x16xf32>
          tpu.vector_store %arg11[%swap3A_138, %swap3A_139], %swap3A_142 {strides = array<i32>} : memref<200x128xf32, #tpu.memory_space<vmem>>, vector<1x16xf32>,
          %get3A_143 = arith.index_cast %scan3A_46 : i32 to index
          %get3A_144 = arith.constant 112 : index
          %get3A_145 = tpu.vector_load %arg11[%get3A_143, %get3A_144] {strides = array<i32>} : memref<200x128xf32, #tpu.memory_space<vmem>>, vector<1x16xf32>,
          %get3A_146 = vector.shape_cast %get3A_145 : vector<1x16xf32> to vector<16xf32>
          %get3A_147 = arith.index_cast %scan3A_46 : i32 to index
          %get3A_148 = arith.constant 112 : index
          %get3A_149 = tpu.vector_load %arg13[%get3A_147, %get3A_148] {strides = array<i32>} : memref<200x128xf32, #tpu.memory_space<vmem>>, vector<1x16xf32>,
          %get3A_150 = vector.shape_cast %get3A_149 : vector<1x16xf32> to vector<16xf32>
          %add3A_151 = arith.addf %get3A_146, %get3A_150 : vector<16xf32>
          %swap3A_152 = arith.index_cast %scan3A_46 : i32 to index
          %swap3A_153 = arith.constant 112 : index
          %swap3A_154 = tpu.vector_load %arg11[%swap3A_152, %swap3A_153] {strides = array<i32>} : memref<200x128xf32, #tpu.memory_space<vmem>>, vector<1x16xf32>,
          %swap3A_155 = vector.shape_cast %swap3A_154 : vector<1x16xf32> to vector<16xf32>
          %swap3A_156 = vector.shape_cast %add3A_151 : vector<16xf32> to vector<1x16xf32>
          tpu.vector_store %arg11[%swap3A_152, %swap3A_153], %swap3A_156 {strides = array<i32>} : memref<200x128xf32, #tpu.memory_space<vmem>>, vector<1x16xf32>,
        }
        %scan3A_42 = arith.constant 200 : i32
        %mul3A_43 = arith.constant 200 : i32
        %mul3A_44 = arith.muli %scan3A_15, %mul3A_43 : i32
        %add3A_45 = arith.addi %mul3A_2, %mul3A_44 : i32
        "tpu.region"() ({
          %run_scoped3A = tpu.sem_alloc : memref<!tpu.dma_semaphore, #tpu.memory_space<semaphore_mem>>
          %dma_start3A_46 = arith.constant 0 : i32
          %dma_start3A_47 = tpu.memref_slice %arg6[%add3A_45, %dma_start3A_46] : memref<320000x128xf32, #tpu.memory_space<hbm>> -> memref<200x128xf32, #tpu.memory_space<hbm>>
          %dma_start3A_48 = arith.constant 0 : i32
          %dma_start3A_49 = tpu.memref_slice %arg6[%add3A_45, %dma_start3A_48] : memref<320000x128xf32, #tpu.memory_space<hbm>> -> memref<200x128xf32, #tpu.memory_space<hbm>>
          tpu.enqueue_dma source(%arg11 : memref<200x128xf32, #tpu.memory_space<vmem>>) target(%dma_start3A_49 : memref<200x128xf32, #tpu.memory_space<hbm>>) target_semaphore(%run_scoped3A : memref<!tpu.dma_semaphore, #tpu.memory_space<semaphore_mem>>)
          %dma_wait3A_50 = arith.constant 0 : i32
          %dma_wait3A_51 = tpu.memref_slice %arg6[%add3A_45, %dma_wait3A_50] : memref<320000x128xf32, #tpu.memory_space<hbm>> -> memref<200x128xf32, #tpu.memory_space<hbm>>
          %dma_wait3A_52 = arith.constant 0 : i32
          %dma_wait3A_53 = tpu.memref_slice %arg6[%add3A_45, %dma_wait3A_52] : memref<320000x128xf32, #tpu.memory_space<hbm>> -> memref<200x128xf32, #tpu.memory_space<hbm>>
          tpu.wait_dma2 semaphore(%run_scoped3A : memref<!tpu.dma_semaphore, #tpu.memory_space<semaphore_mem>>) src(%arg11 : memref<200x128xf32, #tpu.memory_space<vmem>>) dst(%dma_wait3A_53 : memref<200x128xf32, #tpu.memory_space<hbm>>)
          tpu.yield
        }) : () -> ()
      } else {
      }
      %rem3A_19 = arith.constant 2 : i32
      %rem3A_20 = arith.remsi %scan3A_15, %rem3A_19 : i32
      %eq3A_21 = arith.constant 1 : i32
      %eq3A_22 = arith.cmpi eq, %rem3A_20, %eq3A_21 : i32
      %convert_element_type3A_23 = arith.extui %eq3A_22 : i1 to i32
      %cond3A_24 = arith.constant 0 : i32
      %cond3A_25 = arith.cmpi ne, %convert_element_type3A_23, %cond3A_24 : i32
      scf.if %cond3A_25 {
        %add3A_26 = arith.constant 1 : i32
        %add3A_27 = arith.addi %scan3A_15, %add3A_26 : i32
        %lt3A = arith.constant 50 : i32
        %lt3A_28 = arith.cmpi slt, %add3A_27, %lt3A : i32
        %convert_element_type3A_29 = arith.extui %lt3A_28 : i1 to i32
        %cond3A_30 = arith.constant 0 : i32
        %cond3A_31 = arith.cmpi ne, %convert_element_type3A_29, %cond3A_30 : i32
        scf.if %cond3A_31 {
          %add3A_46 = arith.constant 1 : i32
          %add3A_47 = arith.addi %scan3A_15, %add3A_46 : i32
          %mul3A_48 = arith.constant 200 : i32
          %mul3A_49 = arith.muli %add3A_47, %mul3A_48 : i32
          %add3A_50 = arith.addi %mul3A_2, %mul3A_49 : i32
          "tpu.region"() ({
            %run_scoped3A = tpu.sem_alloc : memref<!tpu.dma_semaphore, #tpu.memory_space<semaphore_mem>>
            %dma_start3A_57 = tpu.memref_slice %arg4[%add3A_50] : memref<320000xi32, #tpu.memory_space<hbm>> -> memref<200xi32, #tpu.memory_space<hbm>>
            %dma_start3A_58 = tpu.memref_slice %arg4[%add3A_50] : memref<320000xi32, #tpu.memory_space<hbm>> -> memref<200xi32, #tpu.memory_space<hbm>>
            tpu.enqueue_dma source(%dma_start3A_58 : memref<200xi32, #tpu.memory_space<hbm>>) target(%arg7 : memref<200xi32, #tpu.memory_space<vmem>>) target_semaphore(%run_scoped3A : memref<!tpu.dma_semaphore, #tpu.memory_space<semaphore_mem>>)
            %dma_wait3A_59 = tpu.memref_slice %arg4[%add3A_50] : memref<320000xi32, #tpu.memory_space<hbm>> -> memref<200xi32, #tpu.memory_space<hbm>>
            %dma_wait3A_60 = tpu.memref_slice %arg4[%add3A_50] : memref<320000xi32, #tpu.memory_space<hbm>> -> memref<200xi32, #tpu.memory_space<hbm>>
            tpu.wait_dma2 semaphore(%run_scoped3A : memref<!tpu.dma_semaphore, #tpu.memory_space<semaphore_mem>>) src(%dma_wait3A_60 : memref<200xi32, #tpu.memory_space<hbm>>) dst(%arg7 : memref<200xi32, #tpu.memory_space<vmem>>)
            tpu.yield
          }) : () -> ()
          "tpu.region"() ({
            %run_scoped3A = tpu.sem_alloc : memref<!tpu.dma_semaphore, #tpu.memory_space<semaphore_mem>>
            %dma_start3A_57 = tpu.memref_slice %arg5[%add3A_50] : memref<320000xi32, #tpu.memory_space<hbm>> -> memref<200xi32, #tpu.memory_space<hbm>>
            %dma_start3A_58 = tpu.memref_slice %arg5[%add3A_50] : memref<320000xi32, #tpu.memory_space<hbm>> -> memref<200xi32, #tpu.memory_space<hbm>>
            tpu.enqueue_dma source(%dma_start3A_58 : memref<200xi32, #tpu.memory_space<hbm>>) target(%arg9 : memref<200xi32, #tpu.memory_space<vmem>>) target_semaphore(%run_scoped3A : memref<!tpu.dma_semaphore, #tpu.memory_space<semaphore_mem>>)
            %dma_wait3A_59 = tpu.memref_slice %arg5[%add3A_50] : memref<320000xi32, #tpu.memory_space<hbm>> -> memref<200xi32, #tpu.memory_space<hbm>>
            %dma_wait3A_60 = tpu.memref_slice %arg5[%add3A_50] : memref<320000xi32, #tpu.memory_space<hbm>> -> memref<200xi32, #tpu.memory_space<hbm>>
            tpu.wait_dma2 semaphore(%run_scoped3A : memref<!tpu.dma_semaphore, #tpu.memory_space<semaphore_mem>>) src(%dma_wait3A_60 : memref<200xi32, #tpu.memory_space<hbm>>) dst(%arg9 : memref<200xi32, #tpu.memory_space<vmem>>)
            tpu.yield
          }) : () -> ()
          %dma_start3A_51 = arith.constant 0 : i32
          %dma_start3A_52 = arith.constant 0 : i32
          %dma_start3A_53 = tpu.memref_slice %arg2[%dma_start3A_51, %dma_start3A_52] : memref<10000x128xf32, #tpu.memory_space<hbm>> -> memref<10000x128xf32, #tpu.memory_space<hbm>>
          tpu.enqueue_indirect_dma source(%dma_start3A_53 : memref<10000x128xf32, #tpu.memory_space<hbm>>) target(%arg11 : memref<200x128xf32, #tpu.memory_space<vmem>>) offsets(%arg7 : memref<200xi32, #tpu.memory_space<vmem>>) semaphore(%arg15 : memref<!tpu.dma_semaphore, #tpu.memory_space<semaphore_mem>>)
          %dma_start3A_54 = arith.constant 0 : i32
          %dma_start3A_55 = arith.constant 0 : i32
          %dma_start3A_56 = tpu.memref_slice %arg3[%dma_start3A_54, %dma_start3A_55] : memref<10000x128xf32, #tpu.memory_space<hbm>> -> memref<10000x128xf32, #tpu.memory_space<hbm>>
          tpu.enqueue_indirect_dma source(%dma_start3A_56 : memref<10000x128xf32, #tpu.memory_space<hbm>>) target(%arg13 : memref<200x128xf32, #tpu.memory_space<vmem>>) offsets(%arg9 : memref<200xi32, #tpu.memory_space<vmem>>) semaphore(%arg17 : memref<!tpu.dma_semaphore, #tpu.memory_space<semaphore_mem>>)
        } else {
        }
        %dma_wait3A = arith.constant 0 : i32
        %dma_wait3A_32 = arith.constant 0 : i32
        %dma_wait3A_33 = tpu.memref_slice %arg2[%dma_wait3A, %dma_wait3A_32] : memref<10000x128xf32, #tpu.memory_space<hbm>> -> memref<10000x128xf32, #tpu.memory_space<hbm>>
        tpu.wait_indirect_dma semaphore(%arg16 : memref<!tpu.dma_semaphore, #tpu.memory_space<semaphore_mem>>) src(%dma_wait3A_33 : memref<10000x128xf32, #tpu.memory_space<hbm>>) dst(%arg12 : memref<200x128xf32, #tpu.memory_space<vmem>>)
        %dma_wait3A_34 = arith.constant 0 : i32
        %dma_wait3A_35 = arith.constant 0 : i32
        %dma_wait3A_36 = tpu.memref_slice %arg3[%dma_wait3A_34, %dma_wait3A_35] : memref<10000x128xf32, #tpu.memory_space<hbm>> -> memref<10000x128xf32, #tpu.memory_space<hbm>>
        tpu.wait_indirect_dma semaphore(%arg18 : memref<!tpu.dma_semaphore, #tpu.memory_space<semaphore_mem>>) src(%dma_wait3A_36 : memref<10000x128xf32, #tpu.memory_space<hbm>>) dst(%arg14 : memref<200x128xf32, #tpu.memory_space<vmem>>)
        %scan3A_37 = arith.constant 0 : i32
        %scan3A_38 = arith.constant 0 : i32
        %scan3A_39 = arith.constant 200 : i32
        %scan3A_40 = arith.addi %scan3A_38, %scan3A_39 : i32
        %scan3A_41 = arith.constant 1 : i32
        scf.for %scan3A_46 = %scan3A_38 to %scan3A_40 step %scan3A_41  : i32 {
          %get3A = arith.index_cast %scan3A_46 : i32 to index
          %get3A_47 = arith.constant 0 : index
          %get3A_48 = tpu.vector_load %arg12[%get3A, %get3A_47] {strides = array<i32>} : memref<200x128xf32, #tpu.memory_space<vmem>>, vector<1x16xf32>,
          %get3A_49 = vector.shape_cast %get3A_48 : vector<1x16xf32> to vector<16xf32>
          %get3A_50 = arith.index_cast %scan3A_46 : i32 to index
          %get3A_51 = arith.constant 0 : index
          %get3A_52 = tpu.vector_load %arg14[%get3A_50, %get3A_51] {strides = array<i32>} : memref<200x128xf32, #tpu.memory_space<vmem>>, vector<1x16xf32>,
          %get3A_53 = vector.shape_cast %get3A_52 : vector<1x16xf32> to vector<16xf32>
          %add3A_54 = arith.addf %get3A_49, %get3A_53 : vector<16xf32>
          %swap3A = arith.index_cast %scan3A_46 : i32 to index
          %swap3A_55 = arith.constant 0 : index
          %swap3A_56 = tpu.vector_load %arg12[%swap3A, %swap3A_55] {strides = array<i32>} : memref<200x128xf32, #tpu.memory_space<vmem>>, vector<1x16xf32>,
          %swap3A_57 = vector.shape_cast %swap3A_56 : vector<1x16xf32> to vector<16xf32>
          %swap3A_58 = vector.shape_cast %add3A_54 : vector<16xf32> to vector<1x16xf32>
          tpu.vector_store %arg12[%swap3A, %swap3A_55], %swap3A_58 {strides = array<i32>} : memref<200x128xf32, #tpu.memory_space<vmem>>, vector<1x16xf32>,
          %get3A_59 = arith.index_cast %scan3A_46 : i32 to index
          %get3A_60 = arith.constant 16 : index
          %get3A_61 = tpu.vector_load %arg12[%get3A_59, %get3A_60] {strides = array<i32>} : memref<200x128xf32, #tpu.memory_space<vmem>>, vector<1x16xf32>,
          %get3A_62 = vector.shape_cast %get3A_61 : vector<1x16xf32> to vector<16xf32>
          %get3A_63 = arith.index_cast %scan3A_46 : i32 to index
          %get3A_64 = arith.constant 16 : index
          %get3A_65 = tpu.vector_load %arg14[%get3A_63, %get3A_64] {strides = array<i32>} : memref<200x128xf32, #tpu.memory_space<vmem>>, vector<1x16xf32>,
          %get3A_66 = vector.shape_cast %get3A_65 : vector<1x16xf32> to vector<16xf32>
          %add3A_67 = arith.addf %get3A_62, %get3A_66 : vector<16xf32>
          %swap3A_68 = arith.index_cast %scan3A_46 : i32 to index
          %swap3A_69 = arith.constant 16 : index
          %swap3A_70 = tpu.vector_load %arg12[%swap3A_68, %swap3A_69] {strides = array<i32>} : memref<200x128xf32, #tpu.memory_space<vmem>>, vector<1x16xf32>,
          %swap3A_71 = vector.shape_cast %swap3A_70 : vector<1x16xf32> to vector<16xf32>
          %swap3A_72 = vector.shape_cast %add3A_67 : vector<16xf32> to vector<1x16xf32>
          tpu.vector_store %arg12[%swap3A_68, %swap3A_69], %swap3A_72 {strides = array<i32>} : memref<200x128xf32, #tpu.memory_space<vmem>>, vector<1x16xf32>,
          %get3A_73 = arith.index_cast %scan3A_46 : i32 to index
          %get3A_74 = arith.constant 32 : index
          %get3A_75 = tpu.vector_load %arg12[%get3A_73, %get3A_74] {strides = array<i32>} : memref<200x128xf32, #tpu.memory_space<vmem>>, vector<1x16xf32>,
          %get3A_76 = vector.shape_cast %get3A_75 : vector<1x16xf32> to vector<16xf32>
          %get3A_77 = arith.index_cast %scan3A_46 : i32 to index
          %get3A_78 = arith.constant 32 : index
          %get3A_79 = tpu.vector_load %arg14[%get3A_77, %get3A_78] {strides = array<i32>} : memref<200x128xf32, #tpu.memory_space<vmem>>, vector<1x16xf32>,
          %get3A_80 = vector.shape_cast %get3A_79 : vector<1x16xf32> to vector<16xf32>
          %add3A_81 = arith.addf %get3A_76, %get3A_80 : vector<16xf32>
          %swap3A_82 = arith.index_cast %scan3A_46 : i32 to index
          %swap3A_83 = arith.constant 32 : index
          %swap3A_84 = tpu.vector_load %arg12[%swap3A_82, %swap3A_83] {strides = array<i32>} : memref<200x128xf32, #tpu.memory_space<vmem>>, vector<1x16xf32>,
          %swap3A_85 = vector.shape_cast %swap3A_84 : vector<1x16xf32> to vector<16xf32>
          %swap3A_86 = vector.shape_cast %add3A_81 : vector<16xf32> to vector<1x16xf32>
          tpu.vector_store %arg12[%swap3A_82, %swap3A_83], %swap3A_86 {strides = array<i32>} : memref<200x128xf32, #tpu.memory_space<vmem>>, vector<1x16xf32>,
          %get3A_87 = arith.index_cast %scan3A_46 : i32 to index
          %get3A_88 = arith.constant 48 : index
          %get3A_89 = tpu.vector_load %arg12[%get3A_87, %get3A_88] {strides = array<i32>} : memref<200x128xf32, #tpu.memory_space<vmem>>, vector<1x16xf32>,
          %get3A_90 = vector.shape_cast %get3A_89 : vector<1x16xf32> to vector<16xf32>
          %get3A_91 = arith.index_cast %scan3A_46 : i32 to index
          %get3A_92 = arith.constant 48 : index
          %get3A_93 = tpu.vector_load %arg14[%get3A_91, %get3A_92] {strides = array<i32>} : memref<200x128xf32, #tpu.memory_space<vmem>>, vector<1x16xf32>,
          %get3A_94 = vector.shape_cast %get3A_93 : vector<1x16xf32> to vector<16xf32>
          %add3A_95 = arith.addf %get3A_90, %get3A_94 : vector<16xf32>
          %swap3A_96 = arith.index_cast %scan3A_46 : i32 to index
          %swap3A_97 = arith.constant 48 : index
          %swap3A_98 = tpu.vector_load %arg12[%swap3A_96, %swap3A_97] {strides = array<i32>} : memref<200x128xf32, #tpu.memory_space<vmem>>, vector<1x16xf32>,
          %swap3A_99 = vector.shape_cast %swap3A_98 : vector<1x16xf32> to vector<16xf32>
          %swap3A_100 = vector.shape_cast %add3A_95 : vector<16xf32> to vector<1x16xf32>
          tpu.vector_store %arg12[%swap3A_96, %swap3A_97], %swap3A_100 {strides = array<i32>} : memref<200x128xf32, #tpu.memory_space<vmem>>, vector<1x16xf32>,
          %get3A_101 = arith.index_cast %scan3A_46 : i32 to index
          %get3A_102 = arith.constant 64 : index
          %get3A_103 = tpu.vector_load %arg12[%get3A_101, %get3A_102] {strides = array<i32>} : memref<200x128xf32, #tpu.memory_space<vmem>>, vector<1x16xf32>,
          %get3A_104 = vector.shape_cast %get3A_103 : vector<1x16xf32> to vector<16xf32>
          %get3A_105 = arith.index_cast %scan3A_46 : i32 to index
          %get3A_106 = arith.constant 64 : index
          %get3A_107 = tpu.vector_load %arg14[%get3A_105, %get3A_106] {strides = array<i32>} : memref<200x128xf32, #tpu.memory_space<vmem>>, vector<1x16xf32>,
          %get3A_108 = vector.shape_cast %get3A_107 : vector<1x16xf32> to vector<16xf32>
          %add3A_109 = arith.addf %get3A_104, %get3A_108 : vector<16xf32>
          %swap3A_110 = arith.index_cast %scan3A_46 : i32 to index
          %swap3A_111 = arith.constant 64 : index
          %swap3A_112 = tpu.vector_load %arg12[%swap3A_110, %swap3A_111] {strides = array<i32>} : memref<200x128xf32, #tpu.memory_space<vmem>>, vector<1x16xf32>,
          %swap3A_113 = vector.shape_cast %swap3A_112 : vector<1x16xf32> to vector<16xf32>
          %swap3A_114 = vector.shape_cast %add3A_109 : vector<16xf32> to vector<1x16xf32>
          tpu.vector_store %arg12[%swap3A_110, %swap3A_111], %swap3A_114 {strides = array<i32>} : memref<200x128xf32, #tpu.memory_space<vmem>>, vector<1x16xf32>,
          %get3A_115 = arith.index_cast %scan3A_46 : i32 to index
          %get3A_116 = arith.constant 80 : index
          %get3A_117 = tpu.vector_load %arg12[%get3A_115, %get3A_116] {strides = array<i32>} : memref<200x128xf32, #tpu.memory_space<vmem>>, vector<1x16xf32>,
          %get3A_118 = vector.shape_cast %get3A_117 : vector<1x16xf32> to vector<16xf32>
          %get3A_119 = arith.index_cast %scan3A_46 : i32 to index
          %get3A_120 = arith.constant 80 : index
          %get3A_121 = tpu.vector_load %arg14[%get3A_119, %get3A_120] {strides = array<i32>} : memref<200x128xf32, #tpu.memory_space<vmem>>, vector<1x16xf32>,
          %get3A_122 = vector.shape_cast %get3A_121 : vector<1x16xf32> to vector<16xf32>
          %add3A_123 = arith.addf %get3A_118, %get3A_122 : vector<16xf32>
          %swap3A_124 = arith.index_cast %scan3A_46 : i32 to index
          %swap3A_125 = arith.constant 80 : index
          %swap3A_126 = tpu.vector_load %arg12[%swap3A_124, %swap3A_125] {strides = array<i32>} : memref<200x128xf32, #tpu.memory_space<vmem>>, vector<1x16xf32>,
          %swap3A_127 = vector.shape_cast %swap3A_126 : vector<1x16xf32> to vector<16xf32>
          %swap3A_128 = vector.shape_cast %add3A_123 : vector<16xf32> to vector<1x16xf32>
          tpu.vector_store %arg12[%swap3A_124, %swap3A_125], %swap3A_128 {strides = array<i32>} : memref<200x128xf32, #tpu.memory_space<vmem>>, vector<1x16xf32>,
          %get3A_129 = arith.index_cast %scan3A_46 : i32 to index
          %get3A_130 = arith.constant 96 : index
          %get3A_131 = tpu.vector_load %arg12[%get3A_129, %get3A_130] {strides = array<i32>} : memref<200x128xf32, #tpu.memory_space<vmem>>, vector<1x16xf32>,
          %get3A_132 = vector.shape_cast %get3A_131 : vector<1x16xf32> to vector<16xf32>
          %get3A_133 = arith.index_cast %scan3A_46 : i32 to index
          %get3A_134 = arith.constant 96 : index
          %get3A_135 = tpu.vector_load %arg14[%get3A_133, %get3A_134] {strides = array<i32>} : memref<200x128xf32, #tpu.memory_space<vmem>>, vector<1x16xf32>,
          %get3A_136 = vector.shape_cast %get3A_135 : vector<1x16xf32> to vector<16xf32>
          %add3A_137 = arith.addf %get3A_132, %get3A_136 : vector<16xf32>
          %swap3A_138 = arith.index_cast %scan3A_46 : i32 to index
          %swap3A_139 = arith.constant 96 : index
          %swap3A_140 = tpu.vector_load %arg12[%swap3A_138, %swap3A_139] {strides = array<i32>} : memref<200x128xf32, #tpu.memory_space<vmem>>, vector<1x16xf32>,
          %swap3A_141 = vector.shape_cast %swap3A_140 : vector<1x16xf32> to vector<16xf32>
          %swap3A_142 = vector.shape_cast %add3A_137 : vector<16xf32> to vector<1x16xf32>
          tpu.vector_store %arg12[%swap3A_138, %swap3A_139], %swap3A_142 {strides = array<i32>} : memref<200x128xf32, #tpu.memory_space<vmem>>, vector<1x16xf32>,
          %get3A_143 = arith.index_cast %scan3A_46 : i32 to index
          %get3A_144 = arith.constant 112 : index
          %get3A_145 = tpu.vector_load %arg12[%get3A_143, %get3A_144] {strides = array<i32>} : memref<200x128xf32, #tpu.memory_space<vmem>>, vector<1x16xf32>,
          %get3A_146 = vector.shape_cast %get3A_145 : vector<1x16xf32> to vector<16xf32>
          %get3A_147 = arith.index_cast %scan3A_46 : i32 to index
          %get3A_148 = arith.constant 112 : index
          %get3A_149 = tpu.vector_load %arg14[%get3A_147, %get3A_148] {strides = array<i32>} : memref<200x128xf32, #tpu.memory_space<vmem>>, vector<1x16xf32>,
          %get3A_150 = vector.shape_cast %get3A_149 : vector<1x16xf32> to vector<16xf32>
          %add3A_151 = arith.addf %get3A_146, %get3A_150 : vector<16xf32>
          %swap3A_152 = arith.index_cast %scan3A_46 : i32 to index
          %swap3A_153 = arith.constant 112 : index
          %swap3A_154 = tpu.vector_load %arg12[%swap3A_152, %swap3A_153] {strides = array<i32>} : memref<200x128xf32, #tpu.memory_space<vmem>>, vector<1x16xf32>,
          %swap3A_155 = vector.shape_cast %swap3A_154 : vector<1x16xf32> to vector<16xf32>
          %swap3A_156 = vector.shape_cast %add3A_151 : vector<16xf32> to vector<1x16xf32>
          tpu.vector_store %arg12[%swap3A_152, %swap3A_153], %swap3A_156 {strides = array<i32>} : memref<200x128xf32, #tpu.memory_space<vmem>>, vector<1x16xf32>,
        }
        %scan3A_42 = arith.constant 200 : i32
        %mul3A_43 = arith.constant 200 : i32
        %mul3A_44 = arith.muli %scan3A_15, %mul3A_43 : i32
        %add3A_45 = arith.addi %mul3A_2, %mul3A_44 : i32
        "tpu.region"() ({
          %run_scoped3A = tpu.sem_alloc : memref<!tpu.dma_semaphore, #tpu.memory_space<semaphore_mem>>
          %dma_start3A_46 = arith.constant 0 : i32
          %dma_start3A_47 = tpu.memref_slice %arg6[%add3A_45, %dma_start3A_46] : memref<320000x128xf32, #tpu.memory_space<hbm>> -> memref<200x128xf32, #tpu.memory_space<hbm>>
          %dma_start3A_48 = arith.constant 0 : i32
          %dma_start3A_49 = tpu.memref_slice %arg6[%add3A_45, %dma_start3A_48] : memref<320000x128xf32, #tpu.memory_space<hbm>> -> memref<200x128xf32, #tpu.memory_space<hbm>>
          tpu.enqueue_dma source(%arg12 : memref<200x128xf32, #tpu.memory_space<vmem>>) target(%dma_start3A_49 : memref<200x128xf32, #tpu.memory_space<hbm>>) target_semaphore(%run_scoped3A : memref<!tpu.dma_semaphore, #tpu.memory_space<semaphore_mem>>)
          %dma_wait3A_50 = arith.constant 0 : i32
          %dma_wait3A_51 = tpu.memref_slice %arg6[%add3A_45, %dma_wait3A_50] : memref<320000x128xf32, #tpu.memory_space<hbm>> -> memref<200x128xf32, #tpu.memory_space<hbm>>
          %dma_wait3A_52 = arith.constant 0 : i32
          %dma_wait3A_53 = tpu.memref_slice %arg6[%add3A_45, %dma_wait3A_52] : memref<320000x128xf32, #tpu.memory_space<hbm>> -> memref<200x128xf32, #tpu.memory_space<hbm>>
          tpu.wait_dma2 semaphore(%run_scoped3A : memref<!tpu.dma_semaphore, #tpu.memory_space<semaphore_mem>>) src(%arg12 : memref<200x128xf32, #tpu.memory_space<vmem>>) dst(%dma_wait3A_53 : memref<200x128xf32, #tpu.memory_space<hbm>>)
          tpu.yield
        }) : () -> ()
      } else {
      }
    }
    %scan3A_14 = arith.constant 50 : i32
    return
  }
}

module attributes {stable_mosaic.version = 14 : i64} {
  func.func @prep_body(%arg0: i32, %arg1: memref<2000x128xf32, #tpu.memory_space<vmem>>, %arg2: memref<1x1x2000xi32, #tpu.memory_space<vmem>>, %arg3: memref<16x128xf32, #tpu.memory_space<vmem>>, %arg4: memref<128x128xf32, #tpu.memory_space<vmem>>, %arg5: memref<128x128xf32, #tpu.memory_space<vmem>>, %arg6: memref<128x128xf32, #tpu.memory_space<vmem>>, %arg7: memref<1x128xf32, #tpu.memory_space<vmem>>, %arg8: memref<2000x128xf32, #tpu.memory_space<vmem>>, %arg9: memref<2000x128xf32, #tpu.memory_space<vmem>>) attributes {dimension_semantics = [#tpu.dimension_semantics<arbitrary>], iteration_bounds = array<i64: 5>, scalar_prefetch = 0 : i64, scratch_operands = 0 : i64, tpu.core_type = #tpu.core_type<tc>, window_params = [{transform_indices = @transform_0, window_bounds = array<i64: 2000, 128>}, {transform_indices = @transform_1, window_bounds = array<i64: 1, 1, 2000>}, {pipeline_mode = #tpu.pipeline_mode<synchronous>, transform_indices = @transform_2, window_bounds = array<i64: 16, 128>}, {pipeline_mode = #tpu.pipeline_mode<synchronous>, transform_indices = @transform_3, window_bounds = array<i64: 128, 128>}, {pipeline_mode = #tpu.pipeline_mode<synchronous>, transform_indices = @transform_4, window_bounds = array<i64: 128, 128>}, {pipeline_mode = #tpu.pipeline_mode<synchronous>, transform_indices = @transform_5, window_bounds = array<i64: 128, 128>}, {pipeline_mode = #tpu.pipeline_mode<synchronous>, transform_indices = @transform_6, window_bounds = array<i64: 1, 128>}, {transform_indices = @transform_7, window_bounds = array<i64: 2000, 128>}, {transform_indices = @transform_8, window_bounds = array<i64: 2000, 128>}]} {
    %get3A = arith.constant 0 : index
    %get3A_0 = arith.constant 0 : index
    %get3A_1 = vector.load %arg1[%get3A, %get3A_0] : memref<2000x128xf32, #tpu.memory_space<vmem>>, vector<2000x128xf32>
    %get3A_2 = arith.constant 0 : index
    %get3A_3 = arith.constant 0 : index
    %get3A_4 = arith.constant 0 : index
    %get3A_5 = vector.load %arg2[%get3A_2, %get3A_3, %get3A_4] : memref<1x1x2000xi32, #tpu.memory_space<vmem>>, vector<1x1x2000xi32>
    %get3A_6 = vector.shape_cast %get3A_5 : vector<1x1x2000xi32> to vector<1x2000xi32>
    %iota3A = tpu.iota {dimensions = array<i32: 0>} : vector<16x2000xi32>
    %eq3A = vector.broadcast %get3A_6 : vector<1x2000xi32> to vector<16x2000xi32>
    %eq3A_7 = arith.cmpi eq, %eq3A, %iota3A : vector<16x2000xi32>
    %convert_element_type3A = arith.extui %eq3A_7 : vector<16x2000xi1> to vector<16x2000xi32>
    %convert_element_type3A_8 = arith.sitofp %convert_element_type3A : vector<16x2000xi32> to vector<16x2000xf32>
    %get3A_9 = arith.constant 0 : index
    %get3A_10 = arith.constant 0 : index
    %get3A_11 = vector.load %arg3[%get3A_9, %get3A_10] : memref<16x128xf32, #tpu.memory_space<vmem>>, vector<16x128xf32>
    %get3A_12 = arith.constant 0 : index
    %get3A_13 = arith.constant 0 : index
    %get3A_14 = vector.load %arg6[%get3A_12, %get3A_13] : memref<128x128xf32, #tpu.memory_space<vmem>>, vector<128x128xf32>
    %dot_general3A = arith.constant dense<0.000000e+00> : vector<16x128xf32>
    %dot_general3A_15 = tpu.matmul %get3A_11, %get3A_14, %dot_general3A {dimension_numbers = #tpu.dot_dimension_numbers<[1], [0], [0], [1], [0, 0, 1, 1], [], []>, transpose_lhs_hint = false} : vector<16x128xf32>, vector<128x128xf32>, vector<16x128xf32> -> vector<16x128xf32>
    %get3A_16 = arith.constant 0 : index
    %get3A_17 = arith.constant 0 : index
    %get3A_18 = vector.load %arg4[%get3A_16, %get3A_17] : memref<128x128xf32, #tpu.memory_space<vmem>>, vector<128x128xf32>
    %dot_general3A_19 = arith.constant dense<0.000000e+00> : vector<2000x128xf32>
    %dot_general3A_20 = tpu.matmul %get3A_1, %get3A_18, %dot_general3A_19 {dimension_numbers = #tpu.dot_dimension_numbers<[1], [0], [0], [1], [0, 0, 1, 1], [], []>, transpose_lhs_hint = false} : vector<2000x128xf32>, vector<128x128xf32>, vector<2000x128xf32> -> vector<2000x128xf32>
    %dot_general3A_21 = arith.constant dense<0.000000e+00> : vector<2000x128xf32>
    %dot_general3A_22 = tpu.matmul %convert_element_type3A_8, %dot_general3A_15, %dot_general3A_21 {dimension_numbers = #tpu.dot_dimension_numbers<[0], [0], [1], [1], [0, 1, 1, 1], [], []>, transpose_lhs_hint = false} : vector<16x2000xf32>, vector<16x128xf32>, vector<2000x128xf32> -> vector<2000x128xf32>
    %add3A = arith.addf %dot_general3A_20, %dot_general3A_22 : vector<2000x128xf32>
    %get3A_23 = arith.constant 0 : index
    %get3A_24 = arith.constant 0 : index
    %get3A_25 = vector.load %arg7[%get3A_23, %get3A_24] : memref<1x128xf32, #tpu.memory_space<vmem>>, vector<1x128xf32>
    %add3A_26 = vector.broadcast %get3A_25 : vector<1x128xf32> to vector<2000x128xf32>
    %add3A_27 = arith.addf %add3A, %add3A_26 : vector<2000x128xf32>
    %swap3A = arith.constant 0 : index
    %swap3A_28 = arith.constant 0 : index
    %swap3A_29 = vector.load %arg8[%swap3A, %swap3A_28] : memref<2000x128xf32, #tpu.memory_space<vmem>>, vector<2000x128xf32>
    tpu.vector_store %arg8[%swap3A, %swap3A_28], %add3A_27 {strides = array<i32>} : memref<2000x128xf32, #tpu.memory_space<vmem>>, vector<2000x128xf32>,
    %get3A_30 = arith.constant 0 : index
    %get3A_31 = arith.constant 0 : index
    %get3A_32 = vector.load %arg5[%get3A_30, %get3A_31] : memref<128x128xf32, #tpu.memory_space<vmem>>, vector<128x128xf32>
    %dot_general3A_33 = arith.constant dense<0.000000e+00> : vector<2000x128xf32>
    %dot_general3A_34 = tpu.matmul %get3A_1, %get3A_32, %dot_general3A_33 {dimension_numbers = #tpu.dot_dimension_numbers<[1], [0], [0], [1], [0, 0, 1, 1], [], []>, transpose_lhs_hint = false} : vector<2000x128xf32>, vector<128x128xf32>, vector<2000x128xf32> -> vector<2000x128xf32>
    %swap3A_35 = arith.constant 0 : index
    %swap3A_36 = arith.constant 0 : index
    %swap3A_37 = vector.load %arg9[%swap3A_35, %swap3A_36] : memref<2000x128xf32, #tpu.memory_space<vmem>>, vector<2000x128xf32>
    tpu.vector_store %arg9[%swap3A_35, %swap3A_36], %dot_general3A_34 {strides = array<i32>} : memref<2000x128xf32, #tpu.memory_space<vmem>>, vector<2000x128xf32>,
    return
  }
  func.func @transform_0(%arg0: i32) -> (i32, i32) {
    %c0_i32 = arith.constant 0 : i32
    %c0_i32_0 = arith.constant 0 : i32
    return %arg0, %c0_i32 : i32, i32
  }
  func.func @transform_1(%arg0: i32) -> (i32, i32, i32) {
    %c0_i32 = arith.constant 0 : i32
    %c0_i32_0 = arith.constant 0 : i32
    %c0_i32_1 = arith.constant 0 : i32
    return %arg0, %c0_i32, %c0_i32_0 : i32, i32, i32
  }
  func.func @transform_2(%arg0: i32) -> (i32, i32) {
    %c0_i32 = arith.constant 0 : i32
    %c0_i32_0 = arith.constant 0 : i32
    %c0_i32_1 = arith.constant 0 : i32
    return %c0_i32, %c0_i32_0 : i32, i32
  }
  func.func @transform_3(%arg0: i32) -> (i32, i32) {
    %c0_i32 = arith.constant 0 : i32
    %c0_i32_0 = arith.constant 0 : i32
    %c0_i32_1 = arith.constant 0 : i32
    return %c0_i32, %c0_i32_0 : i32, i32
  }
  func.func @transform_4(%arg0: i32) -> (i32, i32) {
    %c0_i32 = arith.constant 0 : i32
    %c0_i32_0 = arith.constant 0 : i32
    %c0_i32_1 = arith.constant 0 : i32
    return %c0_i32, %c0_i32_0 : i32, i32
  }
  func.func @transform_5(%arg0: i32) -> (i32, i32) {
    %c0_i32 = arith.constant 0 : i32
    %c0_i32_0 = arith.constant 0 : i32
    %c0_i32_1 = arith.constant 0 : i32
    return %c0_i32, %c0_i32_0 : i32, i32
  }
  func.func @transform_6(%arg0: i32) -> (i32, i32) {
    %c0_i32 = arith.constant 0 : i32
    %c0_i32_0 = arith.constant 0 : i32
    %c0_i32_1 = arith.constant 0 : i32
    return %c0_i32, %c0_i32_0 : i32, i32
  }
  func.func @transform_7(%arg0: i32) -> (i32, i32) {
    %c0_i32 = arith.constant 0 : i32
    %c0_i32_0 = arith.constant 0 : i32
    return %arg0, %c0_i32 : i32, i32
  }
  func.func @transform_8(%arg0: i32) -> (i32, i32) {
    %c0_i32 = arith.constant 0 : i32
    %c0_i32_0 = arith.constant 0 : i32
    return %arg0, %c0_i32 : i32, i32
  }
}

module attributes {stable_mosaic.version = 14 : i64} {
  func.func @edge_body(%arg0: i32, %arg1: memref<8000x128xf32, #tpu.memory_space<vmem>>, %arg2: memref<8000x128xf32, #tpu.memory_space<vmem>>, %arg3: memref<128x128xf32, #tpu.memory_space<vmem>>, %arg4: memref<128x128xf32, #tpu.memory_space<vmem>>, %arg5: memref<128x128xf32, #tpu.memory_space<vmem>>, %arg6: memref<1x128xf32, #tpu.memory_space<vmem>>, %arg7: memref<1x128xf32, #tpu.memory_space<vmem>>, %arg8: memref<8000x128xf32, #tpu.memory_space<vmem>>) attributes {dimension_semantics = [#tpu.dimension_semantics<arbitrary>], iteration_bounds = array<i64: 40>, scalar_prefetch = 0 : i64, scratch_operands = 0 : i64, tpu.core_type = #tpu.core_type<tc>, window_params = [{transform_indices = @transform_0, window_bounds = array<i64: 8000, 128>}, {transform_indices = @transform_1, window_bounds = array<i64: 8000, 128>}, {pipeline_mode = #tpu.pipeline_mode<synchronous>, transform_indices = @transform_2, window_bounds = array<i64: 128, 128>}, {pipeline_mode = #tpu.pipeline_mode<synchronous>, transform_indices = @transform_3, window_bounds = array<i64: 128, 128>}, {pipeline_mode = #tpu.pipeline_mode<synchronous>, transform_indices = @transform_4, window_bounds = array<i64: 128, 128>}, {pipeline_mode = #tpu.pipeline_mode<synchronous>, transform_indices = @transform_5, window_bounds = array<i64: 1, 128>}, {pipeline_mode = #tpu.pipeline_mode<synchronous>, transform_indices = @transform_6, window_bounds = array<i64: 1, 128>}, {transform_indices = @transform_7, window_bounds = array<i64: 8000, 128>}]} {
    %get3A = arith.constant 0 : index
    %get3A_0 = arith.constant 0 : index
    %get3A_1 = vector.load %arg1[%get3A, %get3A_0] : memref<8000x128xf32, #tpu.memory_space<vmem>>, vector<8000x128xf32>
    %get3A_2 = arith.constant 0 : index
    %get3A_3 = arith.constant 0 : index
    %get3A_4 = vector.load %arg2[%get3A_2, %get3A_3] : memref<8000x128xf32, #tpu.memory_space<vmem>>, vector<8000x128xf32>
    %get3A_5 = arith.constant 0 : index
    %get3A_6 = arith.constant 0 : index
    %get3A_7 = vector.load %arg3[%get3A_5, %get3A_6] : memref<128x128xf32, #tpu.memory_space<vmem>>, vector<128x128xf32>
    %dot_general3A = arith.constant dense<0.000000e+00> : vector<8000x128xf32>
    %dot_general3A_8 = tpu.matmul %get3A_4, %get3A_7, %dot_general3A {dimension_numbers = #tpu.dot_dimension_numbers<[1], [0], [0], [1], [0, 0, 1, 1], [], []>, transpose_lhs_hint = false} : vector<8000x128xf32>, vector<128x128xf32>, vector<8000x128xf32> -> vector<8000x128xf32>
    %add3A = arith.addf %get3A_1, %dot_general3A_8 : vector<8000x128xf32>
    %max3A = arith.constant 0.000000e+00 : f32
    %max3A_9 = vector.broadcast %max3A : f32 to vector<8000x128xf32>
    %max3A_10 = arith.maximumf %add3A, %max3A_9 : vector<8000x128xf32>
    %get3A_11 = arith.constant 0 : index
    %get3A_12 = arith.constant 0 : index
    %get3A_13 = vector.load %arg4[%get3A_11, %get3A_12] : memref<128x128xf32, #tpu.memory_space<vmem>>, vector<128x128xf32>
    %dot_general3A_14 = arith.constant dense<0.000000e+00> : vector<8000x128xf32>
    %dot_general3A_15 = tpu.matmul %max3A_10, %get3A_13, %dot_general3A_14 {dimension_numbers = #tpu.dot_dimension_numbers<[1], [0], [0], [1], [0, 0, 1, 1], [], []>, transpose_lhs_hint = false} : vector<8000x128xf32>, vector<128x128xf32>, vector<8000x128xf32> -> vector<8000x128xf32>
    %get3A_16 = arith.constant 0 : index
    %get3A_17 = arith.constant 0 : index
    %get3A_18 = vector.load %arg6[%get3A_16, %get3A_17] : memref<1x128xf32, #tpu.memory_space<vmem>>, vector<1x128xf32>
    %add3A_19 = vector.broadcast %get3A_18 : vector<1x128xf32> to vector<8000x128xf32>
    %add3A_20 = arith.addf %dot_general3A_15, %add3A_19 : vector<8000x128xf32>
    %max3A_21 = arith.constant 0.000000e+00 : f32
    %max3A_22 = vector.broadcast %max3A_21 : f32 to vector<8000x128xf32>
    %max3A_23 = arith.maximumf %add3A_20, %max3A_22 : vector<8000x128xf32>
    %get3A_24 = arith.constant 0 : index
    %get3A_25 = arith.constant 0 : index
    %get3A_26 = vector.load %arg5[%get3A_24, %get3A_25] : memref<128x128xf32, #tpu.memory_space<vmem>>, vector<128x128xf32>
    %dot_general3A_27 = arith.constant dense<0.000000e+00> : vector<8000x128xf32>
    %dot_general3A_28 = tpu.matmul %max3A_23, %get3A_26, %dot_general3A_27 {dimension_numbers = #tpu.dot_dimension_numbers<[1], [0], [0], [1], [0, 0, 1, 1], [], []>, transpose_lhs_hint = false} : vector<8000x128xf32>, vector<128x128xf32>, vector<8000x128xf32> -> vector<8000x128xf32>
    %get3A_29 = arith.constant 0 : index
    %get3A_30 = arith.constant 0 : index
    %get3A_31 = vector.load %arg7[%get3A_29, %get3A_30] : memref<1x128xf32, #tpu.memory_space<vmem>>, vector<1x128xf32>
    %add3A_32 = vector.broadcast %get3A_31 : vector<1x128xf32> to vector<8000x128xf32>
    %add3A_33 = arith.addf %dot_general3A_28, %add3A_32 : vector<8000x128xf32>
    %max3A_34 = arith.constant 0.000000e+00 : f32
    %max3A_35 = vector.broadcast %max3A_34 : f32 to vector<8000x128xf32>
    %max3A_36 = arith.maximumf %add3A_33, %max3A_35 : vector<8000x128xf32>
    %swap3A = arith.constant 0 : index
    %swap3A_37 = arith.constant 0 : index
    %swap3A_38 = vector.load %arg8[%swap3A, %swap3A_37] : memref<8000x128xf32, #tpu.memory_space<vmem>>, vector<8000x128xf32>
    tpu.vector_store %arg8[%swap3A, %swap3A_37], %max3A_36 {strides = array<i32>} : memref<8000x128xf32, #tpu.memory_space<vmem>>, vector<8000x128xf32>,
    return
  }
  func.func @transform_0(%arg0: i32) -> (i32, i32) {
    %c0_i32 = arith.constant 0 : i32
    %c0_i32_0 = arith.constant 0 : i32
    return %arg0, %c0_i32 : i32, i32
  }
  func.func @transform_1(%arg0: i32) -> (i32, i32) {
    %c0_i32 = arith.constant 0 : i32
    %c0_i32_0 = arith.constant 0 : i32
    return %arg0, %c0_i32 : i32, i32
  }
  func.func @transform_2(%arg0: i32) -> (i32, i32) {
    %c0_i32 = arith.constant 0 : i32
    %c0_i32_0 = arith.constant 0 : i32
    %c0_i32_1 = arith.constant 0 : i32
    return %c0_i32, %c0_i32_0 : i32, i32
  }
  func.func @transform_3(%arg0: i32) -> (i32, i32) {
    %c0_i32 = arith.constant 0 : i32
    %c0_i32_0 = arith.constant 0 : i32
    %c0_i32_1 = arith.constant 0 : i32
    return %c0_i32, %c0_i32_0 : i32, i32
  }
  func.func @transform_4(%arg0: i32) -> (i32, i32) {
    %c0_i32 = arith.constant 0 : i32
    %c0_i32_0 = arith.constant 0 : i32
    %c0_i32_1 = arith.constant 0 : i32
    return %c0_i32, %c0_i32_0 : i32, i32
  }
  func.func @transform_5(%arg0: i32) -> (i32, i32) {
    %c0_i32 = arith.constant 0 : i32
    %c0_i32_0 = arith.constant 0 : i32
    %c0_i32_1 = arith.constant 0 : i32
    return %c0_i32, %c0_i32_0 : i32, i32
  }
  func.func @transform_6(%arg0: i32) -> (i32, i32) {
    %c0_i32 = arith.constant 0 : i32
    %c0_i32_0 = arith.constant 0 : i32
    %c0_i32_1 = arith.constant 0 : i32
    return %c0_i32, %c0_i32_0 : i32, i32
  }
  func.func @transform_7(%arg0: i32) -> (i32, i32) {
    %c0_i32 = arith.constant 0 : i32
    %c0_i32_0 = arith.constant 0 : i32
    return %arg0, %c0_i32 : i32, i32
  }
}

module attributes {stable_mosaic.version = 14 : i64} {
  func.func @node_body(%arg0: i32, %arg1: memref<2000x128xf32, #tpu.memory_space<vmem>>, %arg2: memref<2000x128xf32, #tpu.memory_space<vmem>>, %arg3: memref<2000x128xf32, #tpu.memory_space<vmem>>, %arg4: memref<1x1x2000xi32, #tpu.memory_space<vmem>>, %arg5: memref<16x128xf32, #tpu.memory_space<vmem>>, %arg6: memref<128x128xf32, #tpu.memory_space<vmem>>, %arg7: memref<128x128xf32, #tpu.memory_space<vmem>>, %arg8: memref<128x128xf32, #tpu.memory_space<vmem>>, %arg9: memref<128x128xf32, #tpu.memory_space<vmem>>, %arg10: memref<128x128xf32, #tpu.memory_space<vmem>>, %arg11: memref<1x128xf32, #tpu.memory_space<vmem>>, %arg12: memref<1x128xf32, #tpu.memory_space<vmem>>, %arg13: memref<1x128xf32, #tpu.memory_space<vmem>>, %arg14: memref<128x128xf32, #tpu.memory_space<vmem>>, %arg15: memref<128x128xf32, #tpu.memory_space<vmem>>, %arg16: memref<128x128xf32, #tpu.memory_space<vmem>>, %arg17: memref<128x128xf32, #tpu.memory_space<vmem>>, %arg18: memref<128x128xf32, #tpu.memory_space<vmem>>, %arg19: memref<1x128xf32, #tpu.memory_space<vmem>>, %arg20: memref<1x128xf32, #tpu.memory_space<vmem>>, %arg21: memref<1x128xf32, #tpu.memory_space<vmem>>, %arg22: memref<2000x128xf32, #tpu.memory_space<vmem>>, %arg23: memref<16x128xf32, #tpu.memory_space<vmem>>, %arg24: memref<16x128xf32, #tpu.memory_space<vmem>>, %arg25: memref<16x128xf32, #tpu.memory_space<vmem>>, %arg26: memref<16x128xf32, #tpu.memory_space<vmem>>) attributes {dimension_semantics = [#tpu.dimension_semantics<arbitrary>], iteration_bounds = array<i64: 5>, scalar_prefetch = 0 : i64, scratch_operands = 3 : i64, tpu.core_type = #tpu.core_type<tc>, window_params = [{transform_indices = @transform_0, window_bounds = array<i64: 2000, 128>}, {transform_indices = @transform_1, window_bounds = array<i64: 2000, 128>}, {transform_indices = @transform_2, window_bounds = array<i64: 2000, 128>}, {transform_indices = @transform_3, window_bounds = array<i64: 1, 1, 2000>}, {pipeline_mode = #tpu.pipeline_mode<synchronous>, transform_indices = @transform_4, window_bounds = array<i64: 16, 128>}, {pipeline_mode = #tpu.pipeline_mode<synchronous>, transform_indices = @transform_5, window_bounds = array<i64: 128, 128>}, {pipeline_mode = #tpu.pipeline_mode<synchronous>, transform_indices = @transform_6, window_bounds = array<i64: 128, 128>}, {pipeline_mode = #tpu.pipeline_mode<synchronous>, transform_indices = @transform_7, window_bounds = array<i64: 128, 128>}, {pipeline_mode = #tpu.pipeline_mode<synchronous>, transform_indices = @transform_8, window_bounds = array<i64: 128, 128>}, {pipeline_mode = #tpu.pipeline_mode<synchronous>, transform_indices = @transform_9, window_bounds = array<i64: 128, 128>}, {pipeline_mode = #tpu.pipeline_mode<synchronous>, transform_indices = @transform_10, window_bounds = array<i64: 1, 128>}, {pipeline_mode = #tpu.pipeline_mode<synchronous>, transform_indices = @transform_11, window_bounds = array<i64: 1, 128>}, {pipeline_mode = #tpu.pipeline_mode<synchronous>, transform_indices = @transform_12, window_bounds = array<i64: 1, 128>}, {pipeline_mode = #tpu.pipeline_mode<synchronous>, transform_indices = @transform_13, window_bounds = array<i64: 128, 128>}, {pipeline_mode = #tpu.pipeline_mode<synchronous>, transform_indices = @transform_14, window_bounds = array<i64: 128, 128>}, {pipeline_mode = #tpu.pipeline_mode<synchronous>, transform_indices = @transform_15, window_bounds = array<i64: 128, 128>}, {pipeline_mode = #tpu.pipeline_mode<synchronous>, transform_indices = @transform_16, window_bounds = array<i64: 128, 128>}, {pipeline_mode = #tpu.pipeline_mode<synchronous>, transform_indices = @transform_17, window_bounds = array<i64: 128, 128>}, {pipeline_mode = #tpu.pipeline_mode<synchronous>, transform_indices = @transform_18, window_bounds = array<i64: 1, 128>}, {pipeline_mode = #tpu.pipeline_mode<synchronous>, transform_indices = @transform_19, window_bounds = array<i64: 1, 128>}, {pipeline_mode = #tpu.pipeline_mode<synchronous>, transform_indices = @transform_20, window_bounds = array<i64: 1, 128>}, {transform_indices = @transform_21, window_bounds = array<i64: 2000, 128>}, {pipeline_mode = #tpu.pipeline_mode<synchronous>, transform_indices = @transform_22, window_bounds = array<i64: 16, 128>}]} {
    %get3A = arith.constant 0 : index
    %get3A_0 = arith.constant 0 : index
    %get3A_1 = vector.load %arg2[%get3A, %get3A_0] : memref<2000x128xf32, #tpu.memory_space<vmem>>, vector<2000x128xf32>
    %get3A_2 = arith.constant 0 : index
    %get3A_3 = arith.constant 0 : index
    %get3A_4 = vector.load %arg3[%get3A_2, %get3A_3] : memref<2000x128xf32, #tpu.memory_space<vmem>>, vector<2000x128xf32>
    %div3A = arith.divf %get3A_1, %get3A_4 : vector<2000x128xf32>
    %get3A_5 = arith.constant 0 : index
    %get3A_6 = arith.constant 0 : index
    %get3A_7 = arith.constant 0 : index
    %get3A_8 = vector.load %arg4[%get3A_5, %get3A_6, %get3A_7] : memref<1x1x2000xi32, #tpu.memory_space<vmem>>, vector<1x1x2000xi32>
    %get3A_9 = vector.shape_cast %get3A_8 : vector<1x1x2000xi32> to vector<1x2000xi32>
    %iota3A = tpu.iota {dimensions = array<i32: 0>} : vector<16x2000xi32>
    %eq3A = vector.broadcast %get3A_9 : vector<1x2000xi32> to vector<16x2000xi32>
    %eq3A_10 = arith.cmpi eq, %eq3A, %iota3A : vector<16x2000xi32>
    %convert_element_type3A = arith.extui %eq3A_10 : vector<16x2000xi1> to vector<16x2000xi32>
    %convert_element_type3A_11 = arith.sitofp %convert_element_type3A : vector<16x2000xi32> to vector<16x2000xf32>
    %get3A_12 = arith.constant 0 : index
    %get3A_13 = arith.constant 0 : index
    %get3A_14 = vector.load %arg5[%get3A_12, %get3A_13] : memref<16x128xf32, #tpu.memory_space<vmem>>, vector<16x128xf32>
    %get3A_15 = arith.constant 0 : index
    %get3A_16 = arith.constant 0 : index
    %get3A_17 = vector.load %arg8[%get3A_15, %get3A_16] : memref<128x128xf32, #tpu.memory_space<vmem>>, vector<128x128xf32>
    %dot_general3A = arith.constant dense<0.000000e+00> : vector<16x128xf32>
    %dot_general3A_18 = tpu.matmul %get3A_14, %get3A_17, %dot_general3A {dimension_numbers = #tpu.dot_dimension_numbers<[1], [0], [0], [1], [0, 0, 1, 1], [], []>, transpose_lhs_hint = false} : vector<16x128xf32>, vector<128x128xf32>, vector<16x128xf32> -> vector<16x128xf32>
    %get3A_19 = arith.constant 0 : index
    %get3A_20 = arith.constant 0 : index
    %get3A_21 = vector.load %arg1[%get3A_19, %get3A_20] : memref<2000x128xf32, #tpu.memory_space<vmem>>, vector<2000x128xf32>
    %get3A_22 = arith.constant 0 : index
    %get3A_23 = arith.constant 0 : index
    %get3A_24 = vector.load %arg6[%get3A_22, %get3A_23] : memref<128x128xf32, #tpu.memory_space<vmem>>, vector<128x128xf32>
    %dot_general3A_25 = arith.constant dense<0.000000e+00> : vector<2000x128xf32>
    %dot_general3A_26 = tpu.matmul %get3A_21, %get3A_24, %dot_general3A_25 {dimension_numbers = #tpu.dot_dimension_numbers<[1], [0], [0], [1], [0, 0, 1, 1], [], []>, transpose_lhs_hint = false} : vector<2000x128xf32>, vector<128x128xf32>, vector<2000x128xf32> -> vector<2000x128xf32>
    %get3A_27 = arith.constant 0 : index
    %get3A_28 = arith.constant 0 : index
    %get3A_29 = vector.load %arg7[%get3A_27, %get3A_28] : memref<128x128xf32, #tpu.memory_space<vmem>>, vector<128x128xf32>
    %dot_general3A_30 = arith.constant dense<0.000000e+00> : vector<2000x128xf32>
    %dot_general3A_31 = tpu.matmul %div3A, %get3A_29, %dot_general3A_30 {dimension_numbers = #tpu.dot_dimension_numbers<[1], [0], [0], [1], [0, 0, 1, 1], [], []>, transpose_lhs_hint = false} : vector<2000x128xf32>, vector<128x128xf32>, vector<2000x128xf32> -> vector<2000x128xf32>
    %add3A = arith.addf %dot_general3A_26, %dot_general3A_31 : vector<2000x128xf32>
    %dot_general3A_32 = arith.constant dense<0.000000e+00> : vector<2000x128xf32>
    %dot_general3A_33 = tpu.matmul %convert_element_type3A_11, %dot_general3A_18, %dot_general3A_32 {dimension_numbers = #tpu.dot_dimension_numbers<[0], [0], [1], [1], [0, 1, 1, 1], [], []>, transpose_lhs_hint = false} : vector<16x2000xf32>, vector<16x128xf32>, vector<2000x128xf32> -> vector<2000x128xf32>
    %add3A_34 = arith.addf %add3A, %dot_general3A_33 : vector<2000x128xf32>
    %get3A_35 = arith.constant 0 : index
    %get3A_36 = arith.constant 0 : index
    %get3A_37 = vector.load %arg11[%get3A_35, %get3A_36] : memref<1x128xf32, #tpu.memory_space<vmem>>, vector<1x128xf32>
    %add3A_38 = vector.broadcast %get3A_37 : vector<1x128xf32> to vector<2000x128xf32>
    %add3A_39 = arith.addf %add3A_34, %add3A_38 : vector<2000x128xf32>
    %max3A = arith.constant 0.000000e+00 : f32
    %max3A_40 = vector.broadcast %max3A : f32 to vector<2000x128xf32>
    %max3A_41 = arith.maximumf %add3A_39, %max3A_40 : vector<2000x128xf32>
    %get3A_42 = arith.constant 0 : index
    %get3A_43 = arith.constant 0 : index
    %get3A_44 = vector.load %arg9[%get3A_42, %get3A_43] : memref<128x128xf32, #tpu.memory_space<vmem>>, vector<128x128xf32>
    %dot_general3A_45 = arith.constant dense<0.000000e+00> : vector<2000x128xf32>
    %dot_general3A_46 = tpu.matmul %max3A_41, %get3A_44, %dot_general3A_45 {dimension_numbers = #tpu.dot_dimension_numbers<[1], [0], [0], [1], [0, 0, 1, 1], [], []>, transpose_lhs_hint = false} : vector<2000x128xf32>, vector<128x128xf32>, vector<2000x128xf32> -> vector<2000x128xf32>
    %get3A_47 = arith.constant 0 : index
    %get3A_48 = arith.constant 0 : index
    %get3A_49 = vector.load %arg12[%get3A_47, %get3A_48] : memref<1x128xf32, #tpu.memory_space<vmem>>, vector<1x128xf32>
    %add3A_50 = vector.broadcast %get3A_49 : vector<1x128xf32> to vector<2000x128xf32>
    %add3A_51 = arith.addf %dot_general3A_46, %add3A_50 : vector<2000x128xf32>
    %max3A_52 = arith.constant 0.000000e+00 : f32
    %max3A_53 = vector.broadcast %max3A_52 : f32 to vector<2000x128xf32>
    %max3A_54 = arith.maximumf %add3A_51, %max3A_53 : vector<2000x128xf32>
    %get3A_55 = arith.constant 0 : index
    %get3A_56 = arith.constant 0 : index
    %get3A_57 = vector.load %arg10[%get3A_55, %get3A_56] : memref<128x128xf32, #tpu.memory_space<vmem>>, vector<128x128xf32>
    %dot_general3A_58 = arith.constant dense<0.000000e+00> : vector<2000x128xf32>
    %dot_general3A_59 = tpu.matmul %max3A_54, %get3A_57, %dot_general3A_58 {dimension_numbers = #tpu.dot_dimension_numbers<[1], [0], [0], [1], [0, 0, 1, 1], [], []>, transpose_lhs_hint = false} : vector<2000x128xf32>, vector<128x128xf32>, vector<2000x128xf32> -> vector<2000x128xf32>
    %get3A_60 = arith.constant 0 : index
    %get3A_61 = arith.constant 0 : index
    %get3A_62 = vector.load %arg13[%get3A_60, %get3A_61] : memref<1x128xf32, #tpu.memory_space<vmem>>, vector<1x128xf32>
    %add3A_63 = vector.broadcast %get3A_62 : vector<1x128xf32> to vector<2000x128xf32>
    %add3A_64 = arith.addf %dot_general3A_59, %add3A_63 : vector<2000x128xf32>
    %max3A_65 = arith.constant 0.000000e+00 : f32
    %max3A_66 = vector.broadcast %max3A_65 : f32 to vector<2000x128xf32>
    %max3A_67 = arith.maximumf %add3A_64, %max3A_66 : vector<2000x128xf32>
    %swap3A = arith.constant 0 : index
    %swap3A_68 = arith.constant 0 : index
    %swap3A_69 = vector.load %arg22[%swap3A, %swap3A_68] : memref<2000x128xf32, #tpu.memory_space<vmem>>, vector<2000x128xf32>
    tpu.vector_store %arg22[%swap3A, %swap3A_68], %max3A_67 {strides = array<i32>} : memref<2000x128xf32, #tpu.memory_space<vmem>>, vector<2000x128xf32>,
    %eq3A_70 = arith.constant 0 : i32
    %eq3A_71 = arith.cmpi eq, %arg0, %eq3A_70 : i32
    %convert_element_type3A_72 = arith.extui %eq3A_71 : i1 to i32
    %cond3A = arith.constant 0 : i32
    %cond3A_73 = arith.cmpi ne, %convert_element_type3A_72, %cond3A : i32
    scf.if %cond3A_73 {
      %broadcast_in_dim3A_107 = arith.constant 0.000000e+00 : f32
      %broadcast_in_dim3A_108 = vector.broadcast %broadcast_in_dim3A_107 : f32 to vector<16x128xf32>
      %swap3A_109 = arith.constant 0 : index
      %swap3A_110 = arith.constant 0 : index
      %swap3A_111 = vector.load %arg24[%swap3A_109, %swap3A_110] : memref<16x128xf32, #tpu.memory_space<vmem>>, vector<16x128xf32>
      tpu.vector_store %arg24[%swap3A_109, %swap3A_110], %broadcast_in_dim3A_108 {strides = array<i32>} : memref<16x128xf32, #tpu.memory_space<vmem>>, vector<16x128xf32>,
      %broadcast_in_dim3A_112 = arith.constant 0.000000e+00 : f32
      %broadcast_in_dim3A_113 = vector.broadcast %broadcast_in_dim3A_112 : f32 to vector<16x128xf32>
      %swap3A_114 = arith.constant 0 : index
      %swap3A_115 = arith.constant 0 : index
      %swap3A_116 = vector.load %arg25[%swap3A_114, %swap3A_115] : memref<16x128xf32, #tpu.memory_space<vmem>>, vector<16x128xf32>
      tpu.vector_store %arg25[%swap3A_114, %swap3A_115], %broadcast_in_dim3A_113 {strides = array<i32>} : memref<16x128xf32, #tpu.memory_space<vmem>>, vector<16x128xf32>,
      %broadcast_in_dim3A_117 = arith.constant 0.000000e+00 : f32
      %broadcast_in_dim3A_118 = vector.broadcast %broadcast_in_dim3A_117 : f32 to vector<16x128xf32>
      %swap3A_119 = arith.constant 0 : index
      %swap3A_120 = arith.constant 0 : index
      %swap3A_121 = vector.load %arg26[%swap3A_119, %swap3A_120] : memref<16x128xf32, #tpu.memory_space<vmem>>, vector<16x128xf32>
      tpu.vector_store %arg26[%swap3A_119, %swap3A_120], %broadcast_in_dim3A_118 {strides = array<i32>} : memref<16x128xf32, #tpu.memory_space<vmem>>, vector<16x128xf32>,
    } else {
    }
    %get3A_74 = arith.constant 0 : index
    %get3A_75 = arith.constant 0 : index
    %get3A_76 = vector.load %arg24[%get3A_74, %get3A_75] : memref<16x128xf32, #tpu.memory_space<vmem>>, vector<16x128xf32>
    %dot_general3A_77 = arith.constant dense<0.000000e+00> : vector<16x128xf32>
    %dot_general3A_78 = tpu.matmul %convert_element_type3A_11, %div3A, %dot_general3A_77 {dimension_numbers = #tpu.dot_dimension_numbers<[1], [0], [0], [1], [0, 0, 1, 1], [], []>, transpose_lhs_hint = false} : vector<16x2000xf32>, vector<2000x128xf32>, vector<16x128xf32> -> vector<16x128xf32>
    %add3A_79 = arith.addf %get3A_76, %dot_general3A_78 : vector<16x128xf32>
    %swap3A_80 = arith.constant 0 : index
    %swap3A_81 = arith.constant 0 : index
    %swap3A_82 = vector.load %arg24[%swap3A_80, %swap3A_81] : memref<16x128xf32, #tpu.memory_space<vmem>>, vector<16x128xf32>
    tpu.vector_store %arg24[%swap3A_80, %swap3A_81], %add3A_79 {strides = array<i32>} : memref<16x128xf32, #tpu.memory_space<vmem>>, vector<16x128xf32>,
    %get3A_83 = arith.constant 0 : index
    %get3A_84 = arith.constant 0 : index
    %get3A_85 = vector.load %arg25[%get3A_83, %get3A_84] : memref<16x128xf32, #tpu.memory_space<vmem>>, vector<16x128xf32>
    %dot_general3A_86 = arith.constant dense<0.000000e+00> : vector<16x128xf32>
    %dot_general3A_87 = tpu.matmul %convert_element_type3A_11, %max3A_67, %dot_general3A_86 {dimension_numbers = #tpu.dot_dimension_numbers<[1], [0], [0], [1], [0, 0, 1, 1], [], []>, transpose_lhs_hint = false} : vector<16x2000xf32>, vector<2000x128xf32>, vector<16x128xf32> -> vector<16x128xf32>
    %add3A_88 = arith.addf %get3A_85, %dot_general3A_87 : vector<16x128xf32>
    %swap3A_89 = arith.constant 0 : index
    %swap3A_90 = arith.constant 0 : index
    %swap3A_91 = vector.load %arg25[%swap3A_89, %swap3A_90] : memref<16x128xf32, #tpu.memory_space<vmem>>, vector<16x128xf32>
    tpu.vector_store %arg25[%swap3A_89, %swap3A_90], %add3A_88 {strides = array<i32>} : memref<16x128xf32, #tpu.memory_space<vmem>>, vector<16x128xf32>,
    %get3A_92 = arith.constant 0 : index
    %get3A_93 = arith.constant 0 : index
    %get3A_94 = vector.load %arg26[%get3A_92, %get3A_93] : memref<16x128xf32, #tpu.memory_space<vmem>>, vector<16x128xf32>
    %broadcast_in_dim3A = arith.constant 1.000000e+00 : f32
    %broadcast_in_dim3A_95 = vector.broadcast %broadcast_in_dim3A : f32 to vector<2000x128xf32>
    %dot_general3A_96 = arith.constant dense<0.000000e+00> : vector<16x128xf32>
    %dot_general3A_97 = tpu.matmul %convert_element_type3A_11, %broadcast_in_dim3A_95, %dot_general3A_96 {dimension_numbers = #tpu.dot_dimension_numbers<[1], [0], [0], [1], [0, 0, 1, 1], [], []>, transpose_lhs_hint = false} : vector<16x2000xf32>, vector<2000x128xf32>, vector<16x128xf32> -> vector<16x128xf32>
    %add3A_98 = arith.addf %get3A_94, %dot_general3A_97 : vector<16x128xf32>
    %swap3A_99 = arith.constant 0 : index
    %swap3A_100 = arith.constant 0 : index
    %swap3A_101 = vector.load %arg26[%swap3A_99, %swap3A_100] : memref<16x128xf32, #tpu.memory_space<vmem>>, vector<16x128xf32>
    tpu.vector_store %arg26[%swap3A_99, %swap3A_100], %add3A_98 {strides = array<i32>} : memref<16x128xf32, #tpu.memory_space<vmem>>, vector<16x128xf32>,
    %eq3A_102 = arith.constant 4 : i32
    %eq3A_103 = arith.cmpi eq, %arg0, %eq3A_102 : i32
    %convert_element_type3A_104 = arith.extui %eq3A_103 : i1 to i32
    %cond3A_105 = arith.constant 0 : i32
    %cond3A_106 = arith.cmpi ne, %convert_element_type3A_104, %cond3A_105 : i32
    scf.if %cond3A_106 {
      %get3A_107 = arith.constant 0 : index
      %get3A_108 = arith.constant 0 : index
      %get3A_109 = vector.load %arg26[%get3A_107, %get3A_108] : memref<16x128xf32, #tpu.memory_space<vmem>>, vector<16x128xf32>
      %max3A_110 = arith.constant 1.000000e+00 : f32
      %max3A_111 = vector.broadcast %max3A_110 : f32 to vector<16x128xf32>
      %max3A_112 = arith.maximumf %get3A_109, %max3A_111 : vector<16x128xf32>
      %get3A_113 = arith.constant 0 : index
      %get3A_114 = arith.constant 0 : index
      %get3A_115 = vector.load %arg24[%get3A_113, %get3A_114] : memref<16x128xf32, #tpu.memory_space<vmem>>, vector<16x128xf32>
      %div3A_116 = arith.divf %get3A_115, %max3A_112 : vector<16x128xf32>
      %get3A_117 = arith.constant 0 : index
      %get3A_118 = arith.constant 0 : index
      %get3A_119 = vector.load %arg25[%get3A_117, %get3A_118] : memref<16x128xf32, #tpu.memory_space<vmem>>, vector<16x128xf32>
      %div3A_120 = arith.divf %get3A_119, %max3A_112 : vector<16x128xf32>
      %get3A_121 = arith.constant 0 : index
      %get3A_122 = arith.constant 0 : index
      %get3A_123 = vector.load %arg14[%get3A_121, %get3A_122] : memref<128x128xf32, #tpu.memory_space<vmem>>, vector<128x128xf32>
      %dot_general3A_124 = arith.constant dense<0.000000e+00> : vector<16x128xf32>
      %dot_general3A_125 = tpu.matmul %div3A_116, %get3A_123, %dot_general3A_124 {dimension_numbers = #tpu.dot_dimension_numbers<[1], [0], [0], [1], [0, 0, 1, 1], [], []>, transpose_lhs_hint = false} : vector<16x128xf32>, vector<128x128xf32>, vector<16x128xf32> -> vector<16x128xf32>
      %get3A_126 = arith.constant 0 : index
      %get3A_127 = arith.constant 0 : index
      %get3A_128 = vector.load %arg15[%get3A_126, %get3A_127] : memref<128x128xf32, #tpu.memory_space<vmem>>, vector<128x128xf32>
      %dot_general3A_129 = arith.constant dense<0.000000e+00> : vector<16x128xf32>
      %dot_general3A_130 = tpu.matmul %div3A_120, %get3A_128, %dot_general3A_129 {dimension_numbers = #tpu.dot_dimension_numbers<[1], [0], [0], [1], [0, 0, 1, 1], [], []>, transpose_lhs_hint = false} : vector<16x128xf32>, vector<128x128xf32>, vector<16x128xf32> -> vector<16x128xf32>
      %add3A_131 = arith.addf %dot_general3A_125, %dot_general3A_130 : vector<16x128xf32>
      %get3A_132 = arith.constant 0 : index
      %get3A_133 = arith.constant 0 : index
      %get3A_134 = vector.load %arg5[%get3A_132, %get3A_133] : memref<16x128xf32, #tpu.memory_space<vmem>>, vector<16x128xf32>
      %get3A_135 = arith.constant 0 : index
      %get3A_136 = arith.constant 0 : index
      %get3A_137 = vector.load %arg16[%get3A_135, %get3A_136] : memref<128x128xf32, #tpu.memory_space<vmem>>, vector<128x128xf32>
      %dot_general3A_138 = arith.constant dense<0.000000e+00> : vector<16x128xf32>
      %dot_general3A_139 = tpu.matmul %get3A_134, %get3A_137, %dot_general3A_138 {dimension_numbers = #tpu.dot_dimension_numbers<[1], [0], [0], [1], [0, 0, 1, 1], [], []>, transpose_lhs_hint = false} : vector<16x128xf32>, vector<128x128xf32>, vector<16x128xf32> -> vector<16x128xf32>
      %add3A_140 = arith.addf %add3A_131, %dot_general3A_139 : vector<16x128xf32>
      %get3A_141 = arith.constant 0 : index
      %get3A_142 = arith.constant 0 : index
      %get3A_143 = vector.load %arg19[%get3A_141, %get3A_142] : memref<1x128xf32, #tpu.memory_space<vmem>>, vector<1x128xf32>
      %add3A_144 = vector.broadcast %get3A_143 : vector<1x128xf32> to vector<16x128xf32>
      %add3A_145 = arith.addf %add3A_140, %add3A_144 : vector<16x128xf32>
      %max3A_146 = arith.constant 0.000000e+00 : f32
      %max3A_147 = vector.broadcast %max3A_146 : f32 to vector<16x128xf32>
      %max3A_148 = arith.maximumf %add3A_145, %max3A_147 : vector<16x128xf32>
      %get3A_149 = arith.constant 0 : index
      %get3A_150 = arith.constant 0 : index
      %get3A_151 = vector.load %arg17[%get3A_149, %get3A_150] : memref<128x128xf32, #tpu.memory_space<vmem>>, vector<128x128xf32>
      %dot_general3A_152 = arith.constant dense<0.000000e+00> : vector<16x128xf32>
      %dot_general3A_153 = tpu.matmul %max3A_148, %get3A_151, %dot_general3A_152 {dimension_numbers = #tpu.dot_dimension_numbers<[1], [0], [0], [1], [0, 0, 1, 1], [], []>, transpose_lhs_hint = false} : vector<16x128xf32>, vector<128x128xf32>, vector<16x128xf32> -> vector<16x128xf32>
      %get3A_154 = arith.constant 0 : index
      %get3A_155 = arith.constant 0 : index
      %get3A_156 = vector.load %arg20[%get3A_154, %get3A_155] : memref<1x128xf32, #tpu.memory_space<vmem>>, vector<1x128xf32>
      %add3A_157 = vector.broadcast %get3A_156 : vector<1x128xf32> to vector<16x128xf32>
      %add3A_158 = arith.addf %dot_general3A_153, %add3A_157 : vector<16x128xf32>
      %max3A_159 = arith.constant 0.000000e+00 : f32
      %max3A_160 = vector.broadcast %max3A_159 : f32 to vector<16x128xf32>
      %max3A_161 = arith.maximumf %add3A_158, %max3A_160 : vector<16x128xf32>
      %get3A_162 = arith.constant 0 : index
      %get3A_163 = arith.constant 0 : index
      %get3A_164 = vector.load %arg18[%get3A_162, %get3A_163] : memref<128x128xf32, #tpu.memory_space<vmem>>, vector<128x128xf32>
      %dot_general3A_165 = arith.constant dense<0.000000e+00> : vector<16x128xf32>
      %dot_general3A_166 = tpu.matmul %max3A_161, %get3A_164, %dot_general3A_165 {dimension_numbers = #tpu.dot_dimension_numbers<[1], [0], [0], [1], [0, 0, 1, 1], [], []>, transpose_lhs_hint = false} : vector<16x128xf32>, vector<128x128xf32>, vector<16x128xf32> -> vector<16x128xf32>
      %get3A_167 = arith.constant 0 : index
      %get3A_168 = arith.constant 0 : index
      %get3A_169 = vector.load %arg21[%get3A_167, %get3A_168] : memref<1x128xf32, #tpu.memory_space<vmem>>, vector<1x128xf32>
      %add3A_170 = vector.broadcast %get3A_169 : vector<1x128xf32> to vector<16x128xf32>
      %add3A_171 = arith.addf %dot_general3A_166, %add3A_170 : vector<16x128xf32>
      %max3A_172 = arith.constant 0.000000e+00 : f32
      %max3A_173 = vector.broadcast %max3A_172 : f32 to vector<16x128xf32>
      %max3A_174 = arith.maximumf %add3A_171, %max3A_173 : vector<16x128xf32>
      %swap3A_175 = arith.constant 0 : index
      %swap3A_176 = arith.constant 0 : index
      %swap3A_177 = vector.load %arg23[%swap3A_175, %swap3A_176] : memref<16x128xf32, #tpu.memory_space<vmem>>, vector<16x128xf32>
      tpu.vector_store %arg23[%swap3A_175, %swap3A_176], %max3A_174 {strides = array<i32>} : memref<16x128xf32, #tpu.memory_space<vmem>>, vector<16x128xf32>,
    } else {
    }
    return
  }
  func.func @transform_0(%arg0: i32) -> (i32, i32) {
    %c0_i32 = arith.constant 0 : i32
    %c0_i32_0 = arith.constant 0 : i32
    return %arg0, %c0_i32 : i32, i32
  }
  func.func @transform_1(%arg0: i32) -> (i32, i32) {
    %c0_i32 = arith.constant 0 : i32
    %c0_i32_0 = arith.constant 0 : i32
    return %arg0, %c0_i32 : i32, i32
  }
  func.func @transform_2(%arg0: i32) -> (i32, i32) {
    %c0_i32 = arith.constant 0 : i32
    %c0_i32_0 = arith.constant 0 : i32
    return %arg0, %c0_i32 : i32, i32
  }
  func.func @transform_3(%arg0: i32) -> (i32, i32, i32) {
    %c0_i32 = arith.constant 0 : i32
    %c0_i32_0 = arith.constant 0 : i32
    %c0_i32_1 = arith.constant 0 : i32
    return %arg0, %c0_i32, %c0_i32_0 : i32, i32, i32
  }
  func.func @transform_4(%arg0: i32) -> (i32, i32) {
    %c0_i32 = arith.constant 0 : i32
    %c0_i32_0 = arith.constant 0 : i32
    %c0_i32_1 = arith.constant 0 : i32
    return %c0_i32, %c0_i32_0 : i32, i32
  }
  func.func @transform_5(%arg0: i32) -> (i32, i32) {
    %c0_i32 = arith.constant 0 : i32
    %c0_i32_0 = arith.constant 0 : i32
    %c0_i32_1 = arith.constant 0 : i32
    return %c0_i32, %c0_i32_0 : i32, i32
  }
  func.func @transform_6(%arg0: i32) -> (i32, i32) {
    %c0_i32 = arith.constant 0 : i32
    %c0_i32_0 = arith.constant 0 : i32
    %c0_i32_1 = arith.constant 0 : i32
    return %c0_i32, %c0_i32_0 : i32, i32
  }
  func.func @transform_7(%arg0: i32) -> (i32, i32) {
    %c0_i32 = arith.constant 0 : i32
    %c0_i32_0 = arith.constant 0 : i32
    %c0_i32_1 = arith.constant 0 : i32
    return %c0_i32, %c0_i32_0 : i32, i32
  }
  func.func @transform_8(%arg0: i32) -> (i32, i32) {
    %c0_i32 = arith.constant 0 : i32
    %c0_i32_0 = arith.constant 0 : i32
    %c0_i32_1 = arith.constant 0 : i32
    return %c0_i32, %c0_i32_0 : i32, i32
  }
  func.func @transform_9(%arg0: i32) -> (i32, i32) {
    %c0_i32 = arith.constant 0 : i32
    %c0_i32_0 = arith.constant 0 : i32
    %c0_i32_1 = arith.constant 0 : i32
    return %c0_i32, %c0_i32_0 : i32, i32
  }
  func.func @transform_10(%arg0: i32) -> (i32, i32) {
    %c0_i32 = arith.constant 0 : i32
    %c0_i32_0 = arith.constant 0 : i32
    %c0_i32_1 = arith.constant 0 : i32
    return %c0_i32, %c0_i32_0 : i32, i32
  }
  func.func @transform_11(%arg0: i32) -> (i32, i32) {
    %c0_i32 = arith.constant 0 : i32
    %c0_i32_0 = arith.constant 0 : i32
    %c0_i32_1 = arith.constant 0 : i32
    return %c0_i32, %c0_i32_0 : i32, i32
  }
  func.func @transform_12(%arg0: i32) -> (i32, i32) {
    %c0_i32 = arith.constant 0 : i32
    %c0_i32_0 = arith.constant 0 : i32
    %c0_i32_1 = arith.constant 0 : i32
    return %c0_i32, %c0_i32_0 : i32, i32
  }
  func.func @transform_13(%arg0: i32) -> (i32, i32) {
    %c0_i32 = arith.constant 0 : i32
    %c0_i32_0 = arith.constant 0 : i32
    %c0_i32_1 = arith.constant 0 : i32
    return %c0_i32, %c0_i32_0 : i32, i32
  }
  func.func @transform_14(%arg0: i32) -> (i32, i32) {
    %c0_i32 = arith.constant 0 : i32
    %c0_i32_0 = arith.constant 0 : i32
    %c0_i32_1 = arith.constant 0 : i32
    return %c0_i32, %c0_i32_0 : i32, i32
  }
  func.func @transform_15(%arg0: i32) -> (i32, i32) {
    %c0_i32 = arith.constant 0 : i32
    %c0_i32_0 = arith.constant 0 : i32
    %c0_i32_1 = arith.constant 0 : i32
    return %c0_i32, %c0_i32_0 : i32, i32
  }
  func.func @transform_16(%arg0: i32) -> (i32, i32) {
    %c0_i32 = arith.constant 0 : i32
    %c0_i32_0 = arith.constant 0 : i32
    %c0_i32_1 = arith.constant 0 : i32
    return %c0_i32, %c0_i32_0 : i32, i32
  }
  func.func @transform_17(%arg0: i32) -> (i32, i32) {
    %c0_i32 = arith.constant 0 : i32
    %c0_i32_0 = arith.constant 0 : i32
    %c0_i32_1 = arith.constant 0 : i32
    return %c0_i32, %c0_i32_0 : i32, i32
  }
  func.func @transform_18(%arg0: i32) -> (i32, i32) {
    %c0_i32 = arith.constant 0 : i32
    %c0_i32_0 = arith.constant 0 : i32
    %c0_i32_1 = arith.constant 0 : i32
    return %c0_i32, %c0_i32_0 : i32, i32
  }
  func.func @transform_19(%arg0: i32) -> (i32, i32) {
    %c0_i32 = arith.constant 0 : i32
    %c0_i32_0 = arith.constant 0 : i32
    %c0_i32_1 = arith.constant 0 : i32
    return %c0_i32, %c0_i32_0 : i32, i32
  }
  func.func @transform_20(%arg0: i32) -> (i32, i32) {
    %c0_i32 = arith.constant 0 : i32
    %c0_i32_0 = arith.constant 0 : i32
    %c0_i32_1 = arith.constant 0 : i32
    return %c0_i32, %c0_i32_0 : i32, i32
  }
  func.func @transform_21(%arg0: i32) -> (i32, i32) {
    %c0_i32 = arith.constant 0 : i32
    %c0_i32_0 = arith.constant 0 : i32
    return %arg0, %c0_i32 : i32, i32
  }
  func.func @transform_22(%arg0: i32) -> (i32, i32) {
    %c0_i32 = arith.constant 0 : i32
    %c0_i32_0 = arith.constant 0 : i32
    %c0_i32_1 = arith.constant 0 : i32
    return %c0_i32, %c0_i32_0 : i32, i32
  }
}

</mosaic_0001>

<sc_bundles>
// kernel: kernel.10.cloned.1.call-start
scs
__scs_entry_jumppad:
0x0: {  	(pc) =	sbr.rel $0x88, $3  }
0x1: {  	(tag) =	ssettag $0x0;
	lr =	simm.s32 $0x1  }
0x2: {  	[smem:$0x3F8A] =	sst lr;
	_ =	strace $0xD0000000  }
0x3: {  	_ = 	snop  }
0x4: {  	_ = 	snop  }
0x5: {  	_ = 	snop  }
0x6: {  	_ = 	snop  }
0x7: {  	_ = 	snop  }
__scs_overlays_trampoline_lowered:
0x8: {  	[smem:$0x3F99] =	sst s0  }
0x9: {  	[smem:$0x3F9A] =	sst s1  }
0xa: {  	[smem:$0x3F9B] =	sst s2  }
0xb: {  	[smem:$0x3F9C] =	sst s3  }
0xc: {  	[smem:$0x3F9D] =	sst s4  }
0xd: {  	[smem:$0x3F9E] =	sst s5  }
0xe: {  	[smem:$0x3F9F] =	sst s6  }
0xf: {  	[smem:$0x3FA0] =	sst s7  }
0x10: {  	[smem:$0x3FA1] =	sst s8  }
0x11: {  	[smem:$0x3FA2] =	sst s9;
	s0 =	simm.s32 @!p0 $0x0  }
0x12: {  	s1 =	sld [smem:$0x3F88];
	s0 =	simm.s32 @p0 $0x1  }
0x13: {  	[smem:$0x3FA3] =	sst s0;
	s0 =	simm.s32 @!p1 $0x0  }
0x14: {  	s2 =	sld [smem:$0x3F87];
	s0 =	simm.s32 @p1 $0x1  }
0x15: {  	[smem:$0x3FA4] =	sst s0;
	s0 =	simm.s32 @!p2 $0x0  }
0x16: {  	s3 =	sld [smem:$0x3FDB];
	s0 =	simm.s32 @p2 $0x1  }
0x17: {  	s4 =	simm.s32 $0x1BF5;
	[smem:$0x3FA6] =	sst s0  }
0x18: {  	s0 =	sld [smem:$0x3F89];
	_ =	swait.ge [sflag:s4], $0x0  }
0x19: {  	s7 =	sld [smem:$0x3F8A]  }
0x1a: {  	s8 =	sadd.s32 $0xFFFFE003, lr  }
0x1b: {  	s9 =	sadd.s32 $0xFFFFFEF7, lr;
	s5 =	simm.s32 $0xFFFFFFFF;
	p2 =	slt.u32 s8, $0xFFFFF086  }
0x1c: {  	p1 =	slt.u32 s9, $0xF7A;
	s5 =	simm.s32 @!p2 $0x0  }
0x1d: {  	s5 =	simm.s32 @p1 $0x1;
	p0 =	seq.s32 s7, s2  }
0x1e: {  	s7 =	smul.u32 @!p0 $0xF7A, s2;
	p2 =	seq.s32 @!p0 s5, $0x0  }
0x1f: {  	s9 =	smul.u32 $0xF7A, s1;
	s8 =	simm.s32 @!p0 $0x1BF5;
	p2 =	por !p2, p0  }
0x20: {  	[sflag:s8] =	ssyncset.s32 @!p0 $0xFFFFF086;
	s6 =	sadd.s32 @!p0 s3, s7;
	s7 =	simm.s32 @!p0 $0x108  }
0x21: {  	s3 =	sadd.s32 s3, s9;
	s6 =	sadd.s32 @!p0 $0x88, s6;
	s7 =	simm.s32 @p2 $0x1082  }
0x22: {  	[simem:s7], [sflag:s8] =	dma.local @!p0 [hbm:s6], $0xF7A  }
0x23: {  	s9 =	sor.u32 $0xD0000000, s2;
	s6 =	simm.s32 $0x108;
	_ =	swait.ge @!p0 [sflag:s8], $0x0  }
0x24: {  	s3 =	sadd.s32 $0x88, s3;
	s6 =	simm.s32 @!p1 $0x1082;
	[sflag:s4] =	ssyncset.s32 $0xFFFFF086  }
0x25: {  	[simem:s6], [sflag:s4] =	dma.local [hbm:s3], $0xF7A  }
0x26: {  	[smem:$0x3F8A] =	sst s1;
	(tag) =	ssettag s2;
	_ =	strace s9  }
0x27: {  	s1 =	sld [smem:$0x3F9A]  }
0x28: {  	s2 =	sld [smem:$0x3F9B]  }
0x29: {  	s4 =	sld [smem:$0x3F9D]  }
0x2a: {  	p0 =	seq.s32 s5, $0x0;
	s5 =	sld [smem:$0x3F9E]  }
0x2b: {  	s6 =	sld [smem:$0x3F9F]  }
0x2c: {  	s7 =	sld [smem:$0x3FA0]  }
0x2d: {  	s3 =	simm.s32 $0x108;
	s8 =	sld [smem:$0x3FA1]  }
0x2e: {  	s3 =	simm.s32 @!p0 $0x1082;
	s9 =	sld [smem:$0x3FA2]  }
0x2f: {  	lr =	sadd.s32 s0, s3;
	s0 =	sld [smem:$0x3F99]  }
0x30: {  	s3 =	sld [smem:$0x3F9C]  }
0x31: {  	[smem:$0x3FA5] =	sst s10  }
0x32: {  	s10 =	sld [smem:$0x3FA3];
	_ =	sdelay $0x3  }
0x33: {  	p0 =	seq.s32 s10, $0x1;
	s10 =	sld [smem:$0x3FA5];
	_ =	sdelay $0x3  }
0x34: {  	[smem:$0x3FA5] =	sst s10  }
0x35: {  	s10 =	sld [smem:$0x3FA4];
	_ =	sdelay $0x3  }
0x36: {  	p1 =	seq.s32 s10, $0x1;
	s10 =	sld [smem:$0x3FA5];
	_ =	sdelay $0x3  }
0x37: {  	[smem:$0x3FA5] =	sst s10  }
0x38: {  	s10 =	sld [smem:$0x3FA6]  }
0x39: {  	_ = 	snop;
	(pc) =	sbr.ind lr, $3  }
0x3a: {  	_ = 	snop  }
0x3b: {  	_ = 	snop  }
0x3c: {  	p2 =	seq.s32 s10, $0x1;
	s10 =	sld [smem:$0x3FA5]  }
0x3d: {  	_ =	shalt  }
0x3e: {  	_ =	shalt  }
0x3f: {  	_ =	shalt  }
0x40: {  	_ =	shalt  }
0x41: {  	_ =	shalt  }
0x42: {  	_ =	shalt  }
0x43: {  	_ =	shalt  }
0x44: {  	_ =	shalt  }
0x45: {  	_ =	shalt  }
0x46: {  	_ =	shalt  }
0x47: {  	_ =	shalt  }
0x48: {  	_ =	shalt  }
0x49: {  	_ =	shalt  }
0x4a: {  	_ =	shalt  }
0x4b: {  	_ =	shalt  }
0x4c: {  	_ =	shalt  }
0x4d: {  	_ =	shalt  }
0x4e: {  	_ =	shalt  }
0x4f: {  	_ =	shalt  }
0x50: {  	_ =	shalt  }
0x51: {  	_ =	shalt  }
0x52: {  	_ =	shalt  }
0x53: {  	_ =	shalt  }
0x54: {  	_ =	shalt  }
0x55: {  	_ =	shalt  }
0x56: {  	_ =	shalt  }
0x57: {  	_ =	shalt  }
0x58: {  	_ =	shalt  }
0x59: {  	_ =	shalt  }
0x5a: {  	_ =	shalt  }
0x5b: {  	_ =	shalt  }
0x5c: {  	_ =	shalt  }
0x5d: {  	_ =	shalt  }
0x5e: {  	_ =	shalt  }
0x5f: {  	_ =	shalt  }
0x60: {  	_ =	shalt  }
0x61: {  	_ =	shalt  }
0x62: {  	_ =	shalt  }
0x63: {  	_ =	shalt  }
0x64: {  	_ =	shalt  }
0x65: {  	_ =	shalt  }
0x66: {  	_ =	shalt  }
0x67: {  	_ =	shalt  }
0x68: {  	_ =	shalt  }
0x69: {  	_ =	shalt  }
0x6a: {  	_ =	shalt  }
0x6b: {  	_ =	shalt  }
0x6c: {  	_ =	shalt  }
0x6d: {  	_ =	shalt  }
0x6e: {  	_ =	shalt  }
0x6f: {  	_ =	shalt  }
0x70: {  	_ =	shalt  }
0x71: {  	_ =	shalt  }
0x72: {  	_ =	shalt  }
0x73: {  	_ =	shalt  }
0x74: {  	_ =	shalt  }
0x75: {  	_ =	shalt  }
0x76: {  	_ =	shalt  }
0x77: {  	_ =	shalt  }
0x78: {  	_ =	shalt  }
0x79: {  	_ =	shalt  }
0x7a: {  	_ =	shalt  }
0x7b: {  	_ =	shalt  }
0x7c: {  	_ =	shalt  }
0x7d: {  	_ =	shalt  }
0x7e: {  	_ =	shalt  }
0x7f: {  	_ =	shalt  }
0x80: {  	_ =	shalt  }
0x81: {  	_ =	shalt  }
0x82: {  	_ =	shalt  }
0x83: {  	_ =	shalt  }
0x84: {  	_ =	shalt  }
0x85: {  	_ =	shalt  }
0x86: {  	_ =	shalt  }
0x87: {  	_ =	shalt  }
.Lfunc_end0:
.L_simem_size_0:
called_computation.1_lowered:
.L_overlay_start_0:
0x88: {  	s2 =	sld [smem:$0x3FD9]  }
0x89: {  	s3 =	sld [smem:$0x3FFE];
	_ =	sdelay $0x1  }
0x8a: {  	s1 =	srdreg.scid  }
0x8b: {  	s0 =	sand.u32 $0x1, s1  }
0x8c: {  	s14 =	sshll.u32 s0, $0xA;
	s2 =	sadd.s32 s3, s2  }
0x8d: {  	s2 =	sadd.s32 s2, s14  }
0x8e: {  	[smem:$0x3FB1] =	sst s2  }
0x8f: {  	_ = 	snop  }
0x90: {  	s2 =	sld [smem:$0x3FD0];
	_ =	sdelay $0x2  }
0x91: {  	s15 =	simm.s32 $0xA;
	s4 =	simm.s32 $0x10  }
0x92: {  	[smem:s4], [sflag:s15] =	dma.local [hbm:s2], $0x1  }
0x93: {  	_ =	swait.eq [sflag:s15], $0x1  }
0x94: {  	[sflag:s15] =	ssyncset.done $0x0  }
0x95: {  	s16 =	sld [smem:$0x10];
	[sflag:s15] =	ssyncadd.s32 $0xFFFFFFFF  }
0x96: {  	s17 =	sld [smem:$0x11];
	(tm) =	ssettm $0x1  }
0x97: {  	s18 =	sld [smem:$0x3FFB];
	_ =	sdelay $0x3  }
0x98: {  	_ =	strace s18  }
0x99: {  	s4 =	sld [smem:$0x3FFC];
	_ =	sdelay $0x3  }
0x9a: {  	_ =	strace s4  }
0x9b: {  	s4 =	sld [smem:$0x3FFD];
	_ =	sdelay $0x3  }
0x9c: {  	_ =	strace s4  }
0x9d: {  	_ =	strace $0x8FFFFFFF  }
0x9e: {  	s19 =	sld [smem:$0x3FDB];
	_ =	sdelay $0x1  }
0x9f: {  	s5 =	simm.s32 $_scs_section_size  }
0xa0: {  	s6 =	simm.s32 $_size__tile_overlayer_lowered;
	s7 =	simm.s32 $_tile_overlayer_lowered  }
0xa1: {  	s22 =	simm.s32 $0x1BFF;
	s21 =	sshll.u32 s7, $0x1;
	s4 =	sadd.s32 s5, s19  }
0xa2: {  	s8 =	simm.s32 $0x0;
	s20 =	sshll.u32 s6, $0x1;
	s6 =	sadd.s32 s21, s4  }
0xa3: {  	[timem:s8], [sflag:s22] =	dma.local [hbm:s6], s20  }
0xa4: {  	_ =	swait.ge [sflag:s22], s20  }
0xa5: {  	s5 =	ssub.s32 $0x0, s20;
	[sflag:s22] =	ssyncset.done $0x0  }
0xa6: {  	[sflag:s22] =	ssyncadd.s32 s5;
	_ =	sdelay $0x1  }
0xa7: {  	s23 =	simm.s32 $0x1B8B  }
0xa8: {  	_ =	swait.ge [sflag:s23], $0x1  }
0xa9: {  	[sflag:s23] =	ssyncset.done $0x0  }
0xaa: {  	s25 =	simm.s32 $0x1B8E;
	s24 =	sld [smem:$0x3FFE];
	[sflag:s23] =	ssyncadd.s32 $0xFFFFFFFF  }
0xab: {  	s26 =	simm.s32 $execute0_lowered;
	[smem:$0x3FD2] =	sst s25  }
0xac: {  	s6 =	sshll.u32 s26, $0x1;
	_ =	strace $0x80000049;
	[dreg:$0x1] =	wrdreg $0xFFFFFFFF  }
0xad: {  	s28 =	simm.s32 $_size_execute0_lowered;
	s4 =	sadd.s32 s4, s6;
	[dreg:$0x0] =	wrdreg $0x0  }
0xae: {  	s6 =	sshll.u32 s28, $0x1;
	[dreg:$0x2] =	wrdreg s4  }
0xaf: {  	[dreg:$0x3] =	wrdreg s6  }
0xb0: {  	[dreg:$0x4] =	wrdreg $0xC0  }
0xb1: {  	_ =	task [dreg:s8], $0x5FFFF  }
0xb2: {  	[dreg:$0x1] =	wrdreg $0xFFFFFFFF  }
0xb3: {  	[dreg:$0x0] =	wrdreg $0x60  }
0xb4: {  	[dreg:$0x2] =	wrdreg s17  }
0xb5: {  	[dreg:$0x3] =	wrdreg s24  }
0xb6: {  	[dreg:$0x4] =	wrdreg s16  }
0xb7: {  	[dreg:$0x5] =	wrdreg $0xDDF80  }
0xb8: {  	[dreg:$0x6] =	wrdreg $0xDB800  }
0xb9: {  	[dreg:$0x7] =	wrdreg $0x9  }
0xba: {  	_ =	task.clear_ibuf [dreg:s8], $0x8FFFF;
	_ =	strace $0x90000049  }
0xbb: {  	s29 =	simm.s32 $0x9;
	_ =	strace $0x8000004B  }
0xbc: {  	_ =	swait.ge [sflag:s29], $0x1  }
0xbd: {  	[sflag:s29] =	ssyncadd.s32 $0xFFFFFFFF  }
0xbe: {  	_ =	strace $0x9000004B  }
0xbf: {  	_ =	sfence  }
0xc0: {  	s30 =	sld [smem:$0x0];
	_ =	sdelay $0x2  }
0xc1: {  	s31 =	sshll.u32 s1, $0xD;
	s1 =	sshrl.u32 s1, $0x2  }
0xc2: {  	s3 =	sand.u32 $0x4000, s31;
	s1 =	sadd.s32 s1, s30  }
0xc3: {  	s0 =	sor.u32 s3, s0;
	s1 =	sshll.u32 s1, $0x11  }
0xc4: {  	s0 =	sor.u32 s1, s0  }
0xc5: {  	s0 =	sadd.s32 $0x8F2B, s0  }
0xc6: {  	[sflag:s0] =	ssyncadd.remote.s32 $0x1  }
0xc7: {  	_ =	sfence.sel $0xFFFF  }
0xc8: {  	[dreg:$0x0] =	wrdreg $0xFFFFFFFF;
	(pc) =	sbr.abs _section_cstart, $3  }
0xc9: {  	[dreg:$0x1] =	wrdreg $0xFFFFFFFF  }
0xca: {  	_ =	task.clear_ibuf [dreg:s8], $0x2FFFF;
	_ =	strace $0x9FFFFFFF  }
0xcb: {  	(tm) =	ssettm $0x7FFFFFFF  }
tec
execute0_lowered:
.L_overlay_start_1:
0x0: {  	(tag) =	ssettag $0x1  }
0x1: {  	s0 =	rddreg [dreg:$0x0]  }
0x2: {  	s1 =	rddreg [dreg:$0x1]  }
0x3: {  	s8 =	rddreg [dreg:$0x2]  }
0x4: {  	s2 =	rddreg [dreg:$0x3];
	s18 =	stileid.u32  }
0x5: {  	s3 =	rddreg [dreg:$0x4];
	s9 =	smul.u32 $0x138, s18  }
0x6: {  	s4 =	simm.s32 $0x0;
	s5 =	srdreg.scid;
	s11 =	smul.u32 $0x270, s18  }
0x7: {  	s28 =	simm.s32 $0x2;
	s29 =	simm.s32 $0xA0;
	s12 =	smul.u32 $0x4E20, s18  }
0x8: {  	s30 =	simm.s32 $0x300;
	s31 =	simm.s32 $0x5400;
	s15 =	smul.u32 $0x4E200, s18  }
0x9: {  	[smem:$0x7FF] =	sst s4;
	s10 =	sand.u32 $0x1, s5;
	s26 =	smul.u32 $0x27000, s18  }
0xa: {  	s13 =	sadd.s32 $0xF400, s1;
	s1 =	sadd.s32 $0x5600, s1;
	s20 =	smul.u32 $0x1388, s10  }
0xb: {  	s7 =	sadd.s32 $0x2700, s3;
	p0 =	sne.s32 s18, $0xF;
	s16 =	smul.u32 $0x2710, s10  }
0xc: {  	_ =	strace $0x8000004A;
	s5 =	ssub.s32 $0x2, s10;
	s17 =	smul.u32 $0x9C400, s10  }
0xd: {  	p1 =	sne.s32 s10, $0x0;
	s10 =	simm.s32 $0x200;
	s6 =	sshrl.u32 s5, $0x1  }
0xe: {  	s12 =	sshrl.u32 s12, $0x3;
	s19 =	sadd.s32 s0, s15;
	s21 =	sshrl.u32 s26, $0x2  }
0xf: {  	s14 =	ssub.s32 s5, s6;
	s5 =	sadd.s32 s11, s3;
	s6 =	sadd.s32 $0x9C000, s2  }
0x10: {  	s12 =	sadd.s32 s13, s12;
	s23 =	sadd.s32 s11, s16;
	s9 =	sadd.s32 s9, s20  }
0x11: {  	s24 =	sshrl.u32 s17, $0x3;
	s25 =	sshrl.u32 s16, $0x3;
	[dreg:$0x7] =	wrdreg s19  }
0x12: {  	s26 =	sadd.s32 $0xA00, s19;
	[dreg:$0x6] =	wrdreg s12;
	s0 =	sshrl.u32 s23, $0x3  }
0x13: {  	s11 =	sadd.s32 s8, s24;
	s16 =	sadd.s32 s1, s25;
	s17 =	smax.u32 s14, $0x1  }
0x14: {  	s14 =	sadd.s32 s21, s2;
	s22 =	sshll.u32 s9, $0x4;
	s23 =	smul.u32 $0x9C4, s18  }
0x15: {  	[dreg:$0xe] =	wrdreg s26;
	s26 =	simm.s32 $0x3;
	s0 =	sadd.s32 s1, s0  }
0x16: {  	s11 =	sadd.s32 $0x13800, s11;
	[dreg:$0xb] =	wrdreg s17;
	s15 =	sadd.s32 $0x3400, s14  }
0x17: {  	s17 =	sadd.s32 s8, s22;
	s22 =	simm.s32 $0xA500;
	[dreg:$0x8] =	wrdreg s0  }
0x18: {  	s1 =	simm.s32 $0x100;
	s8 =	simm.s32 $0x1;
	[dreg:$0x9] =	wrdreg s11  }
.Ltmp0:
0x19: {  	s0 =	sadd.s32 $0x4E0, s16;
	s16 =	sadd.s32 $0x6800, s14;
	(pc) =	sbr.rel .LBB2_1-.Ltmp0, $4  }
0x1a: {  	s24 =	sadd.s32 $0xD00, s17;
	s25 =	sadd.s32 s23, s13;
	s23 =	simm.s32 $0x7  }
0x1b: {  	s11 =	simm.s32 $0x0;
	[dreg:$0xa] =	wrdreg s0;
	s0 =	sadd.s32 $0x680, s17  }
0x1c: {  	[dreg:$0xd] =	wrdreg s24;
	s13 =	sadd.s32 $0x14, s25;
	s24 =	simm.s32 $0xD900  }
0x1d: {  	v1 =	vimm.f32 $0.0e+00;
	v2 =	vimm.f32 $1.000000000e+00;
	v0 =	vmov s20;
	s25 =	simm.s32 $0x400;
	[dreg:$0xc] =	wrdreg s0;
	s0 =	simm.s32 $0x4  }
.LBB2_12:
0x1e: {  	_ =	swait.ge [sflag:s0], $0x5000  }
0x1f: {  	[sflag:s0] =	ssyncset.done $0x0  }
0x20: {  	s9 =	simm.s32 @p1 $0x3;
	[sflag:s0] =	ssyncadd.s32 $0xFFFFB000  }
0x21: {  	_ =	swait.ge @p1 [sflag:s9], $0x5000  }
0x22: {  	[sflag:s9] =	ssyncset.done @p1 $0x0  }
0x23: {  	[sflag:s9] =	ssyncadd.s32 @p1 $0xFFFFB000;
	s9 =	simm.s32 @!p1 $0x6  }
0x24: {  	_ =	swait.ge @!p1 [sflag:s9], $0xA0  }
0x25: {  	[sflag:s9] =	ssyncset.done @!p1 $0x0  }
0x26: {  	[sflag:s9] =	ssyncadd.s32 @!p1 $0xFFFFFF60;
	s9 =	simm.s32 @!p1 $0x3  }
0x27: {  	_ =	swait.ge @!p1 [sflag:s9], $0x5000  }
0x28: {  	[sflag:s9] =	ssyncset.done @!p1 $0x0  }
0x29: {  	[sflag:s9] =	ssyncadd.s32 @!p1 $0xFFFFB000;
	s9 =	simm.s32 @!p1 $0x5  }
0x2a: {  	_ =	swait.ge @!p1 [sflag:s9], $0xA0  }
0x2b: {  	[sflag:s9] =	ssyncset.done @!p1 $0x0  }
0x2c: {  	[sflag:s9] =	ssyncadd.s32 @!p1 $0xFFFFFF60  }
0x2d: {  	[bflag:$0x0] =	sbarrier.arrive $0xFFFF  }
0x2e: {  	[tilespmem:s22], [sflag:$0x7] =	stream.linear.gather [spmem:s14], $0x3400, $0x38;
	[tilespmem:$0x18A38] =	vst v63  }
0x2f: {  	_ =	swait.ge [sflag:s23], $0x3400  }
0x30: {  	[sflag:s23] =	ssyncset.done $0x0  }
0x31: {  	[sflag:s23] =	ssyncadd.s32 $0xFFFFCC00  }
0x32: {  	[hbm4b:s17+s4] =	stream.linear.scatter [tilespmem:s22], [sflag:$0x7], $0x3400, $0x38;
	[tilespmem:$0x18A38] =	vst v63  }
0x33: {  	_ =	swait.ge [sflag:s23], $0x3400  }
0x34: {  	[sflag:s23] =	ssyncset.done $0x0  }
0x35: {  	[sflag:s23] =	ssyncadd.s32 $0xFFFFCC00  }
0x36: {  	[tilespmem:s22], [sflag:$0x7] =	stream.linear.gather [spmem:s15], $0x3400, $0x38;
	[tilespmem:$0x18A38] =	vst v63  }
0x37: {  	_ =	swait.ge [sflag:s23], $0x3400  }
0x38: {  	[sflag:s23] =	ssyncset.done $0x0  }
0x39: {  	s18 =	rddreg [dreg:$0xc];
	[sflag:s23] =	ssyncadd.s32 $0xFFFFCC00  }
0x3a: {  	[hbm4b:s18+s4] =	stream.linear.scatter [tilespmem:s22], [sflag:$0x7], $0x3400, $0x38;
	[tilespmem:$0x18A38] =	vst v63  }
0x3b: {  	_ =	swait.ge [sflag:s23], $0x3400  }
0x3c: {  	[sflag:s23] =	ssyncset.done $0x0  }
0x3d: {  	[sflag:s23] =	ssyncadd.s32 $0xFFFFCC00  }
0x3e: {  	[tilespmem:s22], [sflag:$0x7] =	stream.linear.gather [spmem:s16], $0x3400, $0x38;
	[tilespmem:$0x18A38] =	vst v63  }
0x3f: {  	_ =	swait.ge [sflag:s23], $0x3400  }
0x40: {  	[sflag:s23] =	ssyncset.done $0x0  }
0x41: {  	s19 =	rddreg [dreg:$0xd];
	[sflag:s23] =	ssyncadd.s32 $0xFFFFCC00  }
0x42: {  	[hbm4b:s19+s4] =	stream.linear.scatter [tilespmem:s22], [sflag:$0x7], $0x3400, $0x38;
	[tilespmem:$0x18A38] =	vst v63  }
0x43: {  	_ =	swait.ge [sflag:s23], $0x3400  }
0x44: {  	[sflag:s23] =	ssyncset.done $0x0  }
0x45: {  	[sflag:s23] =	ssyncadd.s32 $0xFFFFCC00  }
0x46: {  	[tilespmem:s24], [sflag:$0x7] =	stream.linear.gather [spmem:s5], $0x270, $0x38;
	[tilespmem:$0x18A38] =	vst v63  }
0x47: {  	_ =	swait.ge [sflag:s23], $0x270  }
0x48: {  	[sflag:s23] =	ssyncset.done $0x0  }
0x49: {  	s20 =	rddreg [dreg:$0x8];
	[sflag:s23] =	ssyncadd.s32 $0xFFFFFD90  }
0x4a: {  	[hbm4b:s20+s4] =	stream.linear.scatter [tilespmem:s24], [sflag:$0x7], $0x270, $0x38;
	[tilespmem:$0x18A38] =	vst v63  }
0x4b: {  	_ =	swait.ge [sflag:s23], $0x270  }
0x4c: {  	[sflag:s23] =	ssyncset.done $0x0  }
0x4d: {  	s12 =	simm.s32 @!p0 $0x7;
	s9 =	simm.s32 @!p0 $0xA500;
	[sflag:s23] =	ssyncadd.s32 $0xFFFFFD90  }
0x4e: {  	[tilespmem:s9], [sflag:$0x7] =	stream.linear.gather @!p0 [spmem:s6], $0x400, $0x38;
	[tilespmem:$0x18A38] =	vst v63  }
0x4f: {  	_ =	swait.ge @!p0 [sflag:s12], $0x400  }
0x50: {  	[sflag:s12] =	ssyncset.done @!p0 $0x0  }
0x51: {  	s18 =	simm.s32 @!p0 $0x0;
	s19 =	rddreg [dreg:$0x9];
	[sflag:s12] =	ssyncadd.s32 @!p0 $0xFFFFFC00  }
0x52: {  	[hbm4b:s19+s18] =	stream.linear.scatter @!p0 [tilespmem:s9], [sflag:$0x7], $0x400, $0x38;
	[tilespmem:$0x18A38] =	vst v63  }
0x53: {  	_ =	swait.ge @!p0 [sflag:s12], $0x400  }
0x54: {  	[sflag:s12] =	ssyncset.done @!p0 $0x0  }
0x55: {  	s9 =	simm.s32 @!p0 $0xD900;
	[sflag:s12] =	ssyncadd.s32 @!p0 $0xFFFFFC00  }
0x56: {  	[tilespmem:s9], [sflag:$0x7] =	stream.linear.gather @!p0 [spmem:s7], $0x10, $0x38;
	[tilespmem:$0x18A38] =	vst v63  }
0x57: {  	_ =	swait.ge @!p0 [sflag:s12], $0x10  }
0x58: {  	[sflag:s12] =	ssyncset.done @!p0 $0x0  }
0x59: {  	s19 =	rddreg [dreg:$0xa];
	[sflag:s12] =	ssyncadd.s32 @!p0 $0xFFFFFFF0  }
0x5a: {  	[hbm4b:s19+s18] =	stream.linear.scatter @!p0 [tilespmem:s9], [sflag:$0x7], $0x10, $0x38;
	[tilespmem:$0x18A38] =	vst v63  }
0x5b: {  	_ =	swait.ge @!p0 [sflag:s12], $0x10  }
0x5c: {  	s11 =	sadd.s32 $0x1, s11;
	s21 =	rddreg [dreg:$0xb]  }
0x5d: {  	p2 =	sne.s32 s11, s21  }
.Ltmp1:
0x5e: {  	_ = 	snop;
	(pc) =	sbr.rel @!p2 .LBB2_13-.Ltmp1, $3  }
0x5f: {  	_ =	sdelay $0x1  }
0x60: {  	[sflag:s12] =	ssyncset.done @!p0 $0x0  }
0x61: {  	[sflag:s12] =	ssyncadd.s32 @!p0 $0xFFFFFFF0  }
.LBB2_1:
0x62: {  	s12 =	simm.s32 $0x0;
	s20 =	simm.s32 $0x200  }
.LBB2_2:
0x63: {  	p2 =	sne.s32 s20, $0xCE00;
	[tilespmem:s12+$0xA570] =	vst v1  }
0x64: {  	[tilespmem:s12+$0xA500] =	vst v1  }
0x65: {  	[tilespmem:s12+$0xA510] =	vst v1  }
.Ltmp2:
0x66: {  	[tilespmem:s12+$0xA520] =	vst v1;
	(pc) =	sbr.rel @p2 .LBB2_2-.Ltmp2, $4  }
0x67: {  	[tilespmem:s12+$0xA530] =	vst v1  }
0x68: {  	[tilespmem:s12+$0xA540] =	vst v1  }
0x69: {  	[tilespmem:s12+$0xA550] =	vst v1  }
0x6a: {  	[tilespmem:s12+$0xA560] =	vst v1;
	s12 =	sshra.s32 s20, $0x2;
	s20 =	sadd.s32 $0x200, s20  }
0x6b: {  	[tilespmem:s12+$0xA570] =	vst v1  }
0x6c: {  	[tilespmem:s12+$0xA500] =	vst v1  }
0x6d: {  	[tilespmem:s12+$0xA510] =	vst v1  }
0x6e: {  	[tilespmem:s12+$0xA520] =	vst v1  }
0x6f: {  	[tilespmem:s12+$0xA530] =	vst v1  }
0x70: {  	[tilespmem:s12+$0xA540] =	vst v1  }
0x71: {  	[tilespmem:s12+$0xA550] =	vst v1  }
0x72: {  	[tilespmem:s12+$0xA560] =	vst v1  }
0x73: {  	[tilespmem:$0xD900] =	vst v1  }
0x74: {  	[tilespmem:$0xD910] =	vst v1  }
0x75: {  	[tilespmem:$0xD920] =	vst v1  }
0x76: {  	[tilespmem:$0xD930] =	vst v1  }
0x77: {  	[tilespmem:$0xD940] =	vst v1  }
0x78: {  	[tilespmem:$0xD950] =	vst v1  }
0x79: {  	[tilespmem:$0xD960] =	vst v1  }
0x7a: {  	[tilespmem:$0xD970] =	vst v1  }
0x7b: {  	[tilespmem:$0xD980] =	vst v1  }
0x7c: {  	[tilespmem:$0xD990] =	vst v1  }
0x7d: {  	[tilespmem:$0xD9A0] =	vst v1  }
0x7e: {  	[tilespmem:$0xD9B0] =	vst v1  }
0x7f: {  	[tilespmem:$0xD9C0] =	vst v1  }
0x80: {  	[tilespmem:$0xD9D0] =	vst v1  }
0x81: {  	[tilespmem:$0xD9E0] =	vst v1  }
0x82: {  	[tilespmem:$0xD9F0] =	vst v1  }
0x83: {  	[tilespmem:$0xDA00] =	vst v1  }
0x84: {  	[tilespmem:$0xDA10] =	vst v1  }
0x85: {  	[tilespmem:$0xDA20] =	vst v1  }
0x86: {  	[tilespmem:$0xDA30] =	vst v1  }
0x87: {  	[tilespmem:$0xDA40] =	vst v1  }
0x88: {  	[tilespmem:$0xDA50] =	vst v1  }
0x89: {  	[tilespmem:$0xDA60] =	vst v1  }
0x8a: {  	[tilespmem:$0xDA70] =	vst v1  }
0x8b: {  	[tilespmem:$0xDA80] =	vst v1  }
0x8c: {  	[tilespmem:$0xDA90] =	vst v1  }
0x8d: {  	[tilespmem:$0xDAA0] =	vst v1  }
0x8e: {  	[tilespmem:$0xDAB0] =	vst v1  }
0x8f: {  	[tilespmem:$0xDAC0] =	vst v1  }
0x90: {  	[tilespmem:$0xDAD0] =	vst v1  }
0x91: {  	[tilespmem:$0xDAE0] =	vst v1  }
0x92: {  	[tilespmem:$0xDAF0] =	vst v1  }
0x93: {  	[tilespmem:$0xDB00] =	vst v1  }
0x94: {  	[tilespmem:$0xDB10] =	vst v1  }
0x95: {  	[tilespmem:$0xDB20] =	vst v1  }
0x96: {  	[tilespmem:$0xDB30] =	vst v1  }
0x97: {  	[tilespmem:$0xDB40] =	vst v1  }
0x98: {  	[tilespmem:$0xDB50] =	vst v1  }
0x99: {  	[tilespmem:$0xDB60] =	vst v1  }
0x9a: {  	[tilespmem:$0xA400] =	vst v2  }
0x9b: {  	[tilespmem:$0xA410] =	vst v2  }
0x9c: {  	[tilespmem:$0xA420] =	vst v2  }
0x9d: {  	[tilespmem:$0xA430] =	vst v2  }
0x9e: {  	[tilespmem:$0xA440] =	vst v2  }
0x9f: {  	[tilespmem:$0xA450] =	vst v2  }
0xa0: {  	[tilespmem:$0xA460] =	vst v2  }
0xa1: {  	[tilespmem:$0xA470] =	vst v2  }
0xa2: {  	[tilespmem:$0xA480] =	vst v2  }
0xa3: {  	[tilespmem:$0xA490] =	vst v2  }
0xa4: {  	[spmem:s14] =	stream.linear.scatter [tilespmem:s22], [sflag:$0x7], $0x3400, $0x38;
	[tilespmem:$0x18A38] =	vst v63  }
0xa5: {  	_ =	swait.ge [sflag:s23], $0x3400  }
0xa6: {  	[sflag:s23] =	ssyncset.done $0x0  }
0xa7: {  	[sflag:s23] =	ssyncadd.s32 $0xFFFFCC00  }
0xa8: {  	[spmem:s15] =	stream.linear.scatter [tilespmem:s22], [sflag:$0x7], $0x3400, $0x38;
	[tilespmem:$0x18A38] =	vst v63  }
0xa9: {  	_ =	swait.ge [sflag:s23], $0x3400  }
0xaa: {  	[sflag:s23] =	ssyncset.done $0x0  }
0xab: {  	[sflag:s23] =	ssyncadd.s32 $0xFFFFCC00  }
0xac: {  	[spmem:s16] =	stream.linear.scatter [tilespmem:s22], [sflag:$0x7], $0x3400, $0x38;
	[tilespmem:$0x18A38] =	vst v63  }
0xad: {  	_ =	swait.ge [sflag:s23], $0x3400  }
0xae: {  	[sflag:s23] =	ssyncset.done $0x0  }
0xaf: {  	[sflag:s23] =	ssyncadd.s32 $0xFFFFCC00  }
0xb0: {  	[spmem:s5] =	stream.linear.scatter [tilespmem:s24], [sflag:$0x7], $0x270, $0x38;
	[tilespmem:$0x18A38] =	vst v63  }
0xb1: {  	_ =	swait.ge [sflag:s23], $0x270  }
0xb2: {  	[sflag:s23] =	ssyncset.done $0x0  }
0xb3: {  	s12 =	simm.s32 @!p0 $0xA500;
	[sflag:s23] =	ssyncadd.s32 $0xFFFFFD90  }
0xb4: {  	[spmem:s6] =	stream.linear.scatter @!p0 [tilespmem:s12], [sflag:$0x7], $0x400, $0x38;
	[tilespmem:$0x18A38] =	vst v63  }
0xb5: {  	s12 =	simm.s32 @!p0 $0x7  }
0xb6: {  	_ =	swait.ge @!p0 [sflag:s12], $0x400  }
0xb7: {  	[sflag:s12] =	ssyncset.done @!p0 $0x0  }
0xb8: {  	s20 =	simm.s32 @!p0 $0xD900;
	[sflag:s12] =	ssyncadd.s32 @!p0 $0xFFFFFC00  }
0xb9: {  	[spmem:s7] =	stream.linear.scatter @!p0 [tilespmem:s20], [sflag:$0x7], $0x10, $0x38;
	[tilespmem:$0x18A38] =	vst v63  }
0xba: {  	_ =	swait.ge @!p0 [sflag:s12], $0x10  }
0xbb: {  	[sflag:s12] =	ssyncset.done @!p0 $0x0  }
0xbc: {  	[sflag:s12] =	ssyncadd.s32 @!p0 $0xFFFFFFF0  }
0xbd: {  	[bflag:$0x0] =	sbarrier.arrive $0xFFFF  }
0xbe: {  	s12 =	simm.s32 $0x0;
	s9 =	rddreg [dreg:$0x6]  }
0xbf: {  	[tilespmem:s12], [sflag:$0x7] =	stream.linear.gather [hbm4b:s9+s12], $0xA0, $0x38;
	[tilespmem:$0x18A38] =	vst v63  }
.Ltmp3:
0xc0: {  	_ =	swait.ge [sflag:s23], $0xA0;
	(pc) =	sbr.rel .LBB2_4-.Ltmp3, $4  }
0xc1: {  	[sflag:s23] =	ssyncset.done $0x0  }
0xc2: {  	s21 =	rddreg [dreg:$0x7];
	[sflag:s23] =	ssyncadd.s32 $0xFFFFFF60  }
0xc3: {  	[tilespmem:s25], [sflag:$0x1] =	stream.linear.gather [hbm4b:s21+s12], $0x5000, $0x38;
	[tilespmem:$0x18A38] =	vst v63  }
0xc4: {  	s20 =	rddreg [dreg:$0xe];
	s21 =	smov.u32 s13  }
.LBB2_10:
0xc5: {  	_ =	swait.ge [sflag:s26], $0x5000  }
0xc6: {  	[sflag:s26] =	ssyncset.done $0x0  }
0xc7: {  	s9 =	simm.s32 @!p1 $0x5;
	[sflag:s26] =	ssyncadd.s32 $0xFFFFB000  }
0xc8: {  	_ =	swait.ge @!p1 [sflag:s9], $0xA0  }
0xc9: {  	[sflag:s9] =	ssyncset.done @!p1 $0x0  }
0xca: {  	[sflag:s9] =	ssyncadd.s32 @!p1 $0xFFFFFF60  }
0xcb: {  	[tilespmem:s4], [sflag:$0x7] =	stream.linear.gather [hbm4b:s21+s4], $0xA0, $0x38;
	[tilespmem:$0x18A38] =	vst v63  }
0xcc: {  	_ =	swait.ge [sflag:s23], $0xA0  }
0xcd: {  	[sflag:s23] =	ssyncset.done $0x0  }
0xce: {  	[sflag:s23] =	ssyncadd.s32 $0xFFFFFF60  }
0xcf: {  	[tilespmem:s25], [sflag:$0x1] =	stream.linear.gather [hbm4b:s20+s4], $0x5000, $0x38;
	[tilespmem:$0x18A38] =	vst v63  }
0xd0: {  	_ =	swait.ge [sflag:s28], $0x5000  }
0xd1: {  	[sflag:s28] =	ssyncset.done $0x0  }
0xd2: {  	[sflag:s28] =	ssyncadd.s32 $0xFFFFB000  }
0xd3: {  	v3 =	vld [tilespmem:$0x100]  }
0xd4: {  	v4 =	vld [tilespmem:$0x110]  }
0xd5: {  	v5 =	vld [tilespmem:$0x120]  }
0xd6: {  	v7 =	vld [tilespmem:$0x130]  }
0xd7: {  	v8 =	vld [tilespmem:$0x140]  }
0xd8: {  	v10 =	vld [tilespmem:$0x150]  }
0xd9: {  	v11 =	vld [tilespmem:$0x160]  }
0xda: {  	v50 =	vld [tilespmem:$0x170]  }
0xdb: {  	v13 =	vld [tilespmem:$0x180];
	v6 =	vsub.s32 v3, v0  }
0xdc: {  	v55 =	vld [tilespmem:$0x190];
	v3 =	vand.u32 $0x1FF, v3;
	v47 =	vsub.s32 v4, v0;
	v4 =	vand.u32 $0x1FF, v4  }
0xdd: {  	v9 =	vsub.s32 v5, v0;
	v5 =	vand.u32 $0x1FF, v5;
	v48 =	vsub.s32 v7, v0  }
0xde: {  	v7 =	vand.u32 $0x1FF, v7;
	v49 =	vsub.s32 v8, v0;
	v8 =	vand.u32 $0x1FF, v8  }
0xdf: {  	v12 =	vsub.s32 v10, v0;
	v51 =	vand.u32 $0x1FF, v10;
	v53 =	vsub.s32 v11, v0  }
0xe0: {  	v54 =	vand.u32 $0x1FF, v11;
	v57 =	vsub.s32 v50, v0;
	v58 =	vand.u32 $0x1FF, v50  }
0xe1: {  	v59 =	vsub.s32 v13, v0;
	v60 =	vand.u32 $0x1FF, v13;
	v61 =	vsub.s32 v55, v0  }
0xe2: {  	v62 =	vand.u32 $0x1FF, v55;
	vm0 =	vlt.u32 v6, $0x1388;
	v3 =	vadd.s32 $0x1388, v3  }
0xe3: {  	vm7 =	vlt.u32 v47, $0x1388;
	v4 =	vadd.s32 $0x1388, v4;
	v3 =	vsel vm0, v6, v3  }
0xe4: {  	vm8 =	vlt.u32 v9, $0x1388;
	v5 =	vadd.s32 $0x1388, v5;
	v4 =	vsel vm7, v47, v4;
	[tilespmem:$0x300] =	vst v3  }
0xe5: {  	vm9 =	vlt.u32 v48, $0x1388;
	v7 =	vadd.s32 $0x1388, v7;
	v5 =	vsel vm8, v9, v5;
	[tilespmem:$0x310] =	vst v4  }
0xe6: {  	vm10 =	vlt.u32 v49, $0x1388;
	v8 =	vadd.s32 $0x1388, v8;
	v6 =	vsel vm9, v48, v7;
	[tilespmem:$0x320] =	vst v5  }
0xe7: {  	vm11 =	vlt.u32 v12, $0x1388;
	v52 =	vadd.s32 $0x1388, v51;
	v3 =	vsel vm10, v49, v8;
	[tilespmem:$0x330] =	vst v6  }
0xe8: {  	vm12 =	vlt.u32 v53, $0x1388;
	v56 =	vadd.s32 $0x1388, v54;
	v4 =	vsel vm11, v12, v52;
	[tilespmem:$0x340] =	vst v3  }
0xe9: {  	vm13 =	vlt.u32 v57, $0x1388;
	v5 =	vsel vm12, v53, v56;
	v3 =	vadd.s32 $0x1388, v58;
	[tilespmem:$0x350] =	vst v4  }
0xea: {  	vm14 =	vlt.u32 v59, $0x1388;
	[tilespmem:$0x360] =	vst v5;
	v4 =	vadd.s32 $0x1388, v60;
	v3 =	vsel vm13, v57, v3  }
0xeb: {  	vm15 =	vlt.u32 v61, $0x1388;
	v63 =	vadd.s32 $0x1388, v62;
	[tilespmem:$0x370] =	vst v3;
	v3 =	vsel vm14, v59, v4  }
0xec: {  	[tilespmem:$0x380] =	vst v3;
	v3 =	vsel vm15, v61, v63  }
0xed: {  	s18 =	simm.s32 @!p1 $0x100;
	s19 =	simm.s32 @!p1 $0xA400;
	s9 =	simm.s32 @!p1 $0xA0;
	[tilespmem:$0x390] =	vst v3  }
0xee: {  	[spmem:s3] =	stream.indirect.scatter.add.f32 @!p1 [tilespmem:s19], [sflag:$0x6], $0x1, s18, s9, $0xb8;
	[tilespmem:$0x18A38] =	vst v63  }
0xef: {  	_ = 	snop  }
0xf0: {  	[spmem:s2] =	stream.indirect.scatter.add.f32 [tilespmem:s31], [sflag:$0x4], $0x80, s30, s29, $0xb8;
	[tilespmem:$0x18A38] =	vst v63  }
.LBB2_11:
0xf1: {  	s12 =	sadd.s32 $0x1, s12  }
0xf2: {  	p2 =	sne.s32 s12, $0x7D  }
.Ltmp4:
0xf3: {  	_ = 	snop;
	(pc) =	sbr.rel @!p2 .LBB2_12-.Ltmp4, $2  }
0xf4: {  	_ =	sdelay $0x2  }
0xf5: {  	s20 =	sadd.s32 $0xA00, s20;
	s21 =	sadd.s32 $0x14, s21  }
.LBB2_4:
0xf6: {  	s18 =	sand.u32 $0x1, s12  }
0xf7: {  	p2 =	seq.s32 s18, $0x1  }
.Ltmp5:
0xf8: {  	_ = 	snop;
	(pc) =	sbr.rel @p2 .LBB2_10-.Ltmp5, $1  }
0xf9: {  	_ =	sdelay $0x3  }
0xfa: {  	p2 =	seq.s32 s12, $0x0  }
.Ltmp6:
0xfb: {  	_ = 	snop;
	(pc) =	sbr.rel @p2 .LBB2_8-.Ltmp6, $1  }
0xfc: {  	_ =	sdelay $0x3  }
0xfd: {  	p2 =	seq.s32 s12, $0x7C  }
.Ltmp7:
0xfe: {  	_ = 	snop;
	(pc) =	sbr.rel @p2 .LBB2_9-.Ltmp7, $1  }
0xff: {  	_ =	sdelay $0x3  }
0x100: {  	_ =	swait.ge [sflag:s0], $0x5000  }
0x101: {  	[sflag:s0] =	ssyncset.done $0x0  }
0x102: {  	s18 =	simm.s32 @!p1 $0x6;
	[sflag:s0] =	ssyncadd.s32 $0xFFFFB000  }
0x103: {  	_ =	swait.ge @!p1 [sflag:s18], $0xA0  }
0x104: {  	[sflag:s18] =	ssyncset.done @!p1 $0x0  }
0x105: {  	[sflag:s18] =	ssyncadd.s32 @!p1 $0xFFFFFF60  }
.LBB2_8:
0x106: {  	[tilespmem:s1], [sflag:$0x7] =	stream.linear.gather [hbm4b:s21+s4], $0xA0, $0x38;
	[tilespmem:$0x18A38] =	vst v63  }
0x107: {  	_ =	swait.ge [sflag:s23], $0xA0  }
0x108: {  	[sflag:s23] =	ssyncset.done $0x0  }
0x109: {  	[sflag:s23] =	ssyncadd.s32 $0xFFFFFF60  }
0x10a: {  	[tilespmem:s31], [sflag:$0x2] =	stream.linear.gather [hbm4b:s20+s4], $0x5000, $0x38;
	[tilespmem:$0x18A38] =	vst v63  }
.LBB2_9:
0x10b: {  	_ =	swait.ge [sflag:s8], $0x5000  }
0x10c: {  	[sflag:s8] =	ssyncset.done $0x0  }
0x10d: {  	[sflag:s8] =	ssyncadd.s32 $0xFFFFB000  }
0x10e: {  	v3 =	vld [tilespmem:$0x0]  }
0x10f: {  	v4 =	vld [tilespmem:$0x10]  }
0x110: {  	v5 =	vld [tilespmem:$0x20]  }
0x111: {  	v7 =	vld [tilespmem:$0x30]  }
0x112: {  	v8 =	vld [tilespmem:$0x40]  }
0x113: {  	v10 =	vld [tilespmem:$0x50]  }
0x114: {  	v11 =	vld [tilespmem:$0x60]  }
0x115: {  	v50 =	vld [tilespmem:$0x70]  }
0x116: {  	v13 =	vld [tilespmem:$0x80];
	v6 =	vsub.s32 v3, v0  }
0x117: {  	v55 =	vld [tilespmem:$0x90];
	v3 =	vand.u32 $0x1FF, v3;
	v47 =	vsub.s32 v4, v0;
	v4 =	vand.u32 $0x1FF, v4  }
0x118: {  	v9 =	vsub.s32 v5, v0;
	v5 =	vand.u32 $0x1FF, v5;
	v48 =	vsub.s32 v7, v0  }
0x119: {  	v7 =	vand.u32 $0x1FF, v7;
	v49 =	vsub.s32 v8, v0;
	v8 =	vand.u32 $0x1FF, v8  }
0x11a: {  	v12 =	vsub.s32 v10, v0;
	v51 =	vand.u32 $0x1FF, v10;
	v53 =	vsub.s32 v11, v0  }
0x11b: {  	v54 =	vand.u32 $0x1FF, v11;
	v57 =	vsub.s32 v50, v0;
	v58 =	vand.u32 $0x1FF, v50  }
0x11c: {  	v59 =	vsub.s32 v13, v0;
	v60 =	vand.u32 $0x1FF, v13;
	v61 =	vsub.s32 v55, v0  }
0x11d: {  	v62 =	vand.u32 $0x1FF, v55;
	vm0 =	vlt.u32 v6, $0x1388;
	v3 =	vadd.s32 $0x1388, v3  }
0x11e: {  	vm7 =	vlt.u32 v47, $0x1388;
	v4 =	vadd.s32 $0x1388, v4;
	v3 =	vsel vm0, v6, v3  }
0x11f: {  	vm8 =	vlt.u32 v9, $0x1388;
	v5 =	vadd.s32 $0x1388, v5;
	v4 =	vsel vm7, v47, v4;
	[tilespmem:$0x200] =	vst v3  }
0x120: {  	vm9 =	vlt.u32 v48, $0x1388;
	v7 =	vadd.s32 $0x1388, v7;
	v5 =	vsel vm8, v9, v5;
	[tilespmem:$0x210] =	vst v4  }
0x121: {  	vm10 =	vlt.u32 v49, $0x1388;
	v8 =	vadd.s32 $0x1388, v8;
	v6 =	vsel vm9, v48, v7;
	[tilespmem:$0x220] =	vst v5  }
0x122: {  	vm11 =	vlt.u32 v12, $0x1388;
	v52 =	vadd.s32 $0x1388, v51;
	v3 =	vsel vm10, v49, v8;
	[tilespmem:$0x230] =	vst v6  }
0x123: {  	vm12 =	vlt.u32 v53, $0x1388;
	v56 =	vadd.s32 $0x1388, v54;
	v4 =	vsel vm11, v12, v52;
	[tilespmem:$0x240] =	vst v3  }
0x124: {  	vm13 =	vlt.u32 v57, $0x1388;
	v5 =	vsel vm12, v53, v56;
	v3 =	vadd.s32 $0x1388, v58;
	[tilespmem:$0x250] =	vst v4  }
0x125: {  	vm14 =	vlt.u32 v59, $0x1388;
	[tilespmem:$0x260] =	vst v5;
	v4 =	vadd.s32 $0x1388, v60;
	v3 =	vsel vm13, v57, v3  }
0x126: {  	vm15 =	vlt.u32 v61, $0x1388;
	v63 =	vadd.s32 $0x1388, v62;
	[tilespmem:$0x270] =	vst v3;
	v3 =	vsel vm14, v59, v4  }
.Ltmp8:
0x127: {  	[tilespmem:$0x280] =	vst v3;
	v3 =	vsel vm15, v61, v63;
	(pc) =	sbr.rel .LBB2_11-.Ltmp8, $4  }
0x128: {  	s18 =	simm.s32 @!p1 $0xA0;
	s19 =	simm.s32 @!p1 $0x0;
	s9 =	simm.s32 @!p1 $0xA400;
	[tilespmem:$0x290] =	vst v3  }
0x129: {  	[spmem:s3] =	stream.indirect.scatter.add.f32 @!p1 [tilespmem:s9], [sflag:$0x5], $0x1, s19, s18, $0xb8;
	[tilespmem:$0x18A38] =	vst v63  }
0x12a: {  	_ = 	snop  }
0x12b: {  	[spmem:s2] =	stream.indirect.scatter.add.f32 [tilespmem:s25], [sflag:$0x3], $0x80, s10, s29, $0xb8;
	[tilespmem:$0x18A38] =	vst v63  }
.LBB2_13:
0x12c: {  	_ =	sfence.sel $0x180000  }
0x12d: {  	[bflag:$0x0] =	sbarrier.arrive $0xFFFF  }
0x12e: {  	_ =	strace $0x9000004A  }
0x12f: {  	s0 =	stileid.u32;
	[bflag:$0x2] =	sbarrier.arrive $0xFFFF  }
0x130: {  	p0 =	sne.s32 s0, $0x0;
	s0 =	rddreg [dreg:$0x5]  }
0x131: {  	s0 =	sadd.s32 @!p0 $0x100000, s0  }
0x132: {  	[sflag:s0] =	ssyncadd.tile.s32 @!p0 $0x1;
	_ =	shalt  }
.Lfunc_end2:
_tile_overlayer_lowered:
.L_overlay_start_2:
0x133: {  	(tag) =	ssettag $0x2  }
0x134: {  	s0 =	rddreg [dreg:$0x0];
	s2 =	stileid.u32  }
0x135: {  	s1 =	rddreg [dreg:$0x1];
	p0 =	sne.s32 s2, $0x0  }
0x136: {  	s3 =	rddreg [dreg:$0x2];
	[bflag:$0x3] =	sbarrier.arrive $0xFFFF;
	s2 =	simm.s32 @!p0 $0x1C07  }
0x137: {  	[timem:s3], [sflag:s2] =	dma.local @!p0 [hbm:s0], s1  }
0x138: {  	s0 =	simm.s32 @!p0 $0x7  }
0x139: {  	_ =	swait.ge @!p0 [sflag:s0], s1  }
0x13a: {  	s1 =	ssub.s32 @!p0 $0x0, s1;
	[sflag:s0] =	ssyncset.done @!p0 $0x0  }
0x13b: {  	[sflag:s0] =	ssyncadd.s32 @!p0 s1  }
0x13c: {  	[bflag:$0x3] =	sbarrier.arrive $0xFFFF  }
0x13d: {  	_ =	shalt  }

// kernel: kernel.7.cloned.1.call-start
scs
__scs_entry_jumppad:
0x0: {  	(pc) =	sbr.rel $0x88, $3  }
0x1: {  	(tag) =	ssettag $0x0;
	lr =	simm.s32 $0x1  }
0x2: {  	[smem:$0x3F8A] =	sst lr;
	_ =	strace $0xD0000000  }
0x3: {  	_ = 	snop  }
0x4: {  	_ = 	snop  }
0x5: {  	_ = 	snop  }
0x6: {  	_ = 	snop  }
0x7: {  	_ = 	snop  }
__scs_overlays_trampoline_lowered:
0x8: {  	[smem:$0x3F99] =	sst s0  }
0x9: {  	[smem:$0x3F9A] =	sst s1  }
0xa: {  	[smem:$0x3F9B] =	sst s2  }
0xb: {  	[smem:$0x3F9C] =	sst s3  }
0xc: {  	[smem:$0x3F9D] =	sst s4  }
0xd: {  	[smem:$0x3F9E] =	sst s5  }
0xe: {  	[smem:$0x3F9F] =	sst s6  }
0xf: {  	[smem:$0x3FA0] =	sst s7  }
0x10: {  	[smem:$0x3FA1] =	sst s8  }
0x11: {  	[smem:$0x3FA2] =	sst s9;
	s0 =	simm.s32 @!p0 $0x0  }
0x12: {  	s1 =	sld [smem:$0x3F88];
	s0 =	simm.s32 @p0 $0x1  }
0x13: {  	[smem:$0x3FA3] =	sst s0;
	s0 =	simm.s32 @!p1 $0x0  }
0x14: {  	s2 =	sld [smem:$0x3F87];
	s0 =	simm.s32 @p1 $0x1  }
0x15: {  	[smem:$0x3FA4] =	sst s0;
	s0 =	simm.s32 @!p2 $0x0  }
0x16: {  	s3 =	sld [smem:$0x3FDB];
	s0 =	simm.s32 @p2 $0x1  }
0x17: {  	s4 =	simm.s32 $0x1BF5;
	[smem:$0x3FA6] =	sst s0  }
0x18: {  	s0 =	sld [smem:$0x3F89];
	_ =	swait.ge [sflag:s4], $0x0  }
0x19: {  	s7 =	sld [smem:$0x3F8A]  }
0x1a: {  	s8 =	sadd.s32 $0xFFFFE003, lr  }
0x1b: {  	s9 =	sadd.s32 $0xFFFFFEF7, lr;
	s5 =	simm.s32 $0xFFFFFFFF;
	p2 =	slt.u32 s8, $0xFFFFF086  }
0x1c: {  	p1 =	slt.u32 s9, $0xF7A;
	s5 =	simm.s32 @!p2 $0x0  }
0x1d: {  	s5 =	simm.s32 @p1 $0x1;
	p0 =	seq.s32 s7, s2  }
0x1e: {  	s7 =	smul.u32 @!p0 $0xF7A, s2;
	p2 =	seq.s32 @!p0 s5, $0x0  }
0x1f: {  	s9 =	smul.u32 $0xF7A, s1;
	s8 =	simm.s32 @!p0 $0x1BF5;
	p2 =	por !p2, p0  }
0x20: {  	[sflag:s8] =	ssyncset.s32 @!p0 $0xFFFFF086;
	s6 =	sadd.s32 @!p0 s3, s7;
	s7 =	simm.s32 @!p0 $0x108  }
0x21: {  	s3 =	sadd.s32 s3, s9;
	s6 =	sadd.s32 @!p0 $0x88, s6;
	s7 =	simm.s32 @p2 $0x1082  }
0x22: {  	[simem:s7], [sflag:s8] =	dma.local @!p0 [hbm:s6], $0xF7A  }
0x23: {  	s9 =	sor.u32 $0xD0000000, s2;
	s6 =	simm.s32 $0x108;
	_ =	swait.ge @!p0 [sflag:s8], $0x0  }
0x24: {  	s3 =	sadd.s32 $0x88, s3;
	s6 =	simm.s32 @!p1 $0x1082;
	[sflag:s4] =	ssyncset.s32 $0xFFFFF086  }
0x25: {  	[simem:s6], [sflag:s4] =	dma.local [hbm:s3], $0xF7A  }
0x26: {  	[smem:$0x3F8A] =	sst s1;
	(tag) =	ssettag s2;
	_ =	strace s9  }
0x27: {  	s1 =	sld [smem:$0x3F9A]  }
0x28: {  	s2 =	sld [smem:$0x3F9B]  }
0x29: {  	s4 =	sld [smem:$0x3F9D]  }
0x2a: {  	p0 =	seq.s32 s5, $0x0;
	s5 =	sld [smem:$0x3F9E]  }
0x2b: {  	s6 =	sld [smem:$0x3F9F]  }
0x2c: {  	s7 =	sld [smem:$0x3FA0]  }
0x2d: {  	s3 =	simm.s32 $0x108;
	s8 =	sld [smem:$0x3FA1]  }
0x2e: {  	s3 =	simm.s32 @!p0 $0x1082;
	s9 =	sld [smem:$0x3FA2]  }
0x2f: {  	lr =	sadd.s32 s0, s3;
	s0 =	sld [smem:$0x3F99]  }
0x30: {  	s3 =	sld [smem:$0x3F9C]  }
0x31: {  	[smem:$0x3FA5] =	sst s10  }
0x32: {  	s10 =	sld [smem:$0x3FA3];
	_ =	sdelay $0x3  }
0x33: {  	p0 =	seq.s32 s10, $0x1;
	s10 =	sld [smem:$0x3FA5];
	_ =	sdelay $0x3  }
0x34: {  	[smem:$0x3FA5] =	sst s10  }
0x35: {  	s10 =	sld [smem:$0x3FA4];
	_ =	sdelay $0x3  }
0x36: {  	p1 =	seq.s32 s10, $0x1;
	s10 =	sld [smem:$0x3FA5];
	_ =	sdelay $0x3  }
0x37: {  	[smem:$0x3FA5] =	sst s10  }
0x38: {  	s10 =	sld [smem:$0x3FA6]  }
0x39: {  	_ = 	snop;
	(pc) =	sbr.ind lr, $3  }
0x3a: {  	_ = 	snop  }
0x3b: {  	_ = 	snop  }
0x3c: {  	p2 =	seq.s32 s10, $0x1;
	s10 =	sld [smem:$0x3FA5]  }
0x3d: {  	_ =	shalt  }
0x3e: {  	_ =	shalt  }
0x3f: {  	_ =	shalt  }
0x40: {  	_ =	shalt  }
0x41: {  	_ =	shalt  }
0x42: {  	_ =	shalt  }
0x43: {  	_ =	shalt  }
0x44: {  	_ =	shalt  }
0x45: {  	_ =	shalt  }
0x46: {  	_ =	shalt  }
0x47: {  	_ =	shalt  }
0x48: {  	_ =	shalt  }
0x49: {  	_ =	shalt  }
0x4a: {  	_ =	shalt  }
0x4b: {  	_ =	shalt  }
0x4c: {  	_ =	shalt  }
0x4d: {  	_ =	shalt  }
0x4e: {  	_ =	shalt  }
0x4f: {  	_ =	shalt  }
0x50: {  	_ =	shalt  }
0x51: {  	_ =	shalt  }
0x52: {  	_ =	shalt  }
0x53: {  	_ =	shalt  }
0x54: {  	_ =	shalt  }
0x55: {  	_ =	shalt  }
0x56: {  	_ =	shalt  }
0x57: {  	_ =	shalt  }
0x58: {  	_ =	shalt  }
0x59: {  	_ =	shalt  }
0x5a: {  	_ =	shalt  }
0x5b: {  	_ =	shalt  }
0x5c: {  	_ =	shalt  }
0x5d: {  	_ =	shalt  }
0x5e: {  	_ =	shalt  }
0x5f: {  	_ =	shalt  }
0x60: {  	_ =	shalt  }
0x61: {  	_ =	shalt  }
0x62: {  	_ =	shalt  }
0x63: {  	_ =	shalt  }
0x64: {  	_ =	shalt  }
0x65: {  	_ =	shalt  }
0x66: {  	_ =	shalt  }
0x67: {  	_ =	shalt  }
0x68: {  	_ =	shalt  }
0x69: {  	_ =	shalt  }
0x6a: {  	_ =	shalt  }
0x6b: {  	_ =	shalt  }
0x6c: {  	_ =	shalt  }
0x6d: {  	_ =	shalt  }
0x6e: {  	_ =	shalt  }
0x6f: {  	_ =	shalt  }
0x70: {  	_ =	shalt  }
0x71: {  	_ =	shalt  }
0x72: {  	_ =	shalt  }
0x73: {  	_ =	shalt  }
0x74: {  	_ =	shalt  }
0x75: {  	_ =	shalt  }
0x76: {  	_ =	shalt  }
0x77: {  	_ =	shalt  }
0x78: {  	_ =	shalt  }
0x79: {  	_ =	shalt  }
0x7a: {  	_ =	shalt  }
0x7b: {  	_ =	shalt  }
0x7c: {  	_ =	shalt  }
0x7d: {  	_ =	shalt  }
0x7e: {  	_ =	shalt  }
0x7f: {  	_ =	shalt  }
0x80: {  	_ =	shalt  }
0x81: {  	_ =	shalt  }
0x82: {  	_ =	shalt  }
0x83: {  	_ =	shalt  }
0x84: {  	_ =	shalt  }
0x85: {  	_ =	shalt  }
0x86: {  	_ =	shalt  }
0x87: {  	_ =	shalt  }
.Lfunc_end0:
.L_simem_size_0:
called_computation_lowered:
.L_overlay_start_0:
0x88: {  	s2 =	sld [smem:$0x3FD9]  }
0x89: {  	s3 =	sld [smem:$0x3FFE];
	_ =	sdelay $0x1  }
0x8a: {  	s1 =	srdreg.scid  }
0x8b: {  	s0 =	sand.u32 $0x1, s1  }
0x8c: {  	s14 =	sshll.u32 s0, $0xA;
	s2 =	sadd.s32 s3, s2  }
0x8d: {  	s2 =	sadd.s32 s2, s14  }
0x8e: {  	[smem:$0x3FB1] =	sst s2  }
0x8f: {  	_ = 	snop  }
0x90: {  	s2 =	sld [smem:$0x3FD0];
	_ =	sdelay $0x2  }
0x91: {  	s15 =	simm.s32 $0xA;
	s4 =	simm.s32 $0x10  }
0x92: {  	[smem:s4], [sflag:s15] =	dma.local [hbm:s2], $0x1  }
0x93: {  	_ =	swait.eq [sflag:s15], $0x1  }
0x94: {  	[sflag:s15] =	ssyncset.done $0x0  }
0x95: {  	s16 =	sld [smem:$0x10];
	[sflag:s15] =	ssyncadd.s32 $0xFFFFFFFF  }
0x96: {  	s17 =	sld [smem:$0x11];
	(tm) =	ssettm $0x1  }
0x97: {  	s18 =	sld [smem:$0x3FFB];
	_ =	sdelay $0x3  }
0x98: {  	_ =	strace s18  }
0x99: {  	s4 =	sld [smem:$0x3FFC];
	_ =	sdelay $0x3  }
0x9a: {  	_ =	strace s4  }
0x9b: {  	s4 =	sld [smem:$0x3FFD];
	_ =	sdelay $0x3  }
0x9c: {  	_ =	strace s4  }
0x9d: {  	_ =	strace $0x8FFFFFFF  }
0x9e: {  	s19 =	sld [smem:$0x3FDB];
	_ =	sdelay $0x1  }
0x9f: {  	s5 =	simm.s32 $_scs_section_size  }
0xa0: {  	s6 =	simm.s32 $_size__tile_overlayer_lowered;
	s7 =	simm.s32 $_tile_overlayer_lowered  }
0xa1: {  	s22 =	simm.s32 $0x1BFF;
	s21 =	sshll.u32 s7, $0x1;
	s4 =	sadd.s32 s5, s19  }
0xa2: {  	s8 =	simm.s32 $0x0;
	s20 =	sshll.u32 s6, $0x1;
	s6 =	sadd.s32 s21, s4  }
0xa3: {  	[timem:s8], [sflag:s22] =	dma.local [hbm:s6], s20  }
0xa4: {  	_ =	swait.ge [sflag:s22], s20  }
0xa5: {  	s5 =	ssub.s32 $0x0, s20;
	[sflag:s22] =	ssyncset.done $0x0  }
0xa6: {  	[sflag:s22] =	ssyncadd.s32 s5;
	_ =	sdelay $0x1  }
0xa7: {  	s23 =	simm.s32 $0x1B8B  }
0xa8: {  	_ =	swait.ge [sflag:s23], $0x1  }
0xa9: {  	[sflag:s23] =	ssyncset.done $0x0  }
0xaa: {  	s25 =	simm.s32 $0x1B8E;
	s24 =	sld [smem:$0x3FFE];
	[sflag:s23] =	ssyncadd.s32 $0xFFFFFFFF  }
0xab: {  	s26 =	simm.s32 $execute0_lowered;
	[smem:$0x3FD2] =	sst s25  }
0xac: {  	s6 =	sshll.u32 s26, $0x1;
	_ =	strace $0x80000046;
	[dreg:$0x1] =	wrdreg $0xFFFFFFFF  }
0xad: {  	s28 =	simm.s32 $_size_execute0_lowered;
	s4 =	sadd.s32 s4, s6;
	[dreg:$0x0] =	wrdreg $0x0  }
0xae: {  	s6 =	sshll.u32 s28, $0x1;
	[dreg:$0x2] =	wrdreg s4  }
0xaf: {  	[dreg:$0x3] =	wrdreg s6  }
0xb0: {  	[dreg:$0x4] =	wrdreg $0xC0  }
0xb1: {  	_ =	task [dreg:s8], $0x5FFFF  }
0xb2: {  	[dreg:$0x1] =	wrdreg $0xFFFFFFFF  }
0xb3: {  	[dreg:$0x0] =	wrdreg $0x60  }
0xb4: {  	[dreg:$0x2] =	wrdreg s16  }
0xb5: {  	[dreg:$0x3] =	wrdreg s17  }
0xb6: {  	[dreg:$0x4] =	wrdreg s24  }
0xb7: {  	[dreg:$0x5] =	wrdreg $0x9  }
0xb8: {  	_ =	task.clear_ibuf [dreg:s8], $0x6FFFF;
	_ =	strace $0x90000046  }
0xb9: {  	s29 =	simm.s32 $0x9;
	_ =	strace $0x80000048  }
0xba: {  	_ =	swait.ge [sflag:s29], $0x1  }
0xbb: {  	[sflag:s29] =	ssyncadd.s32 $0xFFFFFFFF  }
0xbc: {  	_ =	strace $0x90000048  }
0xbd: {  	_ =	sfence  }
0xbe: {  	s30 =	sld [smem:$0x0];
	_ =	sdelay $0x2  }
0xbf: {  	s31 =	sshll.u32 s1, $0xD;
	s1 =	sshrl.u32 s1, $0x2  }
0xc0: {  	s3 =	sand.u32 $0x4000, s31;
	s1 =	sadd.s32 s1, s30  }
0xc1: {  	s0 =	sor.u32 s3, s0;
	s1 =	sshll.u32 s1, $0x11  }
0xc2: {  	s0 =	sor.u32 s1, s0  }
0xc3: {  	s0 =	sadd.s32 $0x8F2B, s0  }
0xc4: {  	[sflag:s0] =	ssyncadd.remote.s32 $0x1  }
0xc5: {  	_ =	sfence.sel $0xFFFF  }
0xc6: {  	[dreg:$0x0] =	wrdreg $0xFFFFFFFF;
	(pc) =	sbr.abs _section_cstart, $3  }
0xc7: {  	[dreg:$0x1] =	wrdreg $0xFFFFFFFF  }
0xc8: {  	_ =	task.clear_ibuf [dreg:s8], $0x2FFFF;
	_ =	strace $0x9FFFFFFF  }
0xc9: {  	(tm) =	ssettm $0x7FFFFFFF  }
tec
execute0_lowered:
.L_overlay_start_1:
0x0: {  	(tag) =	ssettag $0x1  }
0x1: {  	s1 =	rddreg [dreg:$0x0]  }
0x2: {  	s3 =	rddreg [dreg:$0x1];
	s2 =	srdreg.scid  }
0x3: {  	s0 =	stileid.u32;
	s8 =	rddreg [dreg:$0x2]  }
0x4: {  	s4 =	simm.s32 $0x0;
	s13 =	simm.s32 $0x5;
	s14 =	simm.s32 $0x200  }
0x5: {  	s15 =	simm.s32 $0xC8;
	s16 =	simm.s32 $0x400;
	s18 =	simm.s32 $0x100  }
0x6: {  	s19 =	simm.s32 $0x6;
	s20 =	simm.s32 $0x300;
	s21 =	simm.s32 $0x6800  }
0x7: {  	s22 =	simm.s32 $0x13000;
	s23 =	simm.s32 $0x1;
	s24 =	simm.s32 $0x3  }
0x8: {  	s25 =	simm.s32 $0x2;
	s26 =	simm.s32 $0x4;
	s28 =	simm.s32 $0x0  }
0x9: {  	s2 =	sand.u32 $0x1, s2;
	s5 =	sshll.u32 s0, $0x1;
	[smem:$0x7FF] =	sst s4  }
.Ltmp0:
0xa: {  	s6 =	sadd.s32 $0xF400, s8;
	s5 =	sor.u32 s2, s5;
	(pc) =	sbr.rel .LBB2_1-.Ltmp0, $4  }
0xb: {  	s7 =	sadd.s32 $0x5600, s8;
	s2 =	ssub.s32 $0x2, s2;
	s5 =	smul.u32 $0x2710, s5  }
0xc: {  	s8 =	sadd.s32 $0x19200, s8;
	_ =	strace $0x80000047;
	s9 =	sshrl.u32 s2, $0x1  }
0xd: {  	s2 =	ssub.s32 s2, s9;
	s10 =	sshrl.u32 s5, $0x3;
	s11 =	sadd.s32 $0xC8, s5  }
0xe: {  	s12 =	smax.u32 s2, $0x1;
	s9 =	sadd.s32 s6, s10;
	s10 =	sadd.s32 s7, s10  }
.LBB2_10:
0xf: {  	s28 =	sadd.s32 $0x1, s28  }
0x10: {  	p0 =	sne.s32 s28, s12  }
.Ltmp1:
0x11: {  	_ = 	snop;
	(pc) =	sbr.rel @!p0 .LBB2_11-.Ltmp1, $1  }
0x12: {  	_ =	sdelay $0x3  }
.LBB2_1:
0x13: {  	[tilespmem:s4], [sflag:$0x5] =	stream.linear.gather [hbm4b:s9+s4], $0xC8, $0x38;
	[tilespmem:$0x19400] =	vst v63  }
0x14: {  	_ =	swait.ge [sflag:s13], $0xC8  }
0x15: {  	[sflag:s13] =	ssyncset.done $0x0  }
0x16: {  	[sflag:s13] =	ssyncadd.s32 $0xFFFFFF38  }
0x17: {  	[tilespmem:s14], [sflag:$0x5] =	stream.linear.gather [hbm4b:s10+s4], $0xC8, $0x38;
	[tilespmem:$0x19400] =	vst v63  }
0x18: {  	_ =	swait.ge [sflag:s13], $0xC8  }
.Ltmp2:
0x19: {  	[sflag:s13] =	ssyncset.done $0x0;
	(pc) =	sbr.rel .LBB2_2-.Ltmp2, $4  }
0x1a: {  	[sflag:s13] =	ssyncadd.s32 $0xFFFFFF38  }
0x1b: {  	[tilespmem:s16], [sflag:$0x1] =	stream.indirect.gather [hbm4b:s1+s15], $0x80, s4, s15, $0xb8;
	[tilespmem:$0x19400] =	vst v63  }
0x1c: {  	s0 =	simm.s32 $0xCC00;
	s29 =	simm.s32 $0x0  }
0x1d: {  	[tilespmem:s0], [sflag:$0x3] =	stream.indirect.gather [hbm4b:s3+s15], $0x80, s14, s15, $0xb8;
	[tilespmem:$0x19400] =	vst v63  }
.LBB2_8:
0x1e: {  	[tilespmem:s31+$0x6800] =	vst v12;
	v5 =	vadd.f32 v5, v10;
	v63 =	vld [tilespmem:s31+$0x6870]  }
0x1f: {  	[tilespmem:s31+$0x6810] =	vst v11;
	v4 =	vadd.f32 v4, v9  }
0x20: {  	v3 =	vadd.f32 v3, v8;
	[tilespmem:s31+$0x6820] =	vst v5  }
0x21: {  	v2 =	vadd.f32 v2, v6;
	[tilespmem:s31+$0x6830] =	vst v4  }
0x22: {  	v1 =	vadd.f32 v1, v7;
	[tilespmem:s31+$0x6840] =	vst v3  }
0x23: {  	s0 =	sadd.s32 s5, s30;
	[tilespmem:s31+$0x6850] =	vst v2;
	v0 =	vadd.f32 v0, v63  }
0x24: {  	s0 =	sshll.u32 s0, $0x4;
	[tilespmem:s31+$0x6860] =	vst v1  }
0x25: {  	s2 =	simm.s32 $0x5;
	s0 =	sadd.s32 s8, s0;
	[tilespmem:s31+$0x6870] =	vst v0  }
0x26: {  	[hbm4b:s0+s4] =	stream.linear.scatter [tilespmem:s21], [sflag:$0x5], $0x6400, $0x38;
	[tilespmem:$0x19400] =	vst v63  }
.LBB2_9:
0x27: {  	s29 =	sadd.s32 $0x1, s29  }
0x28: {  	p0 =	sne.s32 s29, $0x32  }
.Ltmp3:
0x29: {  	_ = 	snop;
	(pc) =	sbr.rel @!p0 .LBB2_10-.Ltmp3, $4  }
0x2a: {  	_ = 	snop  }
0x2b: {  	_ =	swait.ge [sflag:s2], $0x6400  }
0x2c: {  	[sflag:s2] =	ssyncset.done $0x0  }
0x2d: {  	[sflag:s2] =	ssyncadd.s32 $0xFFFF9C00  }
.LBB2_2:
0x2e: {  	s2 =	sand.u32 $0x1, s29  }
0x2f: {  	p0 =	seq.s32 s2, $0x1  }
.Ltmp4:
0x30: {  	_ = 	snop;
	(pc) =	sbr.rel @p0 .LBB2_6-.Ltmp4, $2  }
0x31: {  	_ =	sdelay $0x2  }
0x32: {  	s30 =	smul.u32 $0xC8, s29  }
0x33: {  	_ = 	snop  }
0x34: {  	s2 =	sadd.s32 s30, s11  }
0x35: {  	s2 =	sshrl.u32 s2, $0x3  }
0x36: {  	s0 =	simm.s32 $0x0;
	s31 =	sadd.s32 s6, s2  }
0x37: {  	[tilespmem:s18], [sflag:$0x6] =	stream.linear.gather [hbm4b:s31+s0], $0xC8, $0x38;
	[tilespmem:$0x19400] =	vst v63  }
0x38: {  	_ =	swait.ge [sflag:s19], $0xC8  }
0x39: {  	[sflag:s19] =	ssyncset.done $0x0  }
0x3a: {  	s2 =	sadd.s32 s7, s2;
	[sflag:s19] =	ssyncadd.s32 $0xFFFFFF38  }
0x3b: {  	[tilespmem:s20], [sflag:$0x6] =	stream.linear.gather [hbm4b:s2+s0], $0xC8, $0x38;
	[tilespmem:$0x19400] =	vst v63  }
0x3c: {  	_ =	swait.ge [sflag:s19], $0xC8  }
0x3d: {  	[sflag:s19] =	ssyncset.done $0x0  }
0x3e: {  	[sflag:s19] =	ssyncadd.s32 $0xFFFFFF38  }
0x3f: {  	[tilespmem:s21], [sflag:$0x2] =	stream.indirect.gather [hbm4b:s1+s15], $0x80, s18, s15, $0xb8;
	[tilespmem:$0x19400] =	vst v63  }
0x40: {  	_ = 	snop  }
0x41: {  	[tilespmem:s22], [sflag:$0x4] =	stream.indirect.gather [hbm4b:s3+s15], $0x80, s20, s15, $0xb8;
	[tilespmem:$0x19400] =	vst v63  }
0x42: {  	_ =	swait.ge [sflag:s23], $0x6400  }
0x43: {  	[sflag:s23] =	ssyncset.done $0x0  }
0x44: {  	[sflag:s23] =	ssyncadd.s32 $0xFFFF9C00  }
0x45: {  	_ =	swait.ge [sflag:s24], $0x6400  }
0x46: {  	[sflag:s24] =	ssyncset.done $0x0  }
0x47: {  	s31 =	simm.s32 $0x0;
	[sflag:s24] =	ssyncadd.s32 $0xFFFF9C00  }
0x48: {  	v7 =	vld [tilespmem:s31+$0xCC00]  }
0x49: {  	v11 =	vld [tilespmem:s31+$0xCC10]  }
0x4a: {  	v5 =	vld [tilespmem:s31+$0xCC20]  }
0x4b: {  	v4 =	vld [tilespmem:s31+$0xCC30]  }
0x4c: {  	v3 =	vld [tilespmem:s31+$0xCC40]  }
0x4d: {  	v2 =	vld [tilespmem:s31+$0xCC50]  }
0x4e: {  	v1 =	vld [tilespmem:s31+$0xCC60]  }
0x4f: {  	v0 =	vld [tilespmem:s31+$0xCC70]  }
0x50: {  	v12 =	vld [tilespmem:s31+$0x400]  }
0x51: {  	v13 =	vld [tilespmem:s31+$0x410]  }
0x52: {  	v10 =	vld [tilespmem:s31+$0x420]  }
0x53: {  	v9 =	vld [tilespmem:s31+$0x430]  }
0x54: {  	v8 =	vld [tilespmem:s31+$0x440]  }
0x55: {  	v6 =	vld [tilespmem:s31+$0x450];
	v12 =	vadd.f32 v7, v12  }
0x56: {  	s2 =	simm.s32 $0x200;
	v11 =	vadd.f32 v11, v13;
	v7 =	vld [tilespmem:s31+$0x460]  }
.LBB2_4:
0x57: {  	s0 =	sshra.s32 s2, $0x2;
	p0 =	sne.s32 s2, $0x18E00;
	[tilespmem:s31+$0x400] =	vst v12;
	v5 =	vadd.f32 v5, v10;
	v10 =	vld [tilespmem:s31+$0x470]  }
0x58: {  	v12 =	vld [tilespmem:s0+$0xCC00];
	[tilespmem:s31+$0x410] =	vst v11;
	v4 =	vadd.f32 v4, v9  }
0x59: {  	v11 =	vld [tilespmem:s0+$0xCC10];
	[tilespmem:s31+$0x420] =	vst v5;
	v3 =	vadd.f32 v3, v8  }
0x5a: {  	v5 =	vld [tilespmem:s0+$0xCC20];
	[tilespmem:s31+$0x430] =	vst v4;
	v2 =	vadd.f32 v2, v6  }
0x5b: {  	v4 =	vld [tilespmem:s0+$0xCC30];
	[tilespmem:s31+$0x440] =	vst v3;
	v1 =	vadd.f32 v1, v7  }
0x5c: {  	v3 =	vld [tilespmem:s0+$0xCC40];
	[tilespmem:s31+$0x450] =	vst v2;
	v0 =	vadd.f32 v0, v10  }
0x5d: {  	v2 =	vld [tilespmem:s0+$0xCC50];
	[tilespmem:s31+$0x460] =	vst v1  }
0x5e: {  	v1 =	vld [tilespmem:s0+$0xCC60];
	[tilespmem:s31+$0x470] =	vst v0;
	s31 =	smov.u32 s0  }
0x5f: {  	v0 =	vld [tilespmem:s31+$0xCC70]  }
0x60: {  	v6 =	vld [tilespmem:s31+$0x400]  }
0x61: {  	v7 =	vld [tilespmem:s31+$0x410]  }
.Ltmp5:
0x62: {  	v10 =	vld [tilespmem:s31+$0x420];
	(pc) =	sbr.rel @p0 .LBB2_4-.Ltmp5, $4  }
0x63: {  	v9 =	vld [tilespmem:s31+$0x430]  }
0x64: {  	v8 =	vld [tilespmem:s31+$0x440]  }
0x65: {  	v12 =	vadd.f32 v12, v6;
	v6 =	vld [tilespmem:s31+$0x450]  }
0x66: {  	s2 =	sadd.s32 $0x200, s2;
	v11 =	vadd.f32 v11, v7;
	v7 =	vld [tilespmem:s31+$0x460]  }
0x67: {  	[tilespmem:s31+$0x400] =	vst v12;
	v5 =	vadd.f32 v5, v10;
	v63 =	vld [tilespmem:s31+$0x470]  }
0x68: {  	[tilespmem:s31+$0x410] =	vst v11;
	v4 =	vadd.f32 v4, v9  }
0x69: {  	[tilespmem:s31+$0x420] =	vst v5;
	v3 =	vadd.f32 v3, v8  }
0x6a: {  	[tilespmem:s31+$0x430] =	vst v4;
	v2 =	vadd.f32 v2, v6  }
.Ltmp6:
0x6b: {  	[tilespmem:s31+$0x440] =	vst v3;
	v1 =	vadd.f32 v1, v7;
	(pc) =	sbr.rel .LBB2_9-.Ltmp6, $4  }
0x6c: {  	s0 =	sadd.s32 s5, s30;
	[tilespmem:s31+$0x450] =	vst v2;
	v0 =	vadd.f32 v0, v63  }
0x6d: {  	s0 =	sshll.u32 s0, $0x4;
	[tilespmem:s31+$0x460] =	vst v1  }
0x6e: {  	s2 =	simm.s32 $0x6;
	s0 =	sadd.s32 s8, s0;
	[tilespmem:s31+$0x470] =	vst v0  }
0x6f: {  	[hbm4b:s0+s4] =	stream.linear.scatter [tilespmem:s16], [sflag:$0x6], $0x6400, $0x38;
	[tilespmem:$0x19400] =	vst v63  }
.LBB2_6:
0x70: {  	p0 =	seq.s32 s29, $0x31  }
0x71: {  	s0 =	smul.u32 @!p0 $0xC8, s29;
	_ =	sdelay $0x1  }
0x72: {  	s0 =	sadd.s32 @!p0 s0, s11  }
0x73: {  	s0 =	sshrl.u32 @!p0 s0, $0x3  }
0x74: {  	s31 =	simm.s32 @!p0 $0x0;
	s2 =	sadd.s32 @!p0 s6, s0  }
0x75: {  	[tilespmem:s31], [sflag:$0x6] =	stream.linear.gather @!p0 [hbm4b:s2+s31], $0xC8, $0x38;
	[tilespmem:$0x19400] =	vst v63  }
0x76: {  	s2 =	simm.s32 @!p0 $0x6  }
0x77: {  	_ =	swait.ge @!p0 [sflag:s2], $0xC8  }
0x78: {  	[sflag:s2] =	ssyncset.done @!p0 $0x0  }
0x79: {  	s17 =	simm.s32 @!p0 $0x200;
	s0 =	sadd.s32 @!p0 s7, s0;
	[sflag:s2] =	ssyncadd.s32 @!p0 $0xFFFFFF38  }
0x7a: {  	[tilespmem:s17], [sflag:$0x6] =	stream.linear.gather @!p0 [hbm4b:s0+s31], $0xC8, $0x38;
	[tilespmem:$0x19400] =	vst v63  }
0x7b: {  	_ =	swait.ge @!p0 [sflag:s2], $0xC8  }
0x7c: {  	[sflag:s2] =	ssyncset.done @!p0 $0x0  }
0x7d: {  	s0 =	simm.s32 @!p0 $0xC8;
	[sflag:s2] =	ssyncadd.s32 @!p0 $0xFFFFFF38;
	s2 =	simm.s32 @!p0 $0x400  }
0x7e: {  	[tilespmem:s2], [sflag:$0x1] =	stream.indirect.gather @!p0 [hbm4b:s1+s0], $0x80, s31, s0, $0xb8;
	[tilespmem:$0x19400] =	vst v63  }
0x7f: {  	s2 =	simm.s32 @!p0 $0xCC00  }
0x80: {  	[tilespmem:s2], [sflag:$0x3] =	stream.indirect.gather @!p0 [hbm4b:s3+s0], $0x80, s17, s0, $0xb8;
	[tilespmem:$0x19400] =	vst v63  }
0x81: {  	_ =	swait.ge [sflag:s25], $0x6400  }
0x82: {  	[sflag:s25] =	ssyncset.done $0x0  }
0x83: {  	[sflag:s25] =	ssyncadd.s32 $0xFFFF9C00  }
0x84: {  	_ =	swait.ge [sflag:s26], $0x6400  }
0x85: {  	[sflag:s26] =	ssyncset.done $0x0  }
0x86: {  	s31 =	simm.s32 $0x0;
	[sflag:s26] =	ssyncadd.s32 $0xFFFF9C00  }
0x87: {  	v7 =	vld [tilespmem:s31+$0x13000]  }
0x88: {  	v11 =	vld [tilespmem:s31+$0x13010]  }
0x89: {  	v5 =	vld [tilespmem:s31+$0x13020]  }
0x8a: {  	v4 =	vld [tilespmem:s31+$0x13030]  }
0x8b: {  	v3 =	vld [tilespmem:s31+$0x13040]  }
0x8c: {  	v2 =	vld [tilespmem:s31+$0x13050]  }
0x8d: {  	v1 =	vld [tilespmem:s31+$0x13060]  }
0x8e: {  	v0 =	vld [tilespmem:s31+$0x13070]  }
0x8f: {  	v12 =	vld [tilespmem:s31+$0x6800]  }
0x90: {  	v13 =	vld [tilespmem:s31+$0x6810]  }
0x91: {  	v10 =	vld [tilespmem:s31+$0x6820]  }
0x92: {  	v9 =	vld [tilespmem:s31+$0x6830]  }
0x93: {  	v8 =	vld [tilespmem:s31+$0x6840]  }
0x94: {  	v6 =	vld [tilespmem:s31+$0x6850];
	v12 =	vadd.f32 v7, v12  }
0x95: {  	s2 =	simm.s32 $0x200;
	v11 =	vadd.f32 v11, v13;
	v7 =	vld [tilespmem:s31+$0x6860]  }
.LBB2_7:
0x96: {  	s0 =	sshra.s32 s2, $0x2;
	p0 =	sne.s32 s2, $0x18E00;
	[tilespmem:s31+$0x6800] =	vst v12;
	v5 =	vadd.f32 v5, v10;
	v10 =	vld [tilespmem:s31+$0x6870]  }
0x97: {  	v4 =	vadd.f32 v4, v9;
	v12 =	vld [tilespmem:s0+$0x13000];
	[tilespmem:s31+$0x6810] =	vst v11  }
0x98: {  	v3 =	vadd.f32 v3, v8;
	v11 =	vld [tilespmem:s0+$0x13010];
	[tilespmem:s31+$0x6820] =	vst v5  }
0x99: {  	v2 =	vadd.f32 v2, v6;
	v5 =	vld [tilespmem:s0+$0x13020];
	[tilespmem:s31+$0x6830] =	vst v4  }
0x9a: {  	v1 =	vadd.f32 v1, v7;
	v4 =	vld [tilespmem:s0+$0x13030];
	[tilespmem:s31+$0x6840] =	vst v3  }
0x9b: {  	v3 =	vld [tilespmem:s0+$0x13040];
	[tilespmem:s31+$0x6850] =	vst v2;
	v0 =	vadd.f32 v0, v10  }
0x9c: {  	v2 =	vld [tilespmem:s0+$0x13050];
	[tilespmem:s31+$0x6860] =	vst v1  }
0x9d: {  	v1 =	vld [tilespmem:s0+$0x13060];
	[tilespmem:s31+$0x6870] =	vst v0;
	s31 =	smov.u32 s0  }
0x9e: {  	v0 =	vld [tilespmem:s31+$0x13070]  }
0x9f: {  	v6 =	vld [tilespmem:s31+$0x6800]  }
0xa0: {  	v7 =	vld [tilespmem:s31+$0x6810]  }
.Ltmp7:
0xa1: {  	v10 =	vld [tilespmem:s31+$0x6820];
	(pc) =	sbr.rel @p0 .LBB2_7-.Ltmp7, $4  }
0xa2: {  	v9 =	vld [tilespmem:s31+$0x6830]  }
0xa3: {  	v8 =	vld [tilespmem:s31+$0x6840]  }
0xa4: {  	v12 =	vadd.f32 v12, v6;
	v6 =	vld [tilespmem:s31+$0x6850]  }
0xa5: {  	s2 =	sadd.s32 $0x200, s2;
	v11 =	vadd.f32 v11, v7;
	v7 =	vld [tilespmem:s31+$0x6860]  }
.Ltmp8:
0xa6: {  	_ = 	snop;
	(pc) =	sbr.rel .LBB2_8-.Ltmp8, $1  }
0xa7: {  	_ =	sdelay $0x3  }
.LBB2_11:
0xa8: {  	_ =	sfence.sel $0x180000  }
0xa9: {  	[bflag:$0x0] =	sbarrier.arrive $0xFFFF  }
0xaa: {  	_ =	strace $0x90000047  }
0xab: {  	s0 =	stileid.u32;
	[bflag:$0x2] =	sbarrier.arrive $0xFFFF  }
0xac: {  	p0 =	sne.s32 s0, $0x0;
	s0 =	rddreg [dreg:$0x3]  }
0xad: {  	s0 =	sadd.s32 @!p0 $0x100000, s0  }
0xae: {  	[sflag:s0] =	ssyncadd.tile.s32 @!p0 $0x1;
	_ =	shalt  }
.Lfunc_end2:
_tile_overlayer_lowered:
.L_overlay_start_2:
0xaf: {  	(tag) =	ssettag $0x2  }
0xb0: {  	s0 =	rddreg [dreg:$0x0];
	s2 =	stileid.u32  }
0xb1: {  	s1 =	rddreg [dreg:$0x1];
	p0 =	sne.s32 s2, $0x0  }
0xb2: {  	s3 =	rddreg [dreg:$0x2];
	[bflag:$0x3] =	sbarrier.arrive $0xFFFF;
	s2 =	simm.s32 @!p0 $0x1C05  }
0xb3: {  	[timem:s3], [sflag:s2] =	dma.local @!p0 [hbm:s0], s1  }
0xb4: {  	s0 =	simm.s32 @!p0 $0x5  }
0xb5: {  	_ =	swait.ge @!p0 [sflag:s0], s1  }
0xb6: {  	s1 =	ssub.s32 @!p0 $0x0, s1;
	[sflag:s0] =	ssyncset.done @!p0 $0x0  }
0xb7: {  	[sflag:s0] =	ssyncadd.s32 @!p0 s1  }
0xb8: {  	[bflag:$0x3] =	sbarrier.arrive $0xFFFF  }
0xb9: {  	_ =	shalt  }

</sc_bundles>
